<compile_context>
chip_gen: v7x
topology: tpu7x:2x2x1
jax: 0.10.2.dev20260603
libtpu: 0.0.44.dev20260713+nightly
codegen_flags: <defaults>
</compile_context>

<pallas_src>
import functools

import jax
import jax.numpy as jnp
from jax import lax
from jax.experimental import pallas as pl
from jax.experimental.pallas import tpu as pltpu
from jax.experimental.pallas import tpu_sc as plsc

_K = 4
_SC_BINS = 1024
_N_SC = 25600
_RB = 16




def _counts_body(x_hbm, out_ref, bufs, sems):
    s = pl.program_id(0)
    nb = pl.num_programs(0)
    K, R, C = bufs.shape
    slot = lax.rem(s, K)

    @pl.when(s == 0)
    def _prologue():
        for k in range(K):
            pltpu.make_async_copy(
                x_hbm.at[pl.ds(k * R, R), :], bufs.at[k], sems.at[k]
            ).start()

    pltpu.make_async_copy(
        x_hbm.at[pl.ds(s * R, R), :], bufs.at[slot], sems.at[slot]
    ).wait()
    xb = bufs[slot]
    m = jnp.max(xb, axis=1, keepdims=True)
    iota = lax.broadcasted_iota(jnp.int32, (R, C), 1).astype(jnp.float32)
    cand = jnp.where(xb == m, iota, jnp.float32(C))
    vote = jnp.min(cand, axis=1, keepdims=True)
    fo = (iota == vote).astype(jnp.bfloat16)
    ones = jnp.ones((1, R), jnp.bfloat16)
    cnt = lax.dot_general(
        ones, fo, (((1,), (0,)), ((), ())),
        preferred_element_type=jnp.float32,
    )

    @pl.when(s == 0)
    def _init():
        out_ref[...] = cnt

    @pl.when(s > 0)
    def _acc():
        out_ref[...] += cnt

    nxt = s + K

    @pl.when(nxt < nb)
    def _issue_next():
        pltpu.make_async_copy(
            x_hbm.at[pl.ds(nxt * R, R), :], bufs.at[slot], sems.at[slot]
        ).start()


def _tc_counts(x, n_head):
    N, C = x.shape
    R = 1000 if n_head % 1000 == 0 else (800 if n_head % 800 == 0 else n_head)
    grid = n_head // R
    ring = min(_K, grid)
    return pl.pallas_call(
        _counts_body,
        grid=(grid,),
        in_specs=[pl.BlockSpec(memory_space=pltpu.HBM)],
        out_specs=pl.BlockSpec((1, C), lambda i: (0, 0)),
        out_shape=jax.ShapeDtypeStruct((1, C), jnp.float32),
        scratch_shapes=[
            pltpu.VMEM((ring, R, C), jnp.float32),
            pltpu.SemaphoreType.DMA((ring,)),
        ],
    )(x)




def _sc_body(n_tail, x_hbm, out_hbm, xbuf, xbuf2, votes_v, ones_v, hist_v,
             hist_sh, sem0, sem1):
    C = x_hbm.shape[1]
    c = lax.axis_index("c")
    s = lax.axis_index("s")
    wid = s * 2 + c
    W = votes_v.shape[0]
    RB = xbuf.shape[0]
    row0 = x_hbm.shape[0] - n_tail + wid * W
    nblocks = W // RB
    nfull = C // 16
    lane_i = lax.iota(jnp.int32, 16)
    lane = lane_i.astype(jnp.float32)
    neg = jnp.full((16,), -3.4e38, jnp.float32)
    rem = C - nfull * 16

    def _row_argmax(buf, r):
        q = nfull // 4
        starts = [0, q, 2 * q, 3 * q]
        ends = [q, 2 * q, 3 * q, nfull]
        bests, idxs = [], []
        for ci in range(4):
            b0 = buf[r, pl.ds(starts[ci] * 16, 16)]
            i0 = lane + jnp.float32(starts[ci] * 16)
            for cc in range(starts[ci] + 1, ends[ci]):
                v = buf[r, pl.ds(cc * 16, 16)]
                iv = lane + jnp.float32(cc * 16)
                upd = v > b0
                b0 = jnp.maximum(b0, v)
                i0 = jnp.where(upd, iv, i0)
            bests.append(b0)
            idxs.append(i0)
        if rem:
            v = buf[r, pl.ds(C - 16, 16)]
            iv = lane + jnp.float32(C - 16)
            upd = v > bests[3]
            bests[3] = jnp.maximum(bests[3], v)
            idxs[3] = jnp.where(upd, iv, idxs[3])
        u1 = bests[1] > bests[0]
        bA = jnp.maximum(bests[0], bests[1])
        iA = jnp.where(u1, idxs[1], idxs[0])
        u2 = bests[3] > bests[2]
        bB = jnp.maximum(bests[2], bests[3])
        iB = jnp.where(u2, idxs[3], idxs[2])
        u3 = bB > bA
        best = jnp.maximum(bA, bB)
        bidx = jnp.where(u3, iB, iA)
        m = jnp.max(best)
        cands = jnp.where(best == m, bidx, jnp.float32(C))
        return jnp.min(cands)

    def _start(b, buf, sem):
        pltpu.make_async_copy(
            x_hbm.at[pl.ds(row0 + b * RB, RB), :], buf, sem).start()

    def _wait(b, buf, sem):
        pltpu.make_async_copy(
            x_hbm.at[pl.ds(row0 + b * RB, RB), :], buf, sem).wait()

    def _block(b, buf, acc):
        def _row(r, acc):
            vote = _row_argmax(buf, r)
            j = lax.rem(r, 16)
            mask = lax.iota(jnp.int32, 16) == j
            acc = jnp.where(mask, jnp.full((16,), 1, jnp.float32) * vote, acc)

            @pl.when(j == 15)
            def _store():
                g = lax.div(r, 16)
                votes_v[pl.ds(b * RB + g * 16, 16)] = acc.astype(jnp.int32)

            return acc

        return lax.fori_loop(0, RB, _row, acc)

    _start(0, xbuf, sem0)

    def _pair(i, acc):
        b0 = 2 * i
        _start(b0 + 1, xbuf2, sem1)
        _wait(b0, xbuf, sem0)
        acc = _block(b0, xbuf, acc)

        @pl.when(b0 + 2 < nblocks)
        def _next():
            _start(b0 + 2, xbuf, sem0)

        _wait(b0 + 1, xbuf2, sem1)
        return _block(b0 + 1, xbuf2, acc)

    lax.fori_loop(0, nblocks // 2, _pair, neg)

    def _fill_ones(i, carry):
        ones_v[pl.ds(i * 16, 16)] = jnp.full((16,), 1, jnp.int32)
        return carry

    lax.fori_loop(0, W // 16, _fill_ones, 0)

    def _zero_hist(i, carry):
        hist_v[pl.ds(i * 16, 16)] = jnp.zeros((16,), jnp.int32)
        return carry

    lax.fori_loop(0, _SC_BINS // 16, _zero_hist, 0)

    @pl.when(s == 0)
    def _zero_shared():
        pltpu.sync_copy(hist_v, hist_sh)

    plsc.subcore_barrier()
    pltpu.sync_copy(ones_v, hist_sh.at[votes_v], add=True)
    plsc.subcore_barrier()

    @pl.when(s == 0)
    def _writeback():
        pltpu.sync_copy(hist_sh, hist_v)
        pltpu.sync_copy(hist_v, out_hbm.at[c])


def _sc_counts(x, n_tail):
    N, C = x.shape
    W = n_tail // 32
    mesh = plsc.VectorSubcoreMesh(core_axis_name="c", subcore_axis_name="s")
    k = functools.partial(
        pl.kernel,
        out_type=jax.ShapeDtypeStruct((2, _SC_BINS), jnp.int32),
        mesh=mesh,
        scratch_types=[
            pltpu.VMEM((_RB, C), jnp.float32),
            pltpu.VMEM((_RB, C), jnp.float32),
            pltpu.VMEM((W,), jnp.int32),
            pltpu.VMEM((W,), jnp.int32),
            pltpu.VMEM((_SC_BINS,), jnp.int32),
            pltpu.VMEM_SHARED((_SC_BINS,), jnp.int32),
            pltpu.SemaphoreType.DMA,
            pltpu.SemaphoreType.DMA,
        ],
        compiler_params=pltpu.CompilerParams(
            use_tc_tiling_on_sc=True, needs_layout_passes=False),
        cost_estimate=pl.CostEstimate(
            flops=2 * n_tail * C,
            transcendentals=0,
            bytes_accessed=4 * n_tail * C,
        ),
    )(functools.partial(_sc_body, n_tail))
    return k(x)




def _merge_body(tc_ref, part_ref, out_ref):
    C = out_ref.shape[1]
    sc_counts = (part_ref[0, 0:C] + part_ref[1, 0:C]).astype(jnp.float32)
    counts = tc_ref[0, :] + sc_counts
    cm = jnp.max(counts)
    iota = lax.iota(jnp.int32, C).astype(jnp.float32)
    cand = jnp.where(counts == cm, iota, jnp.float32(C))
    w = jnp.min(cand)
    out_ref[0, :] = (iota == w).astype(jnp.int32)


def _tc_merge(tc_counts, parts, C):
    out = pl.pallas_call(
        _merge_body,
        out_shape=jax.ShapeDtypeStruct((1, C), jnp.int32),
    )(tc_counts, parts)
    return out[0]




def kernel(x):
    N, C = x.shape
    n_tail = _N_SC if (N == 100000 and C == 1000) else 0
    if n_tail:
        parts = _sc_counts(x, n_tail)
    else:
        parts = jnp.zeros((2, _SC_BINS), jnp.int32)
    tc_counts = _tc_counts(x, N - n_tail)
    return _tc_merge(tc_counts, parts, C)

# --- scband reference (transcript-rebuilt; emitter-appended) ---
"""Pipeline reference for scband-voting-21990232555649 (READ-ONLY COPY).

The authoritative reference and input builder live on the scoring server;
editing this copy changes nothing except your own understanding.
"""

import jax, jax.numpy as jnp
import numpy as np


def setup_inputs(seed: int = 0) -> dict:
    key = jax.random.key(seed)
    x = jax.random.normal(key, (100000, 1000), dtype=jnp.float32)
    return {"x": x}


def reference(x):
    # vote = argmax over class dim for each sample
    vote = jnp.argmax(x, axis=-1)
    # histogram of votes with minlength = number of classes
    vote_counts = jnp.bincount(vote, minlength=x.shape[1], length=x.shape[1])
    # winning class
    result = jnp.argmax(vote_counts)
    # one-hot output over counts (same dtype as counts, matching torch zeros_like)
    output = jnp.zeros_like(vote_counts)
    output = output.at[result].set(1)
    return output

if __name__ == "__main__":
    import jax
    _d = setup_inputs()
    print(jax.jit(kernel)(*tuple(_d.values())))

</pallas_src>

<mosaic_0001>
#map = affine_map<(d0, d1) -> (0, 0)>
module attributes {stable_mosaic.version = 14 : i64} {
  func.func @_sc_body(%arg0: i32, %arg1: i32, %arg2: memref<100000x1000xf32, #tpu.memory_space<hbm>>, %arg3: memref<2x1024xi32, #tpu.memory_space<hbm>>, %arg4: memref<16x1000xf32, #tpu.memory_space<vmem>>, %arg5: memref<16x1000xf32, #tpu.memory_space<vmem>>, %arg6: memref<800xi32, #tpu.memory_space<vmem>>, %arg7: memref<800xi32, #tpu.memory_space<vmem>>, %arg8: memref<1024xi32, #tpu.memory_space<vmem>>, %arg9: memref<1024xi32, #tpu.memory_space<vmem_shared>>, %arg10: memref<!tpu.dma_semaphore, #tpu.memory_space<semaphore_mem>>, %arg11: memref<!tpu.dma_semaphore, #tpu.memory_space<semaphore_mem>>) attributes {dimension_semantics = [#tpu.dimension_semantics<core_parallel>, #tpu.dimension_semantics<subcore_parallel>], iteration_bounds = array<i64: 2, 16>, scalar_prefetch = 0 : i64, scratch_operands = 8 : i64, tpu.core_type = #tpu.core_type<sc_vector_subcore>, window_params = [{transform_indices = #map}, {transform_indices = #map}]} {
    %mul3A = arith.constant 2 : i32
    %mul3A_0 = arith.muli %arg1, %mul3A : i32
    %add3A = arith.addi %mul3A_0, %arg0 : i32
    %mul3A_1 = arith.constant 800 : i32
    %mul3A_2 = arith.muli %add3A, %mul3A_1 : i32
    %add3A_3 = arith.constant 74400 : i32
    %add3A_4 = arith.addi %add3A_3, %mul3A_2 : i32
    %iota3A = tpu.iota {dimensions = array<i32: 0>} : vector<16xi32>
    %convert_element_type3A = arith.sitofp %iota3A : vector<16xi32> to vector<16xf32>
    %broadcast_in_dim3A = arith.constant -3.400000e+38 : f32
    %broadcast_in_dim3A_5 = vector.broadcast %broadcast_in_dim3A : f32 to vector<16xf32>
    %add3A_6 = arith.constant 0 : i32
    %add3A_7 = arith.addi %add3A_4, %add3A_6 : i32
    %dma_start3A = arith.constant 0 : i32
    %dma_start3A_8 = tpu.memref_slice %arg2[%add3A_7, %dma_start3A] : memref<100000x1000xf32, #tpu.memory_space<hbm>> -> memref<16x1000xf32, #tpu.memory_space<hbm>>
    %dma_start3A_9 = arith.constant 0 : i32
    %dma_start3A_10 = tpu.memref_slice %arg2[%add3A_7, %dma_start3A_9] : memref<100000x1000xf32, #tpu.memory_space<hbm>> -> memref<16x1000xf32, #tpu.memory_space<hbm>>
    tpu.enqueue_dma source(%dma_start3A_10 : memref<16x1000xf32, #tpu.memory_space<hbm>>) target(%arg4 : memref<16x1000xf32, #tpu.memory_space<vmem>>) target_semaphore(%arg10 : memref<!tpu.dma_semaphore, #tpu.memory_space<semaphore_mem>>)
    %scan3A = arith.constant 0 : i32
    %scan3A_11 = arith.constant 25 : i32
    %scan3A_12 = arith.addi %scan3A, %scan3A_11 : i32
    %scan3A_13 = arith.constant 1 : i32
    %scan3A_14 = scf.for %scan3A_37 = %scan3A to %scan3A_12 step %scan3A_13 iter_args(%scan3A_38 = %broadcast_in_dim3A_5) -> (vector<16xf32>)  : i32 {
      %mul3A_39 = arith.constant 2 : i32
      %mul3A_40 = arith.muli %mul3A_39, %scan3A_37 : i32
      %add3A_41 = arith.constant 1 : i32
      %add3A_42 = arith.addi %mul3A_40, %add3A_41 : i32
      %mul3A_43 = arith.constant 16 : i32
      %mul3A_44 = arith.muli %add3A_42, %mul3A_43 : i32
      %add3A_45 = arith.addi %add3A_4, %mul3A_44 : i32
      %dma_start3A_46 = arith.constant 0 : i32
      %dma_start3A_47 = tpu.memref_slice %arg2[%add3A_45, %dma_start3A_46] : memref<100000x1000xf32, #tpu.memory_space<hbm>> -> memref<16x1000xf32, #tpu.memory_space<hbm>>
      %dma_start3A_48 = arith.constant 0 : i32
      %dma_start3A_49 = tpu.memref_slice %arg2[%add3A_45, %dma_start3A_48] : memref<100000x1000xf32, #tpu.memory_space<hbm>> -> memref<16x1000xf32, #tpu.memory_space<hbm>>
      tpu.enqueue_dma source(%dma_start3A_49 : memref<16x1000xf32, #tpu.memory_space<hbm>>) target(%arg5 : memref<16x1000xf32, #tpu.memory_space<vmem>>) target_semaphore(%arg11 : memref<!tpu.dma_semaphore, #tpu.memory_space<semaphore_mem>>)
      %mul3A_50 = arith.constant 16 : i32
      %mul3A_51 = arith.muli %mul3A_40, %mul3A_50 : i32
      %add3A_52 = arith.addi %add3A_4, %mul3A_51 : i32
      %dma_wait3A = arith.constant 0 : i32
      %dma_wait3A_53 = tpu.memref_slice %arg2[%add3A_52, %dma_wait3A] : memref<100000x1000xf32, #tpu.memory_space<hbm>> -> memref<16x1000xf32, #tpu.memory_space<hbm>>
      %dma_wait3A_54 = arith.constant 0 : i32
      %dma_wait3A_55 = tpu.memref_slice %arg2[%add3A_52, %dma_wait3A_54] : memref<100000x1000xf32, #tpu.memory_space<hbm>> -> memref<16x1000xf32, #tpu.memory_space<hbm>>
      tpu.wait_dma2 semaphore(%arg10 : memref<!tpu.dma_semaphore, #tpu.memory_space<semaphore_mem>>) src(%dma_wait3A_55 : memref<16x1000xf32, #tpu.memory_space<hbm>>) dst(%arg4 : memref<16x1000xf32, #tpu.memory_space<vmem>>)
      %scan3A_56 = arith.constant 0 : i32
      %scan3A_57 = arith.constant 16 : i32
      %scan3A_58 = arith.addi %scan3A_56, %scan3A_57 : i32
      %scan3A_59 = arith.constant 1 : i32
      %scan3A_60 = scf.for %scan3A_85 = %scan3A_56 to %scan3A_58 step %scan3A_59 iter_args(%scan3A_86 = %scan3A_38) -> (vector<16xf32>)  : i32 {
        %get3A = arith.index_cast %scan3A_85 : i32 to index
        %get3A_87 = arith.constant 0 : index
        %get3A_88 = tpu.vector_load %arg4[%get3A, %get3A_87] {strides = array<i32>} : memref<16x1000xf32, #tpu.memory_space<vmem>>, vector<16xf32>,
        %add3A_89 = arith.constant 0.000000e+00 : f32
        %add3A_90 = vector.broadcast %add3A_89 : f32 to vector<16xf32>
        %add3A_91 = arith.addf %convert_element_type3A, %add3A_90 : vector<16xf32>
        %get3A_92 = arith.index_cast %scan3A_85 : i32 to index
        %get3A_93 = arith.constant 16 : index
        %get3A_94 = tpu.vector_load %arg4[%get3A_92, %get3A_93] {strides = array<i32>} : memref<16x1000xf32, #tpu.memory_space<vmem>>, vector<16xf32>,
        %add3A_95 = arith.constant 1.600000e+01 : f32
        %add3A_96 = vector.broadcast %add3A_95 : f32 to vector<16xf32>
        %add3A_97 = arith.addf %convert_element_type3A, %add3A_96 : vector<16xf32>
        %gt3A = arith.cmpf ogt, %get3A_94, %get3A_88 : vector<16xf32>
        %max3A = arith.maximumf %get3A_88, %get3A_94 : vector<16xf32>
        %select_n3A = arith.select %gt3A, %add3A_97, %add3A_91 : vector<16xi1>, vector<16xf32>
        %get3A_98 = arith.index_cast %scan3A_85 : i32 to index
        %get3A_99 = arith.constant 32 : index
        %get3A_100 = tpu.vector_load %arg4[%get3A_98, %get3A_99] {strides = array<i32>} : memref<16x1000xf32, #tpu.memory_space<vmem>>, vector<16xf32>,
        %add3A_101 = arith.constant 3.200000e+01 : f32
        %add3A_102 = vector.broadcast %add3A_101 : f32 to vector<16xf32>
        %add3A_103 = arith.addf %convert_element_type3A, %add3A_102 : vector<16xf32>
        %gt3A_104 = arith.cmpf ogt, %get3A_100, %max3A : vector<16xf32>
        %max3A_105 = arith.maximumf %max3A, %get3A_100 : vector<16xf32>
        %select_n3A_106 = arith.select %gt3A_104, %add3A_103, %select_n3A : vector<16xi1>, vector<16xf32>
        %get3A_107 = arith.index_cast %scan3A_85 : i32 to index
        %get3A_108 = arith.constant 48 : index
        %get3A_109 = tpu.vector_load %arg4[%get3A_107, %get3A_108] {strides = array<i32>} : memref<16x1000xf32, #tpu.memory_space<vmem>>, vector<16xf32>,
        %add3A_110 = arith.constant 4.800000e+01 : f32
        %add3A_111 = vector.broadcast %add3A_110 : f32 to vector<16xf32>
        %add3A_112 = arith.addf %convert_element_type3A, %add3A_111 : vector<16xf32>
        %gt3A_113 = arith.cmpf ogt, %get3A_109, %max3A_105 : vector<16xf32>
        %max3A_114 = arith.maximumf %max3A_105, %get3A_109 : vector<16xf32>
        %select_n3A_115 = arith.select %gt3A_113, %add3A_112, %select_n3A_106 : vector<16xi1>, vector<16xf32>
        %get3A_116 = arith.index_cast %scan3A_85 : i32 to index
        %get3A_117 = arith.constant 64 : index
        %get3A_118 = tpu.vector_load %arg4[%get3A_116, %get3A_117] {strides = array<i32>} : memref<16x1000xf32, #tpu.memory_space<vmem>>, vector<16xf32>,
        %add3A_119 = arith.constant 6.400000e+01 : f32
        %add3A_120 = vector.broadcast %add3A_119 : f32 to vector<16xf32>
        %add3A_121 = arith.addf %convert_element_type3A, %add3A_120 : vector<16xf32>
        %gt3A_122 = arith.cmpf ogt, %get3A_118, %max3A_114 : vector<16xf32>
        %max3A_123 = arith.maximumf %max3A_114, %get3A_118 : vector<16xf32>
        %select_n3A_124 = arith.select %gt3A_122, %add3A_121, %select_n3A_115 : vector<16xi1>, vector<16xf32>
        %get3A_125 = arith.index_cast %scan3A_85 : i32 to index
        %get3A_126 = arith.constant 80 : index
        %get3A_127 = tpu.vector_load %arg4[%get3A_125, %get3A_126] {strides = array<i32>} : memref<16x1000xf32, #tpu.memory_space<vmem>>, vector<16xf32>,
        %add3A_128 = arith.constant 8.000000e+01 : f32
        %add3A_129 = vector.broadcast %add3A_128 : f32 to vector<16xf32>
        %add3A_130 = arith.addf %convert_element_type3A, %add3A_129 : vector<16xf32>
        %gt3A_131 = arith.cmpf ogt, %get3A_127, %max3A_123 : vector<16xf32>
        %max3A_132 = arith.maximumf %max3A_123, %get3A_127 : vector<16xf32>
        %select_n3A_133 = arith.select %gt3A_131, %add3A_130, %select_n3A_124 : vector<16xi1>, vector<16xf32>
        %get3A_134 = arith.index_cast %scan3A_85 : i32 to index
        %get3A_135 = arith.constant 96 : index
        %get3A_136 = tpu.vector_load %arg4[%get3A_134, %get3A_135] {strides = array<i32>} : memref<16x1000xf32, #tpu.memory_space<vmem>>, vector<16xf32>,
        %add3A_137 = arith.constant 9.600000e+01 : f32
        %add3A_138 = vector.broadcast %add3A_137 : f32 to vector<16xf32>
        %add3A_139 = arith.addf %convert_element_type3A, %add3A_138 : vector<16xf32>
        %gt3A_140 = arith.cmpf ogt, %get3A_136, %max3A_132 : vector<16xf32>
        %max3A_141 = arith.maximumf %max3A_132, %get3A_136 : vector<16xf32>
        %select_n3A_142 = arith.select %gt3A_140, %add3A_139, %select_n3A_133 : vector<16xi1>, vector<16xf32>
        %get3A_143 = arith.index_cast %scan3A_85 : i32 to index
        %get3A_144 = arith.constant 112 : index
        %get3A_145 = tpu.vector_load %arg4[%get3A_143, %get3A_144] {strides = array<i32>} : memref<16x1000xf32, #tpu.memory_space<vmem>>, vector<16xf32>,
        %add3A_146 = arith.constant 1.120000e+02 : f32
        %add3A_147 = vector.broadcast %add3A_146 : f32 to vector<16xf32>
        %add3A_148 = arith.addf %convert_element_type3A, %add3A_147 : vector<16xf32>
        %gt3A_149 = arith.cmpf ogt, %get3A_145, %max3A_141 : vector<16xf32>
        %max3A_150 = arith.maximumf %max3A_141, %get3A_145 : vector<16xf32>
        %select_n3A_151 = arith.select %gt3A_149, %add3A_148, %select_n3A_142 : vector<16xi1>, vector<16xf32>
        %get3A_152 = arith.index_cast %scan3A_85 : i32 to index
        %get3A_153 = arith.constant 128 : index
        %get3A_154 = tpu.vector_load %arg4[%get3A_152, %get3A_153] {strides = array<i32>} : memref<16x1000xf32, #tpu.memory_space<vmem>>, vector<16xf32>,
        %add3A_155 = arith.constant 1.280000e+02 : f32
        %add3A_156 = vector.broadcast %add3A_155 : f32 to vector<16xf32>
        %add3A_157 = arith.addf %convert_element_type3A, %add3A_156 : vector<16xf32>
        %gt3A_158 = arith.cmpf ogt, %get3A_154, %max3A_150 : vector<16xf32>
        %max3A_159 = arith.maximumf %max3A_150, %get3A_154 : vector<16xf32>
        %select_n3A_160 = arith.select %gt3A_158, %add3A_157, %select_n3A_151 : vector<16xi1>, vector<16xf32>
        %get3A_161 = arith.index_cast %scan3A_85 : i32 to index
        %get3A_162 = arith.constant 144 : index
        %get3A_163 = tpu.vector_load %arg4[%get3A_161, %get3A_162] {strides = array<i32>} : memref<16x1000xf32, #tpu.memory_space<vmem>>, vector<16xf32>,
        %add3A_164 = arith.constant 1.440000e+02 : f32
        %add3A_165 = vector.broadcast %add3A_164 : f32 to vector<16xf32>
        %add3A_166 = arith.addf %convert_element_type3A, %add3A_165 : vector<16xf32>
        %gt3A_167 = arith.cmpf ogt, %get3A_163, %max3A_159 : vector<16xf32>
        %max3A_168 = arith.maximumf %max3A_159, %get3A_163 : vector<16xf32>
        %select_n3A_169 = arith.select %gt3A_167, %add3A_166, %select_n3A_160 : vector<16xi1>, vector<16xf32>
        %get3A_170 = arith.index_cast %scan3A_85 : i32 to index
        %get3A_171 = arith.constant 160 : index
        %get3A_172 = tpu.vector_load %arg4[%get3A_170, %get3A_171] {strides = array<i32>} : memref<16x1000xf32, #tpu.memory_space<vmem>>, vector<16xf32>,
        %add3A_173 = arith.constant 1.600000e+02 : f32
        %add3A_174 = vector.broadcast %add3A_173 : f32 to vector<16xf32>
        %add3A_175 = arith.addf %convert_element_type3A, %add3A_174 : vector<16xf32>
        %gt3A_176 = arith.cmpf ogt, %get3A_172, %max3A_168 : vector<16xf32>
        %max3A_177 = arith.maximumf %max3A_168, %get3A_172 : vector<16xf32>
        %select_n3A_178 = arith.select %gt3A_176, %add3A_175, %select_n3A_169 : vector<16xi1>, vector<16xf32>
        %get3A_179 = arith.index_cast %scan3A_85 : i32 to index
        %get3A_180 = arith.constant 176 : index
        %get3A_181 = tpu.vector_load %arg4[%get3A_179, %get3A_180] {strides = array<i32>} : memref<16x1000xf32, #tpu.memory_space<vmem>>, vector<16xf32>,
        %add3A_182 = arith.constant 1.760000e+02 : f32
        %add3A_183 = vector.broadcast %add3A_182 : f32 to vector<16xf32>
        %add3A_184 = arith.addf %convert_element_type3A, %add3A_183 : vector<16xf32>
        %gt3A_185 = arith.cmpf ogt, %get3A_181, %max3A_177 : vector<16xf32>
        %max3A_186 = arith.maximumf %max3A_177, %get3A_181 : vector<16xf32>
        %select_n3A_187 = arith.select %gt3A_185, %add3A_184, %select_n3A_178 : vector<16xi1>, vector<16xf32>
        %get3A_188 = arith.index_cast %scan3A_85 : i32 to index
        %get3A_189 = arith.constant 192 : index
        %get3A_190 = tpu.vector_load %arg4[%get3A_188, %get3A_189] {strides = array<i32>} : memref<16x1000xf32, #tpu.memory_space<vmem>>, vector<16xf32>,
        %add3A_191 = arith.constant 1.920000e+02 : f32
        %add3A_192 = vector.broadcast %add3A_191 : f32 to vector<16xf32>
        %add3A_193 = arith.addf %convert_element_type3A, %add3A_192 : vector<16xf32>
        %gt3A_194 = arith.cmpf ogt, %get3A_190, %max3A_186 : vector<16xf32>
        %max3A_195 = arith.maximumf %max3A_186, %get3A_190 : vector<16xf32>
        %select_n3A_196 = arith.select %gt3A_194, %add3A_193, %select_n3A_187 : vector<16xi1>, vector<16xf32>
        %get3A_197 = arith.index_cast %scan3A_85 : i32 to index
        %get3A_198 = arith.constant 208 : index
        %get3A_199 = tpu.vector_load %arg4[%get3A_197, %get3A_198] {strides = array<i32>} : memref<16x1000xf32, #tpu.memory_space<vmem>>, vector<16xf32>,
        %add3A_200 = arith.constant 2.080000e+02 : f32
        %add3A_201 = vector.broadcast %add3A_200 : f32 to vector<16xf32>
        %add3A_202 = arith.addf %convert_element_type3A, %add3A_201 : vector<16xf32>
        %gt3A_203 = arith.cmpf ogt, %get3A_199, %max3A_195 : vector<16xf32>
        %max3A_204 = arith.maximumf %max3A_195, %get3A_199 : vector<16xf32>
        %select_n3A_205 = arith.select %gt3A_203, %add3A_202, %select_n3A_196 : vector<16xi1>, vector<16xf32>
        %get3A_206 = arith.index_cast %scan3A_85 : i32 to index
        %get3A_207 = arith.constant 224 : index
        %get3A_208 = tpu.vector_load %arg4[%get3A_206, %get3A_207] {strides = array<i32>} : memref<16x1000xf32, #tpu.memory_space<vmem>>, vector<16xf32>,
        %add3A_209 = arith.constant 2.240000e+02 : f32
        %add3A_210 = vector.broadcast %add3A_209 : f32 to vector<16xf32>
        %add3A_211 = arith.addf %convert_element_type3A, %add3A_210 : vector<16xf32>
        %gt3A_212 = arith.cmpf ogt, %get3A_208, %max3A_204 : vector<16xf32>
        %max3A_213 = arith.maximumf %max3A_204, %get3A_208 : vector<16xf32>
        %select_n3A_214 = arith.select %gt3A_212, %add3A_211, %select_n3A_205 : vector<16xi1>, vector<16xf32>
        %get3A_215 = arith.index_cast %scan3A_85 : i32 to index
        %get3A_216 = arith.constant 240 : index
        %get3A_217 = tpu.vector_load %arg4[%get3A_215, %get3A_216] {strides = array<i32>} : memref<16x1000xf32, #tpu.memory_space<vmem>>, vector<16xf32>,
        %add3A_218 = arith.constant 2.400000e+02 : f32
        %add3A_219 = vector.broadcast %add3A_218 : f32 to vector<16xf32>
        %add3A_220 = arith.addf %convert_element_type3A, %add3A_219 : vector<16xf32>
        %get3A_221 = arith.index_cast %scan3A_85 : i32 to index
        %get3A_222 = arith.constant 256 : index
        %get3A_223 = tpu.vector_load %arg4[%get3A_221, %get3A_222] {strides = array<i32>} : memref<16x1000xf32, #tpu.memory_space<vmem>>, vector<16xf32>,
        %add3A_224 = arith.constant 2.560000e+02 : f32
        %add3A_225 = vector.broadcast %add3A_224 : f32 to vector<16xf32>
        %add3A_226 = arith.addf %convert_element_type3A, %add3A_225 : vector<16xf32>
        %gt3A_227 = arith.cmpf ogt, %get3A_223, %get3A_217 : vector<16xf32>
        %max3A_228 = arith.maximumf %get3A_217, %get3A_223 : vector<16xf32>
        %select_n3A_229 = arith.select %gt3A_227, %add3A_226, %add3A_220 : vector<16xi1>, vector<16xf32>
        %get3A_230 = arith.index_cast %scan3A_85 : i32 to index
        %get3A_231 = arith.constant 272 : index
        %get3A_232 = tpu.vector_load %arg4[%get3A_230, %get3A_231] {strides = array<i32>} : memref<16x1000xf32, #tpu.memory_space<vmem>>, vector<16xf32>,
        %add3A_233 = arith.constant 2.720000e+02 : f32
        %add3A_234 = vector.broadcast %add3A_233 : f32 to vector<16xf32>
        %add3A_235 = arith.addf %convert_element_type3A, %add3A_234 : vector<16xf32>
        %gt3A_236 = arith.cmpf ogt, %get3A_232, %max3A_228 : vector<16xf32>
        %max3A_237 = arith.maximumf %max3A_228, %get3A_232 : vector<16xf32>
        %select_n3A_238 = arith.select %gt3A_236, %add3A_235, %select_n3A_229 : vector<16xi1>, vector<16xf32>
        %get3A_239 = arith.index_cast %scan3A_85 : i32 to index
        %get3A_240 = arith.constant 288 : index
        %get3A_241 = tpu.vector_load %arg4[%get3A_239, %get3A_240] {strides = array<i32>} : memref<16x1000xf32, #tpu.memory_space<vmem>>, vector<16xf32>,
        %add3A_242 = arith.constant 2.880000e+02 : f32
        %add3A_243 = vector.broadcast %add3A_242 : f32 to vector<16xf32>
        %add3A_244 = arith.addf %convert_element_type3A, %add3A_243 : vector<16xf32>
        %gt3A_245 = arith.cmpf ogt, %get3A_241, %max3A_237 : vector<16xf32>
        %max3A_246 = arith.maximumf %max3A_237, %get3A_241 : vector<16xf32>
        %select_n3A_247 = arith.select %gt3A_245, %add3A_244, %select_n3A_238 : vector<16xi1>, vector<16xf32>
        %get3A_248 = arith.index_cast %scan3A_85 : i32 to index
        %get3A_249 = arith.constant 304 : index
        %get3A_250 = tpu.vector_load %arg4[%get3A_248, %get3A_249] {strides = array<i32>} : memref<16x1000xf32, #tpu.memory_space<vmem>>, vector<16xf32>,
        %add3A_251 = arith.constant 3.040000e+02 : f32
        %add3A_252 = vector.broadcast %add3A_251 : f32 to vector<16xf32>
        %add3A_253 = arith.addf %convert_element_type3A, %add3A_252 : vector<16xf32>
        %gt3A_254 = arith.cmpf ogt, %get3A_250, %max3A_246 : vector<16xf32>
        %max3A_255 = arith.maximumf %max3A_246, %get3A_250 : vector<16xf32>
        %select_n3A_256 = arith.select %gt3A_254, %add3A_253, %select_n3A_247 : vector<16xi1>, vector<16xf32>
        %get3A_257 = arith.index_cast %scan3A_85 : i32 to index
        %get3A_258 = arith.constant 320 : index
        %get3A_259 = tpu.vector_load %arg4[%get3A_257, %get3A_258] {strides = array<i32>} : memref<16x1000xf32, #tpu.memory_space<vmem>>, vector<16xf32>,
        %add3A_260 = arith.constant 3.200000e+02 : f32
        %add3A_261 = vector.broadcast %add3A_260 : f32 to vector<16xf32>
        %add3A_262 = arith.addf %convert_element_type3A, %add3A_261 : vector<16xf32>
        %gt3A_263 = arith.cmpf ogt, %get3A_259, %max3A_255 : vector<16xf32>
        %max3A_264 = arith.maximumf %max3A_255, %get3A_259 : vector<16xf32>
        %select_n3A_265 = arith.select %gt3A_263, %add3A_262, %select_n3A_256 : vector<16xi1>, vector<16xf32>
        %get3A_266 = arith.index_cast %scan3A_85 : i32 to index
        %get3A_267 = arith.constant 336 : index
        %get3A_268 = tpu.vector_load %arg4[%get3A_266, %get3A_267] {strides = array<i32>} : memref<16x1000xf32, #tpu.memory_space<vmem>>, vector<16xf32>,
        %add3A_269 = arith.constant 3.360000e+02 : f32
        %add3A_270 = vector.broadcast %add3A_269 : f32 to vector<16xf32>
        %add3A_271 = arith.addf %convert_element_type3A, %add3A_270 : vector<16xf32>
        %gt3A_272 = arith.cmpf ogt, %get3A_268, %max3A_264 : vector<16xf32>
        %max3A_273 = arith.maximumf %max3A_264, %get3A_268 : vector<16xf32>
        %select_n3A_274 = arith.select %gt3A_272, %add3A_271, %select_n3A_265 : vector<16xi1>, vector<16xf32>
        %get3A_275 = arith.index_cast %scan3A_85 : i32 to index
        %get3A_276 = arith.constant 352 : index
        %get3A_277 = tpu.vector_load %arg4[%get3A_275, %get3A_276] {strides = array<i32>} : memref<16x1000xf32, #tpu.memory_space<vmem>>, vector<16xf32>,
        %add3A_278 = arith.constant 3.520000e+02 : f32
        %add3A_279 = vector.broadcast %add3A_278 : f32 to vector<16xf32>
        %add3A_280 = arith.addf %convert_element_type3A, %add3A_279 : vector<16xf32>
        %gt3A_281 = arith.cmpf ogt, %get3A_277, %max3A_273 : vector<16xf32>
        %max3A_282 = arith.maximumf %max3A_273, %get3A_277 : vector<16xf32>
        %select_n3A_283 = arith.select %gt3A_281, %add3A_280, %select_n3A_274 : vector<16xi1>, vector<16xf32>
        %get3A_284 = arith.index_cast %scan3A_85 : i32 to index
        %get3A_285 = arith.constant 368 : index
        %get3A_286 = tpu.vector_load %arg4[%get3A_284, %get3A_285] {strides = array<i32>} : memref<16x1000xf32, #tpu.memory_space<vmem>>, vector<16xf32>,
        %add3A_287 = arith.constant 3.680000e+02 : f32
        %add3A_288 = vector.broadcast %add3A_287 : f32 to vector<16xf32>
        %add3A_289 = arith.addf %convert_element_type3A, %add3A_288 : vector<16xf32>
        %gt3A_290 = arith.cmpf ogt, %get3A_286, %max3A_282 : vector<16xf32>
        %max3A_291 = arith.maximumf %max3A_282, %get3A_286 : vector<16xf32>
        %select_n3A_292 = arith.select %gt3A_290, %add3A_289, %select_n3A_283 : vector<16xi1>, vector<16xf32>
        %get3A_293 = arith.index_cast %scan3A_85 : i32 to index
        %get3A_294 = arith.constant 384 : index
        %get3A_295 = tpu.vector_load %arg4[%get3A_293, %get3A_294] {strides = array<i32>} : memref<16x1000xf32, #tpu.memory_space<vmem>>, vector<16xf32>,
        %add3A_296 = arith.constant 3.840000e+02 : f32
        %add3A_297 = vector.broadcast %add3A_296 : f32 to vector<16xf32>
        %add3A_298 = arith.addf %convert_element_type3A, %add3A_297 : vector<16xf32>
        %gt3A_299 = arith.cmpf ogt, %get3A_295, %max3A_291 : vector<16xf32>
        %max3A_300 = arith.maximumf %max3A_291, %get3A_295 : vector<16xf32>
        %select_n3A_301 = arith.select %gt3A_299, %add3A_298, %select_n3A_292 : vector<16xi1>, vector<16xf32>
        %get3A_302 = arith.index_cast %scan3A_85 : i32 to index
        %get3A_303 = arith.constant 400 : index
        %get3A_304 = tpu.vector_load %arg4[%get3A_302, %get3A_303] {strides = array<i32>} : memref<16x1000xf32, #tpu.memory_space<vmem>>, vector<16xf32>,
        %add3A_305 = arith.constant 4.000000e+02 : f32
        %add3A_306 = vector.broadcast %add3A_305 : f32 to vector<16xf32>
        %add3A_307 = arith.addf %convert_element_type3A, %add3A_306 : vector<16xf32>
        %gt3A_308 = arith.cmpf ogt, %get3A_304, %max3A_300 : vector<16xf32>
        %max3A_309 = arith.maximumf %max3A_300, %get3A_304 : vector<16xf32>
        %select_n3A_310 = arith.select %gt3A_308, %add3A_307, %select_n3A_301 : vector<16xi1>, vector<16xf32>
        %get3A_311 = arith.index_cast %scan3A_85 : i32 to index
        %get3A_312 = arith.constant 416 : index
        %get3A_313 = tpu.vector_load %arg4[%get3A_311, %get3A_312] {strides = array<i32>} : memref<16x1000xf32, #tpu.memory_space<vmem>>, vector<16xf32>,
        %add3A_314 = arith.constant 4.160000e+02 : f32
        %add3A_315 = vector.broadcast %add3A_314 : f32 to vector<16xf32>
        %add3A_316 = arith.addf %convert_element_type3A, %add3A_315 : vector<16xf32>
        %gt3A_317 = arith.cmpf ogt, %get3A_313, %max3A_309 : vector<16xf32>
        %max3A_318 = arith.maximumf %max3A_309, %get3A_313 : vector<16xf32>
        %select_n3A_319 = arith.select %gt3A_317, %add3A_316, %select_n3A_310 : vector<16xi1>, vector<16xf32>
        %get3A_320 = arith.index_cast %scan3A_85 : i32 to index
        %get3A_321 = arith.constant 432 : index
        %get3A_322 = tpu.vector_load %arg4[%get3A_320, %get3A_321] {strides = array<i32>} : memref<16x1000xf32, #tpu.memory_space<vmem>>, vector<16xf32>,
        %add3A_323 = arith.constant 4.320000e+02 : f32
        %add3A_324 = vector.broadcast %add3A_323 : f32 to vector<16xf32>
        %add3A_325 = arith.addf %convert_element_type3A, %add3A_324 : vector<16xf32>
        %gt3A_326 = arith.cmpf ogt, %get3A_322, %max3A_318 : vector<16xf32>
        %max3A_327 = arith.maximumf %max3A_318, %get3A_322 : vector<16xf32>
        %select_n3A_328 = arith.select %gt3A_326, %add3A_325, %select_n3A_319 : vector<16xi1>, vector<16xf32>
        %get3A_329 = arith.index_cast %scan3A_85 : i32 to index
        %get3A_330 = arith.constant 448 : index
        %get3A_331 = tpu.vector_load %arg4[%get3A_329, %get3A_330] {strides = array<i32>} : memref<16x1000xf32, #tpu.memory_space<vmem>>, vector<16xf32>,
        %add3A_332 = arith.constant 4.480000e+02 : f32
        %add3A_333 = vector.broadcast %add3A_332 : f32 to vector<16xf32>
        %add3A_334 = arith.addf %convert_element_type3A, %add3A_333 : vector<16xf32>
        %gt3A_335 = arith.cmpf ogt, %get3A_331, %max3A_327 : vector<16xf32>
        %max3A_336 = arith.maximumf %max3A_327, %get3A_331 : vector<16xf32>
        %select_n3A_337 = arith.select %gt3A_335, %add3A_334, %select_n3A_328 : vector<16xi1>, vector<16xf32>
        %get3A_338 = arith.index_cast %scan3A_85 : i32 to index
        %get3A_339 = arith.constant 464 : index
        %get3A_340 = tpu.vector_load %arg4[%get3A_338, %get3A_339] {strides = array<i32>} : memref<16x1000xf32, #tpu.memory_space<vmem>>, vector<16xf32>,
        %add3A_341 = arith.constant 4.640000e+02 : f32
        %add3A_342 = vector.broadcast %add3A_341 : f32 to vector<16xf32>
        %add3A_343 = arith.addf %convert_element_type3A, %add3A_342 : vector<16xf32>
        %gt3A_344 = arith.cmpf ogt, %get3A_340, %max3A_336 : vector<16xf32>
        %max3A_345 = arith.maximumf %max3A_336, %get3A_340 : vector<16xf32>
        %select_n3A_346 = arith.select %gt3A_344, %add3A_343, %select_n3A_337 : vector<16xi1>, vector<16xf32>
        %get3A_347 = arith.index_cast %scan3A_85 : i32 to index
        %get3A_348 = arith.constant 480 : index
        %get3A_349 = tpu.vector_load %arg4[%get3A_347, %get3A_348] {strides = array<i32>} : memref<16x1000xf32, #tpu.memory_space<vmem>>, vector<16xf32>,
        %add3A_350 = arith.constant 4.800000e+02 : f32
        %add3A_351 = vector.broadcast %add3A_350 : f32 to vector<16xf32>
        %add3A_352 = arith.addf %convert_element_type3A, %add3A_351 : vector<16xf32>
        %get3A_353 = arith.index_cast %scan3A_85 : i32 to index
        %get3A_354 = arith.constant 496 : index
        %get3A_355 = tpu.vector_load %arg4[%get3A_353, %get3A_354] {strides = array<i32>} : memref<16x1000xf32, #tpu.memory_space<vmem>>, vector<16xf32>,
        %add3A_356 = arith.constant 4.960000e+02 : f32
        %add3A_357 = vector.broadcast %add3A_356 : f32 to vector<16xf32>
        %add3A_358 = arith.addf %convert_element_type3A, %add3A_357 : vector<16xf32>
        %gt3A_359 = arith.cmpf ogt, %get3A_355, %get3A_349 : vector<16xf32>
        %max3A_360 = arith.maximumf %get3A_349, %get3A_355 : vector<16xf32>
        %select_n3A_361 = arith.select %gt3A_359, %add3A_358, %add3A_352 : vector<16xi1>, vector<16xf32>
        %get3A_362 = arith.index_cast %scan3A_85 : i32 to index
        %get3A_363 = arith.constant 512 : index
        %get3A_364 = tpu.vector_load %arg4[%get3A_362, %get3A_363] {strides = array<i32>} : memref<16x1000xf32, #tpu.memory_space<vmem>>, vector<16xf32>,
        %add3A_365 = arith.constant 5.120000e+02 : f32
        %add3A_366 = vector.broadcast %add3A_365 : f32 to vector<16xf32>
        %add3A_367 = arith.addf %convert_element_type3A, %add3A_366 : vector<16xf32>
        %gt3A_368 = arith.cmpf ogt, %get3A_364, %max3A_360 : vector<16xf32>
        %max3A_369 = arith.maximumf %max3A_360, %get3A_364 : vector<16xf32>
        %select_n3A_370 = arith.select %gt3A_368, %add3A_367, %select_n3A_361 : vector<16xi1>, vector<16xf32>
        %get3A_371 = arith.index_cast %scan3A_85 : i32 to index
        %get3A_372 = arith.constant 528 : index
        %get3A_373 = tpu.vector_load %arg4[%get3A_371, %get3A_372] {strides = array<i32>} : memref<16x1000xf32, #tpu.memory_space<vmem>>, vector<16xf32>,
        %add3A_374 = arith.constant 5.280000e+02 : f32
        %add3A_375 = vector.broadcast %add3A_374 : f32 to vector<16xf32>
        %add3A_376 = arith.addf %convert_element_type3A, %add3A_375 : vector<16xf32>
        %gt3A_377 = arith.cmpf ogt, %get3A_373, %max3A_369 : vector<16xf32>
        %max3A_378 = arith.maximumf %max3A_369, %get3A_373 : vector<16xf32>
        %select_n3A_379 = arith.select %gt3A_377, %add3A_376, %select_n3A_370 : vector<16xi1>, vector<16xf32>
        %get3A_380 = arith.index_cast %scan3A_85 : i32 to index
        %get3A_381 = arith.constant 544 : index
        %get3A_382 = tpu.vector_load %arg4[%get3A_380, %get3A_381] {strides = array<i32>} : memref<16x1000xf32, #tpu.memory_space<vmem>>, vector<16xf32>,
        %add3A_383 = arith.constant 5.440000e+02 : f32
        %add3A_384 = vector.broadcast %add3A_383 : f32 to vector<16xf32>
        %add3A_385 = arith.addf %convert_element_type3A, %add3A_384 : vector<16xf32>
        %gt3A_386 = arith.cmpf ogt, %get3A_382, %max3A_378 : vector<16xf32>
        %max3A_387 = arith.maximumf %max3A_378, %get3A_382 : vector<16xf32>
        %select_n3A_388 = arith.select %gt3A_386, %add3A_385, %select_n3A_379 : vector<16xi1>, vector<16xf32>
        %get3A_389 = arith.index_cast %scan3A_85 : i32 to index
        %get3A_390 = arith.constant 560 : index
        %get3A_391 = tpu.vector_load %arg4[%get3A_389, %get3A_390] {strides = array<i32>} : memref<16x1000xf32, #tpu.memory_space<vmem>>, vector<16xf32>,
        %add3A_392 = arith.constant 5.600000e+02 : f32
        %add3A_393 = vector.broadcast %add3A_392 : f32 to vector<16xf32>
        %add3A_394 = arith.addf %convert_element_type3A, %add3A_393 : vector<16xf32>
        %gt3A_395 = arith.cmpf ogt, %get3A_391, %max3A_387 : vector<16xf32>
        %max3A_396 = arith.maximumf %max3A_387, %get3A_391 : vector<16xf32>
        %select_n3A_397 = arith.select %gt3A_395, %add3A_394, %select_n3A_388 : vector<16xi1>, vector<16xf32>
        %get3A_398 = arith.index_cast %scan3A_85 : i32 to index
        %get3A_399 = arith.constant 576 : index
        %get3A_400 = tpu.vector_load %arg4[%get3A_398, %get3A_399] {strides = array<i32>} : memref<16x1000xf32, #tpu.memory_space<vmem>>, vector<16xf32>,
        %add3A_401 = arith.constant 5.760000e+02 : f32
        %add3A_402 = vector.broadcast %add3A_401 : f32 to vector<16xf32>
        %add3A_403 = arith.addf %convert_element_type3A, %add3A_402 : vector<16xf32>
        %gt3A_404 = arith.cmpf ogt, %get3A_400, %max3A_396 : vector<16xf32>
        %max3A_405 = arith.maximumf %max3A_396, %get3A_400 : vector<16xf32>
        %select_n3A_406 = arith.select %gt3A_404, %add3A_403, %select_n3A_397 : vector<16xi1>, vector<16xf32>
        %get3A_407 = arith.index_cast %scan3A_85 : i32 to index
        %get3A_408 = arith.constant 592 : index
        %get3A_409 = tpu.vector_load %arg4[%get3A_407, %get3A_408] {strides = array<i32>} : memref<16x1000xf32, #tpu.memory_space<vmem>>, vector<16xf32>,
        %add3A_410 = arith.constant 5.920000e+02 : f32
        %add3A_411 = vector.broadcast %add3A_410 : f32 to vector<16xf32>
        %add3A_412 = arith.addf %convert_element_type3A, %add3A_411 : vector<16xf32>
        %gt3A_413 = arith.cmpf ogt, %get3A_409, %max3A_405 : vector<16xf32>
        %max3A_414 = arith.maximumf %max3A_405, %get3A_409 : vector<16xf32>
        %select_n3A_415 = arith.select %gt3A_413, %add3A_412, %select_n3A_406 : vector<16xi1>, vector<16xf32>
        %get3A_416 = arith.index_cast %scan3A_85 : i32 to index
        %get3A_417 = arith.constant 608 : index
        %get3A_418 = tpu.vector_load %arg4[%get3A_416, %get3A_417] {strides = array<i32>} : memref<16x1000xf32, #tpu.memory_space<vmem>>, vector<16xf32>,
        %add3A_419 = arith.constant 6.080000e+02 : f32
        %add3A_420 = vector.broadcast %add3A_419 : f32 to vector<16xf32>
        %add3A_421 = arith.addf %convert_element_type3A, %add3A_420 : vector<16xf32>
        %gt3A_422 = arith.cmpf ogt, %get3A_418, %max3A_414 : vector<16xf32>
        %max3A_423 = arith.maximumf %max3A_414, %get3A_418 : vector<16xf32>
        %select_n3A_424 = arith.select %gt3A_422, %add3A_421, %select_n3A_415 : vector<16xi1>, vector<16xf32>
        %get3A_425 = arith.index_cast %scan3A_85 : i32 to index
        %get3A_426 = arith.constant 624 : index
        %get3A_427 = tpu.vector_load %arg4[%get3A_425, %get3A_426] {strides = array<i32>} : memref<16x1000xf32, #tpu.memory_space<vmem>>, vector<16xf32>,
        %add3A_428 = arith.constant 6.240000e+02 : f32
        %add3A_429 = vector.broadcast %add3A_428 : f32 to vector<16xf32>
        %add3A_430 = arith.addf %convert_element_type3A, %add3A_429 : vector<16xf32>
        %gt3A_431 = arith.cmpf ogt, %get3A_427, %max3A_423 : vector<16xf32>
        %max3A_432 = arith.maximumf %max3A_423, %get3A_427 : vector<16xf32>
        %select_n3A_433 = arith.select %gt3A_431, %add3A_430, %select_n3A_424 : vector<16xi1>, vector<16xf32>
        %get3A_434 = arith.index_cast %scan3A_85 : i32 to index
        %get3A_435 = arith.constant 640 : index
        %get3A_436 = tpu.vector_load %arg4[%get3A_434, %get3A_435] {strides = array<i32>} : memref<16x1000xf32, #tpu.memory_space<vmem>>, vector<16xf32>,
        %add3A_437 = arith.constant 6.400000e+02 : f32
        %add3A_438 = vector.broadcast %add3A_437 : f32 to vector<16xf32>
        %add3A_439 = arith.addf %convert_element_type3A, %add3A_438 : vector<16xf32>
        %gt3A_440 = arith.cmpf ogt, %get3A_436, %max3A_432 : vector<16xf32>
        %max3A_441 = arith.maximumf %max3A_432, %get3A_436 : vector<16xf32>
        %select_n3A_442 = arith.select %gt3A_440, %add3A_439, %select_n3A_433 : vector<16xi1>, vector<16xf32>
        %get3A_443 = arith.index_cast %scan3A_85 : i32 to index
        %get3A_444 = arith.constant 656 : index
        %get3A_445 = tpu.vector_load %arg4[%get3A_443, %get3A_444] {strides = array<i32>} : memref<16x1000xf32, #tpu.memory_space<vmem>>, vector<16xf32>,
        %add3A_446 = arith.constant 6.560000e+02 : f32
        %add3A_447 = vector.broadcast %add3A_446 : f32 to vector<16xf32>
        %add3A_448 = arith.addf %convert_element_type3A, %add3A_447 : vector<16xf32>
        %gt3A_449 = arith.cmpf ogt, %get3A_445, %max3A_441 : vector<16xf32>
        %max3A_450 = arith.maximumf %max3A_441, %get3A_445 : vector<16xf32>
        %select_n3A_451 = arith.select %gt3A_449, %add3A_448, %select_n3A_442 : vector<16xi1>, vector<16xf32>
        %get3A_452 = arith.index_cast %scan3A_85 : i32 to index
        %get3A_453 = arith.constant 672 : index
        %get3A_454 = tpu.vector_load %arg4[%get3A_452, %get3A_453] {strides = array<i32>} : memref<16x1000xf32, #tpu.memory_space<vmem>>, vector<16xf32>,
        %add3A_455 = arith.constant 6.720000e+02 : f32
        %add3A_456 = vector.broadcast %add3A_455 : f32 to vector<16xf32>
        %add3A_457 = arith.addf %convert_element_type3A, %add3A_456 : vector<16xf32>
        %gt3A_458 = arith.cmpf ogt, %get3A_454, %max3A_450 : vector<16xf32>
        %max3A_459 = arith.maximumf %max3A_450, %get3A_454 : vector<16xf32>
        %select_n3A_460 = arith.select %gt3A_458, %add3A_457, %select_n3A_451 : vector<16xi1>, vector<16xf32>
        %get3A_461 = arith.index_cast %scan3A_85 : i32 to index
        %get3A_462 = arith.constant 688 : index
        %get3A_463 = tpu.vector_load %arg4[%get3A_461, %get3A_462] {strides = array<i32>} : memref<16x1000xf32, #tpu.memory_space<vmem>>, vector<16xf32>,
        %add3A_464 = arith.constant 6.880000e+02 : f32
        %add3A_465 = vector.broadcast %add3A_464 : f32 to vector<16xf32>
        %add3A_466 = arith.addf %convert_element_type3A, %add3A_465 : vector<16xf32>
        %gt3A_467 = arith.cmpf ogt, %get3A_463, %max3A_459 : vector<16xf32>
        %max3A_468 = arith.maximumf %max3A_459, %get3A_463 : vector<16xf32>
        %select_n3A_469 = arith.select %gt3A_467, %add3A_466, %select_n3A_460 : vector<16xi1>, vector<16xf32>
        %get3A_470 = arith.index_cast %scan3A_85 : i32 to index
        %get3A_471 = arith.constant 704 : index
        %get3A_472 = tpu.vector_load %arg4[%get3A_470, %get3A_471] {strides = array<i32>} : memref<16x1000xf32, #tpu.memory_space<vmem>>, vector<16xf32>,
        %add3A_473 = arith.constant 7.040000e+02 : f32
        %add3A_474 = vector.broadcast %add3A_473 : f32 to vector<16xf32>
        %add3A_475 = arith.addf %convert_element_type3A, %add3A_474 : vector<16xf32>
        %gt3A_476 = arith.cmpf ogt, %get3A_472, %max3A_468 : vector<16xf32>
        %max3A_477 = arith.maximumf %max3A_468, %get3A_472 : vector<16xf32>
        %select_n3A_478 = arith.select %gt3A_476, %add3A_475, %select_n3A_469 : vector<16xi1>, vector<16xf32>
        %get3A_479 = arith.index_cast %scan3A_85 : i32 to index
        %get3A_480 = arith.constant 720 : index
        %get3A_481 = tpu.vector_load %arg4[%get3A_479, %get3A_480] {strides = array<i32>} : memref<16x1000xf32, #tpu.memory_space<vmem>>, vector<16xf32>,
        %add3A_482 = arith.constant 7.200000e+02 : f32
        %add3A_483 = vector.broadcast %add3A_482 : f32 to vector<16xf32>
        %add3A_484 = arith.addf %convert_element_type3A, %add3A_483 : vector<16xf32>
        %get3A_485 = arith.index_cast %scan3A_85 : i32 to index
        %get3A_486 = arith.constant 736 : index
        %get3A_487 = tpu.vector_load %arg4[%get3A_485, %get3A_486] {strides = array<i32>} : memref<16x1000xf32, #tpu.memory_space<vmem>>, vector<16xf32>,
        %add3A_488 = arith.constant 7.360000e+02 : f32
        %add3A_489 = vector.broadcast %add3A_488 : f32 to vector<16xf32>
        %add3A_490 = arith.addf %convert_element_type3A, %add3A_489 : vector<16xf32>
        %gt3A_491 = arith.cmpf ogt, %get3A_487, %get3A_481 : vector<16xf32>
        %max3A_492 = arith.maximumf %get3A_481, %get3A_487 : vector<16xf32>
        %select_n3A_493 = arith.select %gt3A_491, %add3A_490, %add3A_484 : vector<16xi1>, vector<16xf32>
        %get3A_494 = arith.index_cast %scan3A_85 : i32 to index
        %get3A_495 = arith.constant 752 : index
        %get3A_496 = tpu.vector_load %arg4[%get3A_494, %get3A_495] {strides = array<i32>} : memref<16x1000xf32, #tpu.memory_space<vmem>>, vector<16xf32>,
        %add3A_497 = arith.constant 7.520000e+02 : f32
        %add3A_498 = vector.broadcast %add3A_497 : f32 to vector<16xf32>
        %add3A_499 = arith.addf %convert_element_type3A, %add3A_498 : vector<16xf32>
        %gt3A_500 = arith.cmpf ogt, %get3A_496, %max3A_492 : vector<16xf32>
        %max3A_501 = arith.maximumf %max3A_492, %get3A_496 : vector<16xf32>
        %select_n3A_502 = arith.select %gt3A_500, %add3A_499, %select_n3A_493 : vector<16xi1>, vector<16xf32>
        %get3A_503 = arith.index_cast %scan3A_85 : i32 to index
        %get3A_504 = arith.constant 768 : index
        %get3A_505 = tpu.vector_load %arg4[%get3A_503, %get3A_504] {strides = array<i32>} : memref<16x1000xf32, #tpu.memory_space<vmem>>, vector<16xf32>,
        %add3A_506 = arith.constant 7.680000e+02 : f32
        %add3A_507 = vector.broadcast %add3A_506 : f32 to vector<16xf32>
        %add3A_508 = arith.addf %convert_element_type3A, %add3A_507 : vector<16xf32>
        %gt3A_509 = arith.cmpf ogt, %get3A_505, %max3A_501 : vector<16xf32>
        %max3A_510 = arith.maximumf %max3A_501, %get3A_505 : vector<16xf32>
        %select_n3A_511 = arith.select %gt3A_509, %add3A_508, %select_n3A_502 : vector<16xi1>, vector<16xf32>
        %get3A_512 = arith.index_cast %scan3A_85 : i32 to index
        %get3A_513 = arith.constant 784 : index
        %get3A_514 = tpu.vector_load %arg4[%get3A_512, %get3A_513] {strides = array<i32>} : memref<16x1000xf32, #tpu.memory_space<vmem>>, vector<16xf32>,
        %add3A_515 = arith.constant 7.840000e+02 : f32
        %add3A_516 = vector.broadcast %add3A_515 : f32 to vector<16xf32>
        %add3A_517 = arith.addf %convert_element_type3A, %add3A_516 : vector<16xf32>
        %gt3A_518 = arith.cmpf ogt, %get3A_514, %max3A_510 : vector<16xf32>
        %max3A_519 = arith.maximumf %max3A_510, %get3A_514 : vector<16xf32>
        %select_n3A_520 = arith.select %gt3A_518, %add3A_517, %select_n3A_511 : vector<16xi1>, vector<16xf32>
        %get3A_521 = arith.index_cast %scan3A_85 : i32 to index
        %get3A_522 = arith.constant 800 : index
        %get3A_523 = tpu.vector_load %arg4[%get3A_521, %get3A_522] {strides = array<i32>} : memref<16x1000xf32, #tpu.memory_space<vmem>>, vector<16xf32>,
        %add3A_524 = arith.constant 8.000000e+02 : f32
        %add3A_525 = vector.broadcast %add3A_524 : f32 to vector<16xf32>
        %add3A_526 = arith.addf %convert_element_type3A, %add3A_525 : vector<16xf32>
        %gt3A_527 = arith.cmpf ogt, %get3A_523, %max3A_519 : vector<16xf32>
        %max3A_528 = arith.maximumf %max3A_519, %get3A_523 : vector<16xf32>
        %select_n3A_529 = arith.select %gt3A_527, %add3A_526, %select_n3A_520 : vector<16xi1>, vector<16xf32>
        %get3A_530 = arith.index_cast %scan3A_85 : i32 to index
        %get3A_531 = arith.constant 816 : index
        %get3A_532 = tpu.vector_load %arg4[%get3A_530, %get3A_531] {strides = array<i32>} : memref<16x1000xf32, #tpu.memory_space<vmem>>, vector<16xf32>,
        %add3A_533 = arith.constant 8.160000e+02 : f32
        %add3A_534 = vector.broadcast %add3A_533 : f32 to vector<16xf32>
        %add3A_535 = arith.addf %convert_element_type3A, %add3A_534 : vector<16xf32>
        %gt3A_536 = arith.cmpf ogt, %get3A_532, %max3A_528 : vector<16xf32>
        %max3A_537 = arith.maximumf %max3A_528, %get3A_532 : vector<16xf32>
        %select_n3A_538 = arith.select %gt3A_536, %add3A_535, %select_n3A_529 : vector<16xi1>, vector<16xf32>
        %get3A_539 = arith.index_cast %scan3A_85 : i32 to index
        %get3A_540 = arith.constant 832 : index
        %get3A_541 = tpu.vector_load %arg4[%get3A_539, %get3A_540] {strides = array<i32>} : memref<16x1000xf32, #tpu.memory_space<vmem>>, vector<16xf32>,
        %add3A_542 = arith.constant 8.320000e+02 : f32
        %add3A_543 = vector.broadcast %add3A_542 : f32 to vector<16xf32>
        %add3A_544 = arith.addf %convert_element_type3A, %add3A_543 : vector<16xf32>
        %gt3A_545 = arith.cmpf ogt, %get3A_541, %max3A_537 : vector<16xf32>
        %max3A_546 = arith.maximumf %max3A_537, %get3A_541 : vector<16xf32>
        %select_n3A_547 = arith.select %gt3A_545, %add3A_544, %select_n3A_538 : vector<16xi1>, vector<16xf32>
        %get3A_548 = arith.index_cast %scan3A_85 : i32 to index
        %get3A_549 = arith.constant 848 : index
        %get3A_550 = tpu.vector_load %arg4[%get3A_548, %get3A_549] {strides = array<i32>} : memref<16x1000xf32, #tpu.memory_space<vmem>>, vector<16xf32>,
        %add3A_551 = arith.constant 8.480000e+02 : f32
        %add3A_552 = vector.broadcast %add3A_551 : f32 to vector<16xf32>
        %add3A_553 = arith.addf %convert_element_type3A, %add3A_552 : vector<16xf32>
        %gt3A_554 = arith.cmpf ogt, %get3A_550, %max3A_546 : vector<16xf32>
        %max3A_555 = arith.maximumf %max3A_546, %get3A_550 : vector<16xf32>
        %select_n3A_556 = arith.select %gt3A_554, %add3A_553, %select_n3A_547 : vector<16xi1>, vector<16xf32>
        %get3A_557 = arith.index_cast %scan3A_85 : i32 to index
        %get3A_558 = arith.constant 864 : index
        %get3A_559 = tpu.vector_load %arg4[%get3A_557, %get3A_558] {strides = array<i32>} : memref<16x1000xf32, #tpu.memory_space<vmem>>, vector<16xf32>,
        %add3A_560 = arith.constant 8.640000e+02 : f32
        %add3A_561 = vector.broadcast %add3A_560 : f32 to vector<16xf32>
        %add3A_562 = arith.addf %convert_element_type3A, %add3A_561 : vector<16xf32>
        %gt3A_563 = arith.cmpf ogt, %get3A_559, %max3A_555 : vector<16xf32>
        %max3A_564 = arith.maximumf %max3A_555, %get3A_559 : vector<16xf32>
        %select_n3A_565 = arith.select %gt3A_563, %add3A_562, %select_n3A_556 : vector<16xi1>, vector<16xf32>
        %get3A_566 = arith.index_cast %scan3A_85 : i32 to index
        %get3A_567 = arith.constant 880 : index
        %get3A_568 = tpu.vector_load %arg4[%get3A_566, %get3A_567] {strides = array<i32>} : memref<16x1000xf32, #tpu.memory_space<vmem>>, vector<16xf32>,
        %add3A_569 = arith.constant 8.800000e+02 : f32
        %add3A_570 = vector.broadcast %add3A_569 : f32 to vector<16xf32>
        %add3A_571 = arith.addf %convert_element_type3A, %add3A_570 : vector<16xf32>
        %gt3A_572 = arith.cmpf ogt, %get3A_568, %max3A_564 : vector<16xf32>
        %max3A_573 = arith.maximumf %max3A_564, %get3A_568 : vector<16xf32>
        %select_n3A_574 = arith.select %gt3A_572, %add3A_571, %select_n3A_565 : vector<16xi1>, vector<16xf32>
        %get3A_575 = arith.index_cast %scan3A_85 : i32 to index
        %get3A_576 = arith.constant 896 : index
        %get3A_577 = tpu.vector_load %arg4[%get3A_575, %get3A_576] {strides = array<i32>} : memref<16x1000xf32, #tpu.memory_space<vmem>>, vector<16xf32>,
        %add3A_578 = arith.constant 8.960000e+02 : f32
        %add3A_579 = vector.broadcast %add3A_578 : f32 to vector<16xf32>
        %add3A_580 = arith.addf %convert_element_type3A, %add3A_579 : vector<16xf32>
        %gt3A_581 = arith.cmpf ogt, %get3A_577, %max3A_573 : vector<16xf32>
        %max3A_582 = arith.maximumf %max3A_573, %get3A_577 : vector<16xf32>
        %select_n3A_583 = arith.select %gt3A_581, %add3A_580, %select_n3A_574 : vector<16xi1>, vector<16xf32>
        %get3A_584 = arith.index_cast %scan3A_85 : i32 to index
        %get3A_585 = arith.constant 912 : index
        %get3A_586 = tpu.vector_load %arg4[%get3A_584, %get3A_585] {strides = array<i32>} : memref<16x1000xf32, #tpu.memory_space<vmem>>, vector<16xf32>,
        %add3A_587 = arith.constant 9.120000e+02 : f32
        %add3A_588 = vector.broadcast %add3A_587 : f32 to vector<16xf32>
        %add3A_589 = arith.addf %convert_element_type3A, %add3A_588 : vector<16xf32>
        %gt3A_590 = arith.cmpf ogt, %get3A_586, %max3A_582 : vector<16xf32>
        %max3A_591 = arith.maximumf %max3A_582, %get3A_586 : vector<16xf32>
        %select_n3A_592 = arith.select %gt3A_590, %add3A_589, %select_n3A_583 : vector<16xi1>, vector<16xf32>
        %get3A_593 = arith.index_cast %scan3A_85 : i32 to index
        %get3A_594 = arith.constant 928 : index
        %get3A_595 = tpu.vector_load %arg4[%get3A_593, %get3A_594] {strides = array<i32>} : memref<16x1000xf32, #tpu.memory_space<vmem>>, vector<16xf32>,
        %add3A_596 = arith.constant 9.280000e+02 : f32
        %add3A_597 = vector.broadcast %add3A_596 : f32 to vector<16xf32>
        %add3A_598 = arith.addf %convert_element_type3A, %add3A_597 : vector<16xf32>
        %gt3A_599 = arith.cmpf ogt, %get3A_595, %max3A_591 : vector<16xf32>
        %max3A_600 = arith.maximumf %max3A_591, %get3A_595 : vector<16xf32>
        %select_n3A_601 = arith.select %gt3A_599, %add3A_598, %select_n3A_592 : vector<16xi1>, vector<16xf32>
        %get3A_602 = arith.index_cast %scan3A_85 : i32 to index
        %get3A_603 = arith.constant 944 : index
        %get3A_604 = tpu.vector_load %arg4[%get3A_602, %get3A_603] {strides = array<i32>} : memref<16x1000xf32, #tpu.memory_space<vmem>>, vector<16xf32>,
        %add3A_605 = arith.constant 9.440000e+02 : f32
        %add3A_606 = vector.broadcast %add3A_605 : f32 to vector<16xf32>
        %add3A_607 = arith.addf %convert_element_type3A, %add3A_606 : vector<16xf32>
        %gt3A_608 = arith.cmpf ogt, %get3A_604, %max3A_600 : vector<16xf32>
        %max3A_609 = arith.maximumf %max3A_600, %get3A_604 : vector<16xf32>
        %select_n3A_610 = arith.select %gt3A_608, %add3A_607, %select_n3A_601 : vector<16xi1>, vector<16xf32>
        %get3A_611 = arith.index_cast %scan3A_85 : i32 to index
        %get3A_612 = arith.constant 960 : index
        %get3A_613 = tpu.vector_load %arg4[%get3A_611, %get3A_612] {strides = array<i32>} : memref<16x1000xf32, #tpu.memory_space<vmem>>, vector<16xf32>,
        %add3A_614 = arith.constant 9.600000e+02 : f32
        %add3A_615 = vector.broadcast %add3A_614 : f32 to vector<16xf32>
        %add3A_616 = arith.addf %convert_element_type3A, %add3A_615 : vector<16xf32>
        %gt3A_617 = arith.cmpf ogt, %get3A_613, %max3A_609 : vector<16xf32>
        %max3A_618 = arith.maximumf %max3A_609, %get3A_613 : vector<16xf32>
        %select_n3A_619 = arith.select %gt3A_617, %add3A_616, %select_n3A_610 : vector<16xi1>, vector<16xf32>
        %get3A_620 = arith.index_cast %scan3A_85 : i32 to index
        %get3A_621 = arith.constant 976 : index
        %get3A_622 = tpu.vector_load %arg4[%get3A_620, %get3A_621] {strides = array<i32>} : memref<16x1000xf32, #tpu.memory_space<vmem>>, vector<16xf32>,
        %add3A_623 = arith.constant 9.760000e+02 : f32
        %add3A_624 = vector.broadcast %add3A_623 : f32 to vector<16xf32>
        %add3A_625 = arith.addf %convert_element_type3A, %add3A_624 : vector<16xf32>
        %gt3A_626 = arith.cmpf ogt, %get3A_622, %max3A_618 : vector<16xf32>
        %max3A_627 = arith.maximumf %max3A_618, %get3A_622 : vector<16xf32>
        %select_n3A_628 = arith.select %gt3A_626, %add3A_625, %select_n3A_619 : vector<16xi1>, vector<16xf32>
        %get3A_629 = arith.index_cast %scan3A_85 : i32 to index
        %get3A_630 = arith.constant 984 : index
        %get3A_631 = tpu.vector_load %arg4[%get3A_629, %get3A_630] {strides = array<i32>} : memref<16x1000xf32, #tpu.memory_space<vmem>>, vector<16xf32>,
        %add3A_632 = arith.constant 9.840000e+02 : f32
        %add3A_633 = vector.broadcast %add3A_632 : f32 to vector<16xf32>
        %add3A_634 = arith.addf %convert_element_type3A, %add3A_633 : vector<16xf32>
        %gt3A_635 = arith.cmpf ogt, %get3A_631, %max3A_627 : vector<16xf32>
        %max3A_636 = arith.maximumf %max3A_627, %get3A_631 : vector<16xf32>
        %select_n3A_637 = arith.select %gt3A_635, %add3A_634, %select_n3A_628 : vector<16xi1>, vector<16xf32>
        %gt3A_638 = arith.cmpf ogt, %max3A_345, %max3A_213 : vector<16xf32>
        %max3A_639 = arith.maximumf %max3A_213, %max3A_345 : vector<16xf32>
        %select_n3A_640 = arith.select %gt3A_638, %select_n3A_346, %select_n3A_214 : vector<16xi1>, vector<16xf32>
        %gt3A_641 = arith.cmpf ogt, %max3A_636, %max3A_477 : vector<16xf32>
        %max3A_642 = arith.maximumf %max3A_477, %max3A_636 : vector<16xf32>
        %select_n3A_643 = arith.select %gt3A_641, %select_n3A_637, %select_n3A_478 : vector<16xi1>, vector<16xf32>
        %gt3A_644 = arith.cmpf ogt, %max3A_642, %max3A_639 : vector<16xf32>
        %max3A_645 = arith.maximumf %max3A_639, %max3A_642 : vector<16xf32>
        %select_n3A_646 = arith.select %gt3A_644, %select_n3A_643, %select_n3A_640 : vector<16xi1>, vector<16xf32>
        %reduce_max3A = arith.constant true
        %reduce_max3A_647 = vector.broadcast %reduce_max3A : i1 to vector<16xi1>
        %reduce_max3A_648 = tpu.scan <max>, %max3A_645 masked %reduce_max3A_647 : vector<16xf32>, vector<16xi1> -> vector<16xf32>
        %reduce_max3A_649 = vector.extract %reduce_max3A_648[15] : f32 from vector<16xf32>
        %eq3A_650 = vector.broadcast %reduce_max3A_649 : f32 to vector<16xf32>
        %eq3A_651 = arith.cmpf oeq, %max3A_645, %eq3A_650 : vector<16xf32>
        %jit3A = arith.constant 1.000000e+03 : f32
        %broadcast_in_dim3A_652 = vector.broadcast %jit3A : f32 to vector<16xf32>
        %select_n3A_653 = arith.select %eq3A_651, %select_n3A_646, %broadcast_in_dim3A_652 : vector<16xi1>, vector<16xf32>
        %reduce_min3A = arith.constant true
        %reduce_min3A_654 = vector.broadcast %reduce_min3A : i1 to vector<16xi1>
        %reduce_min3A_655 = tpu.scan <min>, %select_n3A_653 masked %reduce_min3A_654 : vector<16xf32>, vector<16xi1> -> vector<16xf32>
        %reduce_min3A_656 = vector.extract %reduce_min3A_655[15] : f32 from vector<16xf32>
        %rem3A = arith.constant 16 : i32
        %rem3A_657 = arith.remsi %scan3A_85, %rem3A : i32
        %iota3A_658 = tpu.iota {dimensions = array<i32: 0>} : vector<16xi32>
        %eq3A_659 = vector.broadcast %rem3A_657 : i32 to vector<16xi32>
        %eq3A_660 = arith.cmpi eq, %iota3A_658, %eq3A_659 : vector<16xi32>
        %broadcast_in_dim3A_661 = arith.constant 1.000000e+00 : f32
        %broadcast_in_dim3A_662 = vector.broadcast %broadcast_in_dim3A_661 : f32 to vector<16xf32>
        %mul3A_663 = vector.broadcast %reduce_min3A_656 : f32 to vector<16xf32>
        %mul3A_664 = arith.mulf %broadcast_in_dim3A_662, %mul3A_663 : vector<16xf32>
        %select_n3A_665 = arith.select %eq3A_660, %mul3A_664, %scan3A_86 : vector<16xi1>, vector<16xf32>
        %eq3A_666 = arith.constant 15 : i32
        %eq3A_667 = arith.cmpi eq, %rem3A_657, %eq3A_666 : i32
        %convert_element_type3A_668 = arith.extui %eq3A_667 : i1 to i32
        %cond3A_669 = arith.constant 0 : i32
        %cond3A_670 = arith.cmpi ne, %convert_element_type3A_668, %cond3A_669 : i32
        scf.if %cond3A_670 {
          %div3A = arith.constant 16 : i32
          %div3A_671 = arith.divsi %scan3A_85, %div3A : i32
          %convert_element_type3A_672 = arith.fptosi %select_n3A_665 : vector<16xf32> to vector<16xi32>
          %mul3A_673 = arith.constant 16 : i32
          %mul3A_674 = arith.muli %mul3A_40, %mul3A_673 : i32
          %mul3A_675 = arith.constant 16 : i32
          %mul3A_676 = arith.muli %div3A_671, %mul3A_675 : i32
          %add3A_677 = arith.addi %mul3A_674, %mul3A_676 : i32
          %swap3A = arith.index_cast %add3A_677 : i32 to index
          %swap3A_678 = tpu.vector_load %arg6[%swap3A] {strides = array<i32>} : memref<800xi32, #tpu.memory_space<vmem>>, vector<16xi32>,
          tpu.vector_store %arg6[%swap3A], %convert_element_type3A_672 {strides = array<i32>} : memref<800xi32, #tpu.memory_space<vmem>>, vector<16xi32>,
        } else {
        }
        scf.yield %select_n3A_665 : vector<16xf32>
      }
      %scan3A_61 = arith.constant 16 : i32
      %add3A_62 = arith.constant 2 : i32
      %add3A_63 = arith.addi %mul3A_40, %add3A_62 : i32
      %lt3A = arith.constant 50 : i32
      %lt3A_64 = arith.cmpi slt, %add3A_63, %lt3A : i32
      %convert_element_type3A_65 = arith.extui %lt3A_64 : i1 to i32
      %cond3A_66 = arith.constant 0 : i32
      %cond3A_67 = arith.cmpi ne, %convert_element_type3A_65, %cond3A_66 : i32
      scf.if %cond3A_67 {
        %add3A_85 = arith.constant 2 : i32
        %add3A_86 = arith.addi %mul3A_40, %add3A_85 : i32
        %mul3A_87 = arith.constant 16 : i32
        %mul3A_88 = arith.muli %add3A_86, %mul3A_87 : i32
        %add3A_89 = arith.addi %add3A_4, %mul3A_88 : i32
        %dma_start3A_90 = arith.constant 0 : i32
        %dma_start3A_91 = tpu.memref_slice %arg2[%add3A_89, %dma_start3A_90] : memref<100000x1000xf32, #tpu.memory_space<hbm>> -> memref<16x1000xf32, #tpu.memory_space<hbm>>
        %dma_start3A_92 = arith.constant 0 : i32
        %dma_start3A_93 = tpu.memref_slice %arg2[%add3A_89, %dma_start3A_92] : memref<100000x1000xf32, #tpu.memory_space<hbm>> -> memref<16x1000xf32, #tpu.memory_space<hbm>>
        tpu.enqueue_dma source(%dma_start3A_93 : memref<16x1000xf32, #tpu.memory_space<hbm>>) target(%arg4 : memref<16x1000xf32, #tpu.memory_space<vmem>>) target_semaphore(%arg10 : memref<!tpu.dma_semaphore, #tpu.memory_space<semaphore_mem>>)
      } else {
      }
      %add3A_68 = arith.constant 1 : i32
      %add3A_69 = arith.addi %mul3A_40, %add3A_68 : i32
      %mul3A_70 = arith.constant 16 : i32
      %mul3A_71 = arith.muli %add3A_69, %mul3A_70 : i32
      %add3A_72 = arith.addi %add3A_4, %mul3A_71 : i32
      %dma_wait3A_73 = arith.constant 0 : i32
      %dma_wait3A_74 = tpu.memref_slice %arg2[%add3A_72, %dma_wait3A_73] : memref<100000x1000xf32, #tpu.memory_space<hbm>> -> memref<16x1000xf32, #tpu.memory_space<hbm>>
      %dma_wait3A_75 = arith.constant 0 : i32
      %dma_wait3A_76 = tpu.memref_slice %arg2[%add3A_72, %dma_wait3A_75] : memref<100000x1000xf32, #tpu.memory_space<hbm>> -> memref<16x1000xf32, #tpu.memory_space<hbm>>
      tpu.wait_dma2 semaphore(%arg11 : memref<!tpu.dma_semaphore, #tpu.memory_space<semaphore_mem>>) src(%dma_wait3A_76 : memref<16x1000xf32, #tpu.memory_space<hbm>>) dst(%arg5 : memref<16x1000xf32, #tpu.memory_space<vmem>>)
      %add3A_77 = arith.constant 1 : i32
      %add3A_78 = arith.addi %mul3A_40, %add3A_77 : i32
      %scan3A_79 = arith.constant 0 : i32
      %scan3A_80 = arith.constant 16 : i32
      %scan3A_81 = arith.addi %scan3A_79, %scan3A_80 : i32
      %scan3A_82 = arith.constant 1 : i32
      %scan3A_83 = scf.for %scan3A_85 = %scan3A_79 to %scan3A_81 step %scan3A_82 iter_args(%scan3A_86 = %scan3A_60) -> (vector<16xf32>)  : i32 {
        %get3A = arith.index_cast %scan3A_85 : i32 to index
        %get3A_87 = arith.constant 0 : index
        %get3A_88 = tpu.vector_load %arg5[%get3A, %get3A_87] {strides = array<i32>} : memref<16x1000xf32, #tpu.memory_space<vmem>>, vector<16xf32>,
        %add3A_89 = arith.constant 0.000000e+00 : f32
        %add3A_90 = vector.broadcast %add3A_89 : f32 to vector<16xf32>
        %add3A_91 = arith.addf %convert_element_type3A, %add3A_90 : vector<16xf32>
        %get3A_92 = arith.index_cast %scan3A_85 : i32 to index
        %get3A_93 = arith.constant 16 : index
        %get3A_94 = tpu.vector_load %arg5[%get3A_92, %get3A_93] {strides = array<i32>} : memref<16x1000xf32, #tpu.memory_space<vmem>>, vector<16xf32>,
        %add3A_95 = arith.constant 1.600000e+01 : f32
        %add3A_96 = vector.broadcast %add3A_95 : f32 to vector<16xf32>
        %add3A_97 = arith.addf %convert_element_type3A, %add3A_96 : vector<16xf32>
        %gt3A = arith.cmpf ogt, %get3A_94, %get3A_88 : vector<16xf32>
        %max3A = arith.maximumf %get3A_88, %get3A_94 : vector<16xf32>
        %select_n3A = arith.select %gt3A, %add3A_97, %add3A_91 : vector<16xi1>, vector<16xf32>
        %get3A_98 = arith.index_cast %scan3A_85 : i32 to index
        %get3A_99 = arith.constant 32 : index
        %get3A_100 = tpu.vector_load %arg5[%get3A_98, %get3A_99] {strides = array<i32>} : memref<16x1000xf32, #tpu.memory_space<vmem>>, vector<16xf32>,
        %add3A_101 = arith.constant 3.200000e+01 : f32
        %add3A_102 = vector.broadcast %add3A_101 : f32 to vector<16xf32>
        %add3A_103 = arith.addf %convert_element_type3A, %add3A_102 : vector<16xf32>
        %gt3A_104 = arith.cmpf ogt, %get3A_100, %max3A : vector<16xf32>
        %max3A_105 = arith.maximumf %max3A, %get3A_100 : vector<16xf32>
        %select_n3A_106 = arith.select %gt3A_104, %add3A_103, %select_n3A : vector<16xi1>, vector<16xf32>
        %get3A_107 = arith.index_cast %scan3A_85 : i32 to index
        %get3A_108 = arith.constant 48 : index
        %get3A_109 = tpu.vector_load %arg5[%get3A_107, %get3A_108] {strides = array<i32>} : memref<16x1000xf32, #tpu.memory_space<vmem>>, vector<16xf32>,
        %add3A_110 = arith.constant 4.800000e+01 : f32
        %add3A_111 = vector.broadcast %add3A_110 : f32 to vector<16xf32>
        %add3A_112 = arith.addf %convert_element_type3A, %add3A_111 : vector<16xf32>
        %gt3A_113 = arith.cmpf ogt, %get3A_109, %max3A_105 : vector<16xf32>
        %max3A_114 = arith.maximumf %max3A_105, %get3A_109 : vector<16xf32>
        %select_n3A_115 = arith.select %gt3A_113, %add3A_112, %select_n3A_106 : vector<16xi1>, vector<16xf32>
        %get3A_116 = arith.index_cast %scan3A_85 : i32 to index
        %get3A_117 = arith.constant 64 : index
        %get3A_118 = tpu.vector_load %arg5[%get3A_116, %get3A_117] {strides = array<i32>} : memref<16x1000xf32, #tpu.memory_space<vmem>>, vector<16xf32>,
        %add3A_119 = arith.constant 6.400000e+01 : f32
        %add3A_120 = vector.broadcast %add3A_119 : f32 to vector<16xf32>
        %add3A_121 = arith.addf %convert_element_type3A, %add3A_120 : vector<16xf32>
        %gt3A_122 = arith.cmpf ogt, %get3A_118, %max3A_114 : vector<16xf32>
        %max3A_123 = arith.maximumf %max3A_114, %get3A_118 : vector<16xf32>
        %select_n3A_124 = arith.select %gt3A_122, %add3A_121, %select_n3A_115 : vector<16xi1>, vector<16xf32>
        %get3A_125 = arith.index_cast %scan3A_85 : i32 to index
        %get3A_126 = arith.constant 80 : index
        %get3A_127 = tpu.vector_load %arg5[%get3A_125, %get3A_126] {strides = array<i32>} : memref<16x1000xf32, #tpu.memory_space<vmem>>, vector<16xf32>,
        %add3A_128 = arith.constant 8.000000e+01 : f32
        %add3A_129 = vector.broadcast %add3A_128 : f32 to vector<16xf32>
        %add3A_130 = arith.addf %convert_element_type3A, %add3A_129 : vector<16xf32>
        %gt3A_131 = arith.cmpf ogt, %get3A_127, %max3A_123 : vector<16xf32>
        %max3A_132 = arith.maximumf %max3A_123, %get3A_127 : vector<16xf32>
        %select_n3A_133 = arith.select %gt3A_131, %add3A_130, %select_n3A_124 : vector<16xi1>, vector<16xf32>
        %get3A_134 = arith.index_cast %scan3A_85 : i32 to index
        %get3A_135 = arith.constant 96 : index
        %get3A_136 = tpu.vector_load %arg5[%get3A_134, %get3A_135] {strides = array<i32>} : memref<16x1000xf32, #tpu.memory_space<vmem>>, vector<16xf32>,
        %add3A_137 = arith.constant 9.600000e+01 : f32
        %add3A_138 = vector.broadcast %add3A_137 : f32 to vector<16xf32>
        %add3A_139 = arith.addf %convert_element_type3A, %add3A_138 : vector<16xf32>
        %gt3A_140 = arith.cmpf ogt, %get3A_136, %max3A_132 : vector<16xf32>
        %max3A_141 = arith.maximumf %max3A_132, %get3A_136 : vector<16xf32>
        %select_n3A_142 = arith.select %gt3A_140, %add3A_139, %select_n3A_133 : vector<16xi1>, vector<16xf32>
        %get3A_143 = arith.index_cast %scan3A_85 : i32 to index
        %get3A_144 = arith.constant 112 : index
        %get3A_145 = tpu.vector_load %arg5[%get3A_143, %get3A_144] {strides = array<i32>} : memref<16x1000xf32, #tpu.memory_space<vmem>>, vector<16xf32>,
        %add3A_146 = arith.constant 1.120000e+02 : f32
        %add3A_147 = vector.broadcast %add3A_146 : f32 to vector<16xf32>
        %add3A_148 = arith.addf %convert_element_type3A, %add3A_147 : vector<16xf32>
        %gt3A_149 = arith.cmpf ogt, %get3A_145, %max3A_141 : vector<16xf32>
        %max3A_150 = arith.maximumf %max3A_141, %get3A_145 : vector<16xf32>
        %select_n3A_151 = arith.select %gt3A_149, %add3A_148, %select_n3A_142 : vector<16xi1>, vector<16xf32>
        %get3A_152 = arith.index_cast %scan3A_85 : i32 to index
        %get3A_153 = arith.constant 128 : index
        %get3A_154 = tpu.vector_load %arg5[%get3A_152, %get3A_153] {strides = array<i32>} : memref<16x1000xf32, #tpu.memory_space<vmem>>, vector<16xf32>,
        %add3A_155 = arith.constant 1.280000e+02 : f32
        %add3A_156 = vector.broadcast %add3A_155 : f32 to vector<16xf32>
        %add3A_157 = arith.addf %convert_element_type3A, %add3A_156 : vector<16xf32>
        %gt3A_158 = arith.cmpf ogt, %get3A_154, %max3A_150 : vector<16xf32>
        %max3A_159 = arith.maximumf %max3A_150, %get3A_154 : vector<16xf32>
        %select_n3A_160 = arith.select %gt3A_158, %add3A_157, %select_n3A_151 : vector<16xi1>, vector<16xf32>
        %get3A_161 = arith.index_cast %scan3A_85 : i32 to index
        %get3A_162 = arith.constant 144 : index
        %get3A_163 = tpu.vector_load %arg5[%get3A_161, %get3A_162] {strides = array<i32>} : memref<16x1000xf32, #tpu.memory_space<vmem>>, vector<16xf32>,
        %add3A_164 = arith.constant 1.440000e+02 : f32
        %add3A_165 = vector.broadcast %add3A_164 : f32 to vector<16xf32>
        %add3A_166 = arith.addf %convert_element_type3A, %add3A_165 : vector<16xf32>
        %gt3A_167 = arith.cmpf ogt, %get3A_163, %max3A_159 : vector<16xf32>
        %max3A_168 = arith.maximumf %max3A_159, %get3A_163 : vector<16xf32>
        %select_n3A_169 = arith.select %gt3A_167, %add3A_166, %select_n3A_160 : vector<16xi1>, vector<16xf32>
        %get3A_170 = arith.index_cast %scan3A_85 : i32 to index
        %get3A_171 = arith.constant 160 : index
        %get3A_172 = tpu.vector_load %arg5[%get3A_170, %get3A_171] {strides = array<i32>} : memref<16x1000xf32, #tpu.memory_space<vmem>>, vector<16xf32>,
        %add3A_173 = arith.constant 1.600000e+02 : f32
        %add3A_174 = vector.broadcast %add3A_173 : f32 to vector<16xf32>
        %add3A_175 = arith.addf %convert_element_type3A, %add3A_174 : vector<16xf32>
        %gt3A_176 = arith.cmpf ogt, %get3A_172, %max3A_168 : vector<16xf32>
        %max3A_177 = arith.maximumf %max3A_168, %get3A_172 : vector<16xf32>
        %select_n3A_178 = arith.select %gt3A_176, %add3A_175, %select_n3A_169 : vector<16xi1>, vector<16xf32>
        %get3A_179 = arith.index_cast %scan3A_85 : i32 to index
        %get3A_180 = arith.constant 176 : index
        %get3A_181 = tpu.vector_load %arg5[%get3A_179, %get3A_180] {strides = array<i32>} : memref<16x1000xf32, #tpu.memory_space<vmem>>, vector<16xf32>,
        %add3A_182 = arith.constant 1.760000e+02 : f32
        %add3A_183 = vector.broadcast %add3A_182 : f32 to vector<16xf32>
        %add3A_184 = arith.addf %convert_element_type3A, %add3A_183 : vector<16xf32>
        %gt3A_185 = arith.cmpf ogt, %get3A_181, %max3A_177 : vector<16xf32>
        %max3A_186 = arith.maximumf %max3A_177, %get3A_181 : vector<16xf32>
        %select_n3A_187 = arith.select %gt3A_185, %add3A_184, %select_n3A_178 : vector<16xi1>, vector<16xf32>
        %get3A_188 = arith.index_cast %scan3A_85 : i32 to index
        %get3A_189 = arith.constant 192 : index
        %get3A_190 = tpu.vector_load %arg5[%get3A_188, %get3A_189] {strides = array<i32>} : memref<16x1000xf32, #tpu.memory_space<vmem>>, vector<16xf32>,
        %add3A_191 = arith.constant 1.920000e+02 : f32
        %add3A_192 = vector.broadcast %add3A_191 : f32 to vector<16xf32>
        %add3A_193 = arith.addf %convert_element_type3A, %add3A_192 : vector<16xf32>
        %gt3A_194 = arith.cmpf ogt, %get3A_190, %max3A_186 : vector<16xf32>
        %max3A_195 = arith.maximumf %max3A_186, %get3A_190 : vector<16xf32>
        %select_n3A_196 = arith.select %gt3A_194, %add3A_193, %select_n3A_187 : vector<16xi1>, vector<16xf32>
        %get3A_197 = arith.index_cast %scan3A_85 : i32 to index
        %get3A_198 = arith.constant 208 : index
        %get3A_199 = tpu.vector_load %arg5[%get3A_197, %get3A_198] {strides = array<i32>} : memref<16x1000xf32, #tpu.memory_space<vmem>>, vector<16xf32>,
        %add3A_200 = arith.constant 2.080000e+02 : f32
        %add3A_201 = vector.broadcast %add3A_200 : f32 to vector<16xf32>
        %add3A_202 = arith.addf %convert_element_type3A, %add3A_201 : vector<16xf32>
        %gt3A_203 = arith.cmpf ogt, %get3A_199, %max3A_195 : vector<16xf32>
        %max3A_204 = arith.maximumf %max3A_195, %get3A_199 : vector<16xf32>
        %select_n3A_205 = arith.select %gt3A_203, %add3A_202, %select_n3A_196 : vector<16xi1>, vector<16xf32>
        %get3A_206 = arith.index_cast %scan3A_85 : i32 to index
        %get3A_207 = arith.constant 224 : index
        %get3A_208 = tpu.vector_load %arg5[%get3A_206, %get3A_207] {strides = array<i32>} : memref<16x1000xf32, #tpu.memory_space<vmem>>, vector<16xf32>,
        %add3A_209 = arith.constant 2.240000e+02 : f32
        %add3A_210 = vector.broadcast %add3A_209 : f32 to vector<16xf32>
        %add3A_211 = arith.addf %convert_element_type3A, %add3A_210 : vector<16xf32>
        %gt3A_212 = arith.cmpf ogt, %get3A_208, %max3A_204 : vector<16xf32>
        %max3A_213 = arith.maximumf %max3A_204, %get3A_208 : vector<16xf32>
        %select_n3A_214 = arith.select %gt3A_212, %add3A_211, %select_n3A_205 : vector<16xi1>, vector<16xf32>
        %get3A_215 = arith.index_cast %scan3A_85 : i32 to index
        %get3A_216 = arith.constant 240 : index
        %get3A_217 = tpu.vector_load %arg5[%get3A_215, %get3A_216] {strides = array<i32>} : memref<16x1000xf32, #tpu.memory_space<vmem>>, vector<16xf32>,
        %add3A_218 = arith.constant 2.400000e+02 : f32
        %add3A_219 = vector.broadcast %add3A_218 : f32 to vector<16xf32>
        %add3A_220 = arith.addf %convert_element_type3A, %add3A_219 : vector<16xf32>
        %get3A_221 = arith.index_cast %scan3A_85 : i32 to index
        %get3A_222 = arith.constant 256 : index
        %get3A_223 = tpu.vector_load %arg5[%get3A_221, %get3A_222] {strides = array<i32>} : memref<16x1000xf32, #tpu.memory_space<vmem>>, vector<16xf32>,
        %add3A_224 = arith.constant 2.560000e+02 : f32
        %add3A_225 = vector.broadcast %add3A_224 : f32 to vector<16xf32>
        %add3A_226 = arith.addf %convert_element_type3A, %add3A_225 : vector<16xf32>
        %gt3A_227 = arith.cmpf ogt, %get3A_223, %get3A_217 : vector<16xf32>
        %max3A_228 = arith.maximumf %get3A_217, %get3A_223 : vector<16xf32>
        %select_n3A_229 = arith.select %gt3A_227, %add3A_226, %add3A_220 : vector<16xi1>, vector<16xf32>
        %get3A_230 = arith.index_cast %scan3A_85 : i32 to index
        %get3A_231 = arith.constant 272 : index
        %get3A_232 = tpu.vector_load %arg5[%get3A_230, %get3A_231] {strides = array<i32>} : memref<16x1000xf32, #tpu.memory_space<vmem>>, vector<16xf32>,
        %add3A_233 = arith.constant 2.720000e+02 : f32
        %add3A_234 = vector.broadcast %add3A_233 : f32 to vector<16xf32>
        %add3A_235 = arith.addf %convert_element_type3A, %add3A_234 : vector<16xf32>
        %gt3A_236 = arith.cmpf ogt, %get3A_232, %max3A_228 : vector<16xf32>
        %max3A_237 = arith.maximumf %max3A_228, %get3A_232 : vector<16xf32>
        %select_n3A_238 = arith.select %gt3A_236, %add3A_235, %select_n3A_229 : vector<16xi1>, vector<16xf32>
        %get3A_239 = arith.index_cast %scan3A_85 : i32 to index
        %get3A_240 = arith.constant 288 : index
        %get3A_241 = tpu.vector_load %arg5[%get3A_239, %get3A_240] {strides = array<i32>} : memref<16x1000xf32, #tpu.memory_space<vmem>>, vector<16xf32>,
        %add3A_242 = arith.constant 2.880000e+02 : f32
        %add3A_243 = vector.broadcast %add3A_242 : f32 to vector<16xf32>
        %add3A_244 = arith.addf %convert_element_type3A, %add3A_243 : vector<16xf32>
        %gt3A_245 = arith.cmpf ogt, %get3A_241, %max3A_237 : vector<16xf32>
        %max3A_246 = arith.maximumf %max3A_237, %get3A_241 : vector<16xf32>
        %select_n3A_247 = arith.select %gt3A_245, %add3A_244, %select_n3A_238 : vector<16xi1>, vector<16xf32>
        %get3A_248 = arith.index_cast %scan3A_85 : i32 to index
        %get3A_249 = arith.constant 304 : index
        %get3A_250 = tpu.vector_load %arg5[%get3A_248, %get3A_249] {strides = array<i32>} : memref<16x1000xf32, #tpu.memory_space<vmem>>, vector<16xf32>,
        %add3A_251 = arith.constant 3.040000e+02 : f32
        %add3A_252 = vector.broadcast %add3A_251 : f32 to vector<16xf32>
        %add3A_253 = arith.addf %convert_element_type3A, %add3A_252 : vector<16xf32>
        %gt3A_254 = arith.cmpf ogt, %get3A_250, %max3A_246 : vector<16xf32>
        %max3A_255 = arith.maximumf %max3A_246, %get3A_250 : vector<16xf32>
        %select_n3A_256 = arith.select %gt3A_254, %add3A_253, %select_n3A_247 : vector<16xi1>, vector<16xf32>
        %get3A_257 = arith.index_cast %scan3A_85 : i32 to index
        %get3A_258 = arith.constant 320 : index
        %get3A_259 = tpu.vector_load %arg5[%get3A_257, %get3A_258] {strides = array<i32>} : memref<16x1000xf32, #tpu.memory_space<vmem>>, vector<16xf32>,
        %add3A_260 = arith.constant 3.200000e+02 : f32
        %add3A_261 = vector.broadcast %add3A_260 : f32 to vector<16xf32>
        %add3A_262 = arith.addf %convert_element_type3A, %add3A_261 : vector<16xf32>
        %gt3A_263 = arith.cmpf ogt, %get3A_259, %max3A_255 : vector<16xf32>
        %max3A_264 = arith.maximumf %max3A_255, %get3A_259 : vector<16xf32>
        %select_n3A_265 = arith.select %gt3A_263, %add3A_262, %select_n3A_256 : vector<16xi1>, vector<16xf32>
        %get3A_266 = arith.index_cast %scan3A_85 : i32 to index
        %get3A_267 = arith.constant 336 : index
        %get3A_268 = tpu.vector_load %arg5[%get3A_266, %get3A_267] {strides = array<i32>} : memref<16x1000xf32, #tpu.memory_space<vmem>>, vector<16xf32>,
        %add3A_269 = arith.constant 3.360000e+02 : f32
        %add3A_270 = vector.broadcast %add3A_269 : f32 to vector<16xf32>
        %add3A_271 = arith.addf %convert_element_type3A, %add3A_270 : vector<16xf32>
        %gt3A_272 = arith.cmpf ogt, %get3A_268, %max3A_264 : vector<16xf32>
        %max3A_273 = arith.maximumf %max3A_264, %get3A_268 : vector<16xf32>
        %select_n3A_274 = arith.select %gt3A_272, %add3A_271, %select_n3A_265 : vector<16xi1>, vector<16xf32>
        %get3A_275 = arith.index_cast %scan3A_85 : i32 to index
        %get3A_276 = arith.constant 352 : index
        %get3A_277 = tpu.vector_load %arg5[%get3A_275, %get3A_276] {strides = array<i32>} : memref<16x1000xf32, #tpu.memory_space<vmem>>, vector<16xf32>,
        %add3A_278 = arith.constant 3.520000e+02 : f32
        %add3A_279 = vector.broadcast %add3A_278 : f32 to vector<16xf32>
        %add3A_280 = arith.addf %convert_element_type3A, %add3A_279 : vector<16xf32>
        %gt3A_281 = arith.cmpf ogt, %get3A_277, %max3A_273 : vector<16xf32>
        %max3A_282 = arith.maximumf %max3A_273, %get3A_277 : vector<16xf32>
        %select_n3A_283 = arith.select %gt3A_281, %add3A_280, %select_n3A_274 : vector<16xi1>, vector<16xf32>
        %get3A_284 = arith.index_cast %scan3A_85 : i32 to index
        %get3A_285 = arith.constant 368 : index
        %get3A_286 = tpu.vector_load %arg5[%get3A_284, %get3A_285] {strides = array<i32>} : memref<16x1000xf32, #tpu.memory_space<vmem>>, vector<16xf32>,
        %add3A_287 = arith.constant 3.680000e+02 : f32
        %add3A_288 = vector.broadcast %add3A_287 : f32 to vector<16xf32>
        %add3A_289 = arith.addf %convert_element_type3A, %add3A_288 : vector<16xf32>
        %gt3A_290 = arith.cmpf ogt, %get3A_286, %max3A_282 : vector<16xf32>
        %max3A_291 = arith.maximumf %max3A_282, %get3A_286 : vector<16xf32>
        %select_n3A_292 = arith.select %gt3A_290, %add3A_289, %select_n3A_283 : vector<16xi1>, vector<16xf32>
        %get3A_293 = arith.index_cast %scan3A_85 : i32 to index
        %get3A_294 = arith.constant 384 : index
        %get3A_295 = tpu.vector_load %arg5[%get3A_293, %get3A_294] {strides = array<i32>} : memref<16x1000xf32, #tpu.memory_space<vmem>>, vector<16xf32>,
        %add3A_296 = arith.constant 3.840000e+02 : f32
        %add3A_297 = vector.broadcast %add3A_296 : f32 to vector<16xf32>
        %add3A_298 = arith.addf %convert_element_type3A, %add3A_297 : vector<16xf32>
        %gt3A_299 = arith.cmpf ogt, %get3A_295, %max3A_291 : vector<16xf32>
        %max3A_300 = arith.maximumf %max3A_291, %get3A_295 : vector<16xf32>
        %select_n3A_301 = arith.select %gt3A_299, %add3A_298, %select_n3A_292 : vector<16xi1>, vector<16xf32>
        %get3A_302 = arith.index_cast %scan3A_85 : i32 to index
        %get3A_303 = arith.constant 400 : index
        %get3A_304 = tpu.vector_load %arg5[%get3A_302, %get3A_303] {strides = array<i32>} : memref<16x1000xf32, #tpu.memory_space<vmem>>, vector<16xf32>,
        %add3A_305 = arith.constant 4.000000e+02 : f32
        %add3A_306 = vector.broadcast %add3A_305 : f32 to vector<16xf32>
        %add3A_307 = arith.addf %convert_element_type3A, %add3A_306 : vector<16xf32>
        %gt3A_308 = arith.cmpf ogt, %get3A_304, %max3A_300 : vector<16xf32>
        %max3A_309 = arith.maximumf %max3A_300, %get3A_304 : vector<16xf32>
        %select_n3A_310 = arith.select %gt3A_308, %add3A_307, %select_n3A_301 : vector<16xi1>, vector<16xf32>
        %get3A_311 = arith.index_cast %scan3A_85 : i32 to index
        %get3A_312 = arith.constant 416 : index
        %get3A_313 = tpu.vector_load %arg5[%get3A_311, %get3A_312] {strides = array<i32>} : memref<16x1000xf32, #tpu.memory_space<vmem>>, vector<16xf32>,
        %add3A_314 = arith.constant 4.160000e+02 : f32
        %add3A_315 = vector.broadcast %add3A_314 : f32 to vector<16xf32>
        %add3A_316 = arith.addf %convert_element_type3A, %add3A_315 : vector<16xf32>
        %gt3A_317 = arith.cmpf ogt, %get3A_313, %max3A_309 : vector<16xf32>
        %max3A_318 = arith.maximumf %max3A_309, %get3A_313 : vector<16xf32>
        %select_n3A_319 = arith.select %gt3A_317, %add3A_316, %select_n3A_310 : vector<16xi1>, vector<16xf32>
        %get3A_320 = arith.index_cast %scan3A_85 : i32 to index
        %get3A_321 = arith.constant 432 : index
        %get3A_322 = tpu.vector_load %arg5[%get3A_320, %get3A_321] {strides = array<i32>} : memref<16x1000xf32, #tpu.memory_space<vmem>>, vector<16xf32>,
        %add3A_323 = arith.constant 4.320000e+02 : f32
        %add3A_324 = vector.broadcast %add3A_323 : f32 to vector<16xf32>
        %add3A_325 = arith.addf %convert_element_type3A, %add3A_324 : vector<16xf32>
        %gt3A_326 = arith.cmpf ogt, %get3A_322, %max3A_318 : vector<16xf32>
        %max3A_327 = arith.maximumf %max3A_318, %get3A_322 : vector<16xf32>
        %select_n3A_328 = arith.select %gt3A_326, %add3A_325, %select_n3A_319 : vector<16xi1>, vector<16xf32>
        %get3A_329 = arith.index_cast %scan3A_85 : i32 to index
        %get3A_330 = arith.constant 448 : index
        %get3A_331 = tpu.vector_load %arg5[%get3A_329, %get3A_330] {strides = array<i32>} : memref<16x1000xf32, #tpu.memory_space<vmem>>, vector<16xf32>,
        %add3A_332 = arith.constant 4.480000e+02 : f32
        %add3A_333 = vector.broadcast %add3A_332 : f32 to vector<16xf32>
        %add3A_334 = arith.addf %convert_element_type3A, %add3A_333 : vector<16xf32>
        %gt3A_335 = arith.cmpf ogt, %get3A_331, %max3A_327 : vector<16xf32>
        %max3A_336 = arith.maximumf %max3A_327, %get3A_331 : vector<16xf32>
        %select_n3A_337 = arith.select %gt3A_335, %add3A_334, %select_n3A_328 : vector<16xi1>, vector<16xf32>
        %get3A_338 = arith.index_cast %scan3A_85 : i32 to index
        %get3A_339 = arith.constant 464 : index
        %get3A_340 = tpu.vector_load %arg5[%get3A_338, %get3A_339] {strides = array<i32>} : memref<16x1000xf32, #tpu.memory_space<vmem>>, vector<16xf32>,
        %add3A_341 = arith.constant 4.640000e+02 : f32
        %add3A_342 = vector.broadcast %add3A_341 : f32 to vector<16xf32>
        %add3A_343 = arith.addf %convert_element_type3A, %add3A_342 : vector<16xf32>
        %gt3A_344 = arith.cmpf ogt, %get3A_340, %max3A_336 : vector<16xf32>
        %max3A_345 = arith.maximumf %max3A_336, %get3A_340 : vector<16xf32>
        %select_n3A_346 = arith.select %gt3A_344, %add3A_343, %select_n3A_337 : vector<16xi1>, vector<16xf32>
        %get3A_347 = arith.index_cast %scan3A_85 : i32 to index
        %get3A_348 = arith.constant 480 : index
        %get3A_349 = tpu.vector_load %arg5[%get3A_347, %get3A_348] {strides = array<i32>} : memref<16x1000xf32, #tpu.memory_space<vmem>>, vector<16xf32>,
        %add3A_350 = arith.constant 4.800000e+02 : f32
        %add3A_351 = vector.broadcast %add3A_350 : f32 to vector<16xf32>
        %add3A_352 = arith.addf %convert_element_type3A, %add3A_351 : vector<16xf32>
        %get3A_353 = arith.index_cast %scan3A_85 : i32 to index
        %get3A_354 = arith.constant 496 : index
        %get3A_355 = tpu.vector_load %arg5[%get3A_353, %get3A_354] {strides = array<i32>} : memref<16x1000xf32, #tpu.memory_space<vmem>>, vector<16xf32>,
        %add3A_356 = arith.constant 4.960000e+02 : f32
        %add3A_357 = vector.broadcast %add3A_356 : f32 to vector<16xf32>
        %add3A_358 = arith.addf %convert_element_type3A, %add3A_357 : vector<16xf32>
        %gt3A_359 = arith.cmpf ogt, %get3A_355, %get3A_349 : vector<16xf32>
        %max3A_360 = arith.maximumf %get3A_349, %get3A_355 : vector<16xf32>
        %select_n3A_361 = arith.select %gt3A_359, %add3A_358, %add3A_352 : vector<16xi1>, vector<16xf32>
        %get3A_362 = arith.index_cast %scan3A_85 : i32 to index
        %get3A_363 = arith.constant 512 : index
        %get3A_364 = tpu.vector_load %arg5[%get3A_362, %get3A_363] {strides = array<i32>} : memref<16x1000xf32, #tpu.memory_space<vmem>>, vector<16xf32>,
        %add3A_365 = arith.constant 5.120000e+02 : f32
        %add3A_366 = vector.broadcast %add3A_365 : f32 to vector<16xf32>
        %add3A_367 = arith.addf %convert_element_type3A, %add3A_366 : vector<16xf32>
        %gt3A_368 = arith.cmpf ogt, %get3A_364, %max3A_360 : vector<16xf32>
        %max3A_369 = arith.maximumf %max3A_360, %get3A_364 : vector<16xf32>
        %select_n3A_370 = arith.select %gt3A_368, %add3A_367, %select_n3A_361 : vector<16xi1>, vector<16xf32>
        %get3A_371 = arith.index_cast %scan3A_85 : i32 to index
        %get3A_372 = arith.constant 528 : index
        %get3A_373 = tpu.vector_load %arg5[%get3A_371, %get3A_372] {strides = array<i32>} : memref<16x1000xf32, #tpu.memory_space<vmem>>, vector<16xf32>,
        %add3A_374 = arith.constant 5.280000e+02 : f32
        %add3A_375 = vector.broadcast %add3A_374 : f32 to vector<16xf32>
        %add3A_376 = arith.addf %convert_element_type3A, %add3A_375 : vector<16xf32>
        %gt3A_377 = arith.cmpf ogt, %get3A_373, %max3A_369 : vector<16xf32>
        %max3A_378 = arith.maximumf %max3A_369, %get3A_373 : vector<16xf32>
        %select_n3A_379 = arith.select %gt3A_377, %add3A_376, %select_n3A_370 : vector<16xi1>, vector<16xf32>
        %get3A_380 = arith.index_cast %scan3A_85 : i32 to index
        %get3A_381 = arith.constant 544 : index
        %get3A_382 = tpu.vector_load %arg5[%get3A_380, %get3A_381] {strides = array<i32>} : memref<16x1000xf32, #tpu.memory_space<vmem>>, vector<16xf32>,
        %add3A_383 = arith.constant 5.440000e+02 : f32
        %add3A_384 = vector.broadcast %add3A_383 : f32 to vector<16xf32>
        %add3A_385 = arith.addf %convert_element_type3A, %add3A_384 : vector<16xf32>
        %gt3A_386 = arith.cmpf ogt, %get3A_382, %max3A_378 : vector<16xf32>
        %max3A_387 = arith.maximumf %max3A_378, %get3A_382 : vector<16xf32>
        %select_n3A_388 = arith.select %gt3A_386, %add3A_385, %select_n3A_379 : vector<16xi1>, vector<16xf32>
        %get3A_389 = arith.index_cast %scan3A_85 : i32 to index
        %get3A_390 = arith.constant 560 : index
        %get3A_391 = tpu.vector_load %arg5[%get3A_389, %get3A_390] {strides = array<i32>} : memref<16x1000xf32, #tpu.memory_space<vmem>>, vector<16xf32>,
        %add3A_392 = arith.constant 5.600000e+02 : f32
        %add3A_393 = vector.broadcast %add3A_392 : f32 to vector<16xf32>
        %add3A_394 = arith.addf %convert_element_type3A, %add3A_393 : vector<16xf32>
        %gt3A_395 = arith.cmpf ogt, %get3A_391, %max3A_387 : vector<16xf32>
        %max3A_396 = arith.maximumf %max3A_387, %get3A_391 : vector<16xf32>
        %select_n3A_397 = arith.select %gt3A_395, %add3A_394, %select_n3A_388 : vector<16xi1>, vector<16xf32>
        %get3A_398 = arith.index_cast %scan3A_85 : i32 to index
        %get3A_399 = arith.constant 576 : index
        %get3A_400 = tpu.vector_load %arg5[%get3A_398, %get3A_399] {strides = array<i32>} : memref<16x1000xf32, #tpu.memory_space<vmem>>, vector<16xf32>,
        %add3A_401 = arith.constant 5.760000e+02 : f32
        %add3A_402 = vector.broadcast %add3A_401 : f32 to vector<16xf32>
        %add3A_403 = arith.addf %convert_element_type3A, %add3A_402 : vector<16xf32>
        %gt3A_404 = arith.cmpf ogt, %get3A_400, %max3A_396 : vector<16xf32>
        %max3A_405 = arith.maximumf %max3A_396, %get3A_400 : vector<16xf32>
        %select_n3A_406 = arith.select %gt3A_404, %add3A_403, %select_n3A_397 : vector<16xi1>, vector<16xf32>
        %get3A_407 = arith.index_cast %scan3A_85 : i32 to index
        %get3A_408 = arith.constant 592 : index
        %get3A_409 = tpu.vector_load %arg5[%get3A_407, %get3A_408] {strides = array<i32>} : memref<16x1000xf32, #tpu.memory_space<vmem>>, vector<16xf32>,
        %add3A_410 = arith.constant 5.920000e+02 : f32
        %add3A_411 = vector.broadcast %add3A_410 : f32 to vector<16xf32>
        %add3A_412 = arith.addf %convert_element_type3A, %add3A_411 : vector<16xf32>
        %gt3A_413 = arith.cmpf ogt, %get3A_409, %max3A_405 : vector<16xf32>
        %max3A_414 = arith.maximumf %max3A_405, %get3A_409 : vector<16xf32>
        %select_n3A_415 = arith.select %gt3A_413, %add3A_412, %select_n3A_406 : vector<16xi1>, vector<16xf32>
        %get3A_416 = arith.index_cast %scan3A_85 : i32 to index
        %get3A_417 = arith.constant 608 : index
        %get3A_418 = tpu.vector_load %arg5[%get3A_416, %get3A_417] {strides = array<i32>} : memref<16x1000xf32, #tpu.memory_space<vmem>>, vector<16xf32>,
        %add3A_419 = arith.constant 6.080000e+02 : f32
        %add3A_420 = vector.broadcast %add3A_419 : f32 to vector<16xf32>
        %add3A_421 = arith.addf %convert_element_type3A, %add3A_420 : vector<16xf32>
        %gt3A_422 = arith.cmpf ogt, %get3A_418, %max3A_414 : vector<16xf32>
        %max3A_423 = arith.maximumf %max3A_414, %get3A_418 : vector<16xf32>
        %select_n3A_424 = arith.select %gt3A_422, %add3A_421, %select_n3A_415 : vector<16xi1>, vector<16xf32>
        %get3A_425 = arith.index_cast %scan3A_85 : i32 to index
        %get3A_426 = arith.constant 624 : index
        %get3A_427 = tpu.vector_load %arg5[%get3A_425, %get3A_426] {strides = array<i32>} : memref<16x1000xf32, #tpu.memory_space<vmem>>, vector<16xf32>,
        %add3A_428 = arith.constant 6.240000e+02 : f32
        %add3A_429 = vector.broadcast %add3A_428 : f32 to vector<16xf32>
        %add3A_430 = arith.addf %convert_element_type3A, %add3A_429 : vector<16xf32>
        %gt3A_431 = arith.cmpf ogt, %get3A_427, %max3A_423 : vector<16xf32>
        %max3A_432 = arith.maximumf %max3A_423, %get3A_427 : vector<16xf32>
        %select_n3A_433 = arith.select %gt3A_431, %add3A_430, %select_n3A_424 : vector<16xi1>, vector<16xf32>
        %get3A_434 = arith.index_cast %scan3A_85 : i32 to index
        %get3A_435 = arith.constant 640 : index
        %get3A_436 = tpu.vector_load %arg5[%get3A_434, %get3A_435] {strides = array<i32>} : memref<16x1000xf32, #tpu.memory_space<vmem>>, vector<16xf32>,
        %add3A_437 = arith.constant 6.400000e+02 : f32
        %add3A_438 = vector.broadcast %add3A_437 : f32 to vector<16xf32>
        %add3A_439 = arith.addf %convert_element_type3A, %add3A_438 : vector<16xf32>
        %gt3A_440 = arith.cmpf ogt, %get3A_436, %max3A_432 : vector<16xf32>
        %max3A_441 = arith.maximumf %max3A_432, %get3A_436 : vector<16xf32>
        %select_n3A_442 = arith.select %gt3A_440, %add3A_439, %select_n3A_433 : vector<16xi1>, vector<16xf32>
        %get3A_443 = arith.index_cast %scan3A_85 : i32 to index
        %get3A_444 = arith.constant 656 : index
        %get3A_445 = tpu.vector_load %arg5[%get3A_443, %get3A_444] {strides = array<i32>} : memref<16x1000xf32, #tpu.memory_space<vmem>>, vector<16xf32>,
        %add3A_446 = arith.constant 6.560000e+02 : f32
        %add3A_447 = vector.broadcast %add3A_446 : f32 to vector<16xf32>
        %add3A_448 = arith.addf %convert_element_type3A, %add3A_447 : vector<16xf32>
        %gt3A_449 = arith.cmpf ogt, %get3A_445, %max3A_441 : vector<16xf32>
        %max3A_450 = arith.maximumf %max3A_441, %get3A_445 : vector<16xf32>
        %select_n3A_451 = arith.select %gt3A_449, %add3A_448, %select_n3A_442 : vector<16xi1>, vector<16xf32>
        %get3A_452 = arith.index_cast %scan3A_85 : i32 to index
        %get3A_453 = arith.constant 672 : index
        %get3A_454 = tpu.vector_load %arg5[%get3A_452, %get3A_453] {strides = array<i32>} : memref<16x1000xf32, #tpu.memory_space<vmem>>, vector<16xf32>,
        %add3A_455 = arith.constant 6.720000e+02 : f32
        %add3A_456 = vector.broadcast %add3A_455 : f32 to vector<16xf32>
        %add3A_457 = arith.addf %convert_element_type3A, %add3A_456 : vector<16xf32>
        %gt3A_458 = arith.cmpf ogt, %get3A_454, %max3A_450 : vector<16xf32>
        %max3A_459 = arith.maximumf %max3A_450, %get3A_454 : vector<16xf32>
        %select_n3A_460 = arith.select %gt3A_458, %add3A_457, %select_n3A_451 : vector<16xi1>, vector<16xf32>
        %get3A_461 = arith.index_cast %scan3A_85 : i32 to index
        %get3A_462 = arith.constant 688 : index
        %get3A_463 = tpu.vector_load %arg5[%get3A_461, %get3A_462] {strides = array<i32>} : memref<16x1000xf32, #tpu.memory_space<vmem>>, vector<16xf32>,
        %add3A_464 = arith.constant 6.880000e+02 : f32
        %add3A_465 = vector.broadcast %add3A_464 : f32 to vector<16xf32>
        %add3A_466 = arith.addf %convert_element_type3A, %add3A_465 : vector<16xf32>
        %gt3A_467 = arith.cmpf ogt, %get3A_463, %max3A_459 : vector<16xf32>
        %max3A_468 = arith.maximumf %max3A_459, %get3A_463 : vector<16xf32>
        %select_n3A_469 = arith.select %gt3A_467, %add3A_466, %select_n3A_460 : vector<16xi1>, vector<16xf32>
        %get3A_470 = arith.index_cast %scan3A_85 : i32 to index
        %get3A_471 = arith.constant 704 : index
        %get3A_472 = tpu.vector_load %arg5[%get3A_470, %get3A_471] {strides = array<i32>} : memref<16x1000xf32, #tpu.memory_space<vmem>>, vector<16xf32>,
        %add3A_473 = arith.constant 7.040000e+02 : f32
        %add3A_474 = vector.broadcast %add3A_473 : f32 to vector<16xf32>
        %add3A_475 = arith.addf %convert_element_type3A, %add3A_474 : vector<16xf32>
        %gt3A_476 = arith.cmpf ogt, %get3A_472, %max3A_468 : vector<16xf32>
        %max3A_477 = arith.maximumf %max3A_468, %get3A_472 : vector<16xf32>
        %select_n3A_478 = arith.select %gt3A_476, %add3A_475, %select_n3A_469 : vector<16xi1>, vector<16xf32>
        %get3A_479 = arith.index_cast %scan3A_85 : i32 to index
        %get3A_480 = arith.constant 720 : index
        %get3A_481 = tpu.vector_load %arg5[%get3A_479, %get3A_480] {strides = array<i32>} : memref<16x1000xf32, #tpu.memory_space<vmem>>, vector<16xf32>,
        %add3A_482 = arith.constant 7.200000e+02 : f32
        %add3A_483 = vector.broadcast %add3A_482 : f32 to vector<16xf32>
        %add3A_484 = arith.addf %convert_element_type3A, %add3A_483 : vector<16xf32>
        %get3A_485 = arith.index_cast %scan3A_85 : i32 to index
        %get3A_486 = arith.constant 736 : index
        %get3A_487 = tpu.vector_load %arg5[%get3A_485, %get3A_486] {strides = array<i32>} : memref<16x1000xf32, #tpu.memory_space<vmem>>, vector<16xf32>,
        %add3A_488 = arith.constant 7.360000e+02 : f32
        %add3A_489 = vector.broadcast %add3A_488 : f32 to vector<16xf32>
        %add3A_490 = arith.addf %convert_element_type3A, %add3A_489 : vector<16xf32>
        %gt3A_491 = arith.cmpf ogt, %get3A_487, %get3A_481 : vector<16xf32>
        %max3A_492 = arith.maximumf %get3A_481, %get3A_487 : vector<16xf32>
        %select_n3A_493 = arith.select %gt3A_491, %add3A_490, %add3A_484 : vector<16xi1>, vector<16xf32>
        %get3A_494 = arith.index_cast %scan3A_85 : i32 to index
        %get3A_495 = arith.constant 752 : index
        %get3A_496 = tpu.vector_load %arg5[%get3A_494, %get3A_495] {strides = array<i32>} : memref<16x1000xf32, #tpu.memory_space<vmem>>, vector<16xf32>,
        %add3A_497 = arith.constant 7.520000e+02 : f32
        %add3A_498 = vector.broadcast %add3A_497 : f32 to vector<16xf32>
        %add3A_499 = arith.addf %convert_element_type3A, %add3A_498 : vector<16xf32>
        %gt3A_500 = arith.cmpf ogt, %get3A_496, %max3A_492 : vector<16xf32>
        %max3A_501 = arith.maximumf %max3A_492, %get3A_496 : vector<16xf32>
        %select_n3A_502 = arith.select %gt3A_500, %add3A_499, %select_n3A_493 : vector<16xi1>, vector<16xf32>
        %get3A_503 = arith.index_cast %scan3A_85 : i32 to index
        %get3A_504 = arith.constant 768 : index
        %get3A_505 = tpu.vector_load %arg5[%get3A_503, %get3A_504] {strides = array<i32>} : memref<16x1000xf32, #tpu.memory_space<vmem>>, vector<16xf32>,
        %add3A_506 = arith.constant 7.680000e+02 : f32
        %add3A_507 = vector.broadcast %add3A_506 : f32 to vector<16xf32>
        %add3A_508 = arith.addf %convert_element_type3A, %add3A_507 : vector<16xf32>
        %gt3A_509 = arith.cmpf ogt, %get3A_505, %max3A_501 : vector<16xf32>
        %max3A_510 = arith.maximumf %max3A_501, %get3A_505 : vector<16xf32>
        %select_n3A_511 = arith.select %gt3A_509, %add3A_508, %select_n3A_502 : vector<16xi1>, vector<16xf32>
        %get3A_512 = arith.index_cast %scan3A_85 : i32 to index
        %get3A_513 = arith.constant 784 : index
        %get3A_514 = tpu.vector_load %arg5[%get3A_512, %get3A_513] {strides = array<i32>} : memref<16x1000xf32, #tpu.memory_space<vmem>>, vector<16xf32>,
        %add3A_515 = arith.constant 7.840000e+02 : f32
        %add3A_516 = vector.broadcast %add3A_515 : f32 to vector<16xf32>
        %add3A_517 = arith.addf %convert_element_type3A, %add3A_516 : vector<16xf32>
        %gt3A_518 = arith.cmpf ogt, %get3A_514, %max3A_510 : vector<16xf32>
        %max3A_519 = arith.maximumf %max3A_510, %get3A_514 : vector<16xf32>
        %select_n3A_520 = arith.select %gt3A_518, %add3A_517, %select_n3A_511 : vector<16xi1>, vector<16xf32>
        %get3A_521 = arith.index_cast %scan3A_85 : i32 to index
        %get3A_522 = arith.constant 800 : index
        %get3A_523 = tpu.vector_load %arg5[%get3A_521, %get3A_522] {strides = array<i32>} : memref<16x1000xf32, #tpu.memory_space<vmem>>, vector<16xf32>,
        %add3A_524 = arith.constant 8.000000e+02 : f32
        %add3A_525 = vector.broadcast %add3A_524 : f32 to vector<16xf32>
        %add3A_526 = arith.addf %convert_element_type3A, %add3A_525 : vector<16xf32>
        %gt3A_527 = arith.cmpf ogt, %get3A_523, %max3A_519 : vector<16xf32>
        %max3A_528 = arith.maximumf %max3A_519, %get3A_523 : vector<16xf32>
        %select_n3A_529 = arith.select %gt3A_527, %add3A_526, %select_n3A_520 : vector<16xi1>, vector<16xf32>
        %get3A_530 = arith.index_cast %scan3A_85 : i32 to index
        %get3A_531 = arith.constant 816 : index
        %get3A_532 = tpu.vector_load %arg5[%get3A_530, %get3A_531] {strides = array<i32>} : memref<16x1000xf32, #tpu.memory_space<vmem>>, vector<16xf32>,
        %add3A_533 = arith.constant 8.160000e+02 : f32
        %add3A_534 = vector.broadcast %add3A_533 : f32 to vector<16xf32>
        %add3A_535 = arith.addf %convert_element_type3A, %add3A_534 : vector<16xf32>
        %gt3A_536 = arith.cmpf ogt, %get3A_532, %max3A_528 : vector<16xf32>
        %max3A_537 = arith.maximumf %max3A_528, %get3A_532 : vector<16xf32>
        %select_n3A_538 = arith.select %gt3A_536, %add3A_535, %select_n3A_529 : vector<16xi1>, vector<16xf32>
        %get3A_539 = arith.index_cast %scan3A_85 : i32 to index
        %get3A_540 = arith.constant 832 : index
        %get3A_541 = tpu.vector_load %arg5[%get3A_539, %get3A_540] {strides = array<i32>} : memref<16x1000xf32, #tpu.memory_space<vmem>>, vector<16xf32>,
        %add3A_542 = arith.constant 8.320000e+02 : f32
        %add3A_543 = vector.broadcast %add3A_542 : f32 to vector<16xf32>
        %add3A_544 = arith.addf %convert_element_type3A, %add3A_543 : vector<16xf32>
        %gt3A_545 = arith.cmpf ogt, %get3A_541, %max3A_537 : vector<16xf32>
        %max3A_546 = arith.maximumf %max3A_537, %get3A_541 : vector<16xf32>
        %select_n3A_547 = arith.select %gt3A_545, %add3A_544, %select_n3A_538 : vector<16xi1>, vector<16xf32>
        %get3A_548 = arith.index_cast %scan3A_85 : i32 to index
        %get3A_549 = arith.constant 848 : index
        %get3A_550 = tpu.vector_load %arg5[%get3A_548, %get3A_549] {strides = array<i32>} : memref<16x1000xf32, #tpu.memory_space<vmem>>, vector<16xf32>,
        %add3A_551 = arith.constant 8.480000e+02 : f32
        %add3A_552 = vector.broadcast %add3A_551 : f32 to vector<16xf32>
        %add3A_553 = arith.addf %convert_element_type3A, %add3A_552 : vector<16xf32>
        %gt3A_554 = arith.cmpf ogt, %get3A_550, %max3A_546 : vector<16xf32>
        %max3A_555 = arith.maximumf %max3A_546, %get3A_550 : vector<16xf32>
        %select_n3A_556 = arith.select %gt3A_554, %add3A_553, %select_n3A_547 : vector<16xi1>, vector<16xf32>
        %get3A_557 = arith.index_cast %scan3A_85 : i32 to index
        %get3A_558 = arith.constant 864 : index
        %get3A_559 = tpu.vector_load %arg5[%get3A_557, %get3A_558] {strides = array<i32>} : memref<16x1000xf32, #tpu.memory_space<vmem>>, vector<16xf32>,
        %add3A_560 = arith.constant 8.640000e+02 : f32
        %add3A_561 = vector.broadcast %add3A_560 : f32 to vector<16xf32>
        %add3A_562 = arith.addf %convert_element_type3A, %add3A_561 : vector<16xf32>
        %gt3A_563 = arith.cmpf ogt, %get3A_559, %max3A_555 : vector<16xf32>
        %max3A_564 = arith.maximumf %max3A_555, %get3A_559 : vector<16xf32>
        %select_n3A_565 = arith.select %gt3A_563, %add3A_562, %select_n3A_556 : vector<16xi1>, vector<16xf32>
        %get3A_566 = arith.index_cast %scan3A_85 : i32 to index
        %get3A_567 = arith.constant 880 : index
        %get3A_568 = tpu.vector_load %arg5[%get3A_566, %get3A_567] {strides = array<i32>} : memref<16x1000xf32, #tpu.memory_space<vmem>>, vector<16xf32>,
        %add3A_569 = arith.constant 8.800000e+02 : f32
        %add3A_570 = vector.broadcast %add3A_569 : f32 to vector<16xf32>
        %add3A_571 = arith.addf %convert_element_type3A, %add3A_570 : vector<16xf32>
        %gt3A_572 = arith.cmpf ogt, %get3A_568, %max3A_564 : vector<16xf32>
        %max3A_573 = arith.maximumf %max3A_564, %get3A_568 : vector<16xf32>
        %select_n3A_574 = arith.select %gt3A_572, %add3A_571, %select_n3A_565 : vector<16xi1>, vector<16xf32>
        %get3A_575 = arith.index_cast %scan3A_85 : i32 to index
        %get3A_576 = arith.constant 896 : index
        %get3A_577 = tpu.vector_load %arg5[%get3A_575, %get3A_576] {strides = array<i32>} : memref<16x1000xf32, #tpu.memory_space<vmem>>, vector<16xf32>,
        %add3A_578 = arith.constant 8.960000e+02 : f32
        %add3A_579 = vector.broadcast %add3A_578 : f32 to vector<16xf32>
        %add3A_580 = arith.addf %convert_element_type3A, %add3A_579 : vector<16xf32>
        %gt3A_581 = arith.cmpf ogt, %get3A_577, %max3A_573 : vector<16xf32>
        %max3A_582 = arith.maximumf %max3A_573, %get3A_577 : vector<16xf32>
        %select_n3A_583 = arith.select %gt3A_581, %add3A_580, %select_n3A_574 : vector<16xi1>, vector<16xf32>
        %get3A_584 = arith.index_cast %scan3A_85 : i32 to index
        %get3A_585 = arith.constant 912 : index
        %get3A_586 = tpu.vector_load %arg5[%get3A_584, %get3A_585] {strides = array<i32>} : memref<16x1000xf32, #tpu.memory_space<vmem>>, vector<16xf32>,
        %add3A_587 = arith.constant 9.120000e+02 : f32
        %add3A_588 = vector.broadcast %add3A_587 : f32 to vector<16xf32>
        %add3A_589 = arith.addf %convert_element_type3A, %add3A_588 : vector<16xf32>
        %gt3A_590 = arith.cmpf ogt, %get3A_586, %max3A_582 : vector<16xf32>
        %max3A_591 = arith.maximumf %max3A_582, %get3A_586 : vector<16xf32>
        %select_n3A_592 = arith.select %gt3A_590, %add3A_589, %select_n3A_583 : vector<16xi1>, vector<16xf32>
        %get3A_593 = arith.index_cast %scan3A_85 : i32 to index
        %get3A_594 = arith.constant 928 : index
        %get3A_595 = tpu.vector_load %arg5[%get3A_593, %get3A_594] {strides = array<i32>} : memref<16x1000xf32, #tpu.memory_space<vmem>>, vector<16xf32>,
        %add3A_596 = arith.constant 9.280000e+02 : f32
        %add3A_597 = vector.broadcast %add3A_596 : f32 to vector<16xf32>
        %add3A_598 = arith.addf %convert_element_type3A, %add3A_597 : vector<16xf32>
        %gt3A_599 = arith.cmpf ogt, %get3A_595, %max3A_591 : vector<16xf32>
        %max3A_600 = arith.maximumf %max3A_591, %get3A_595 : vector<16xf32>
        %select_n3A_601 = arith.select %gt3A_599, %add3A_598, %select_n3A_592 : vector<16xi1>, vector<16xf32>
        %get3A_602 = arith.index_cast %scan3A_85 : i32 to index
        %get3A_603 = arith.constant 944 : index
        %get3A_604 = tpu.vector_load %arg5[%get3A_602, %get3A_603] {strides = array<i32>} : memref<16x1000xf32, #tpu.memory_space<vmem>>, vector<16xf32>,
        %add3A_605 = arith.constant 9.440000e+02 : f32
        %add3A_606 = vector.broadcast %add3A_605 : f32 to vector<16xf32>
        %add3A_607 = arith.addf %convert_element_type3A, %add3A_606 : vector<16xf32>
        %gt3A_608 = arith.cmpf ogt, %get3A_604, %max3A_600 : vector<16xf32>
        %max3A_609 = arith.maximumf %max3A_600, %get3A_604 : vector<16xf32>
        %select_n3A_610 = arith.select %gt3A_608, %add3A_607, %select_n3A_601 : vector<16xi1>, vector<16xf32>
        %get3A_611 = arith.index_cast %scan3A_85 : i32 to index
        %get3A_612 = arith.constant 960 : index
        %get3A_613 = tpu.vector_load %arg5[%get3A_611, %get3A_612] {strides = array<i32>} : memref<16x1000xf32, #tpu.memory_space<vmem>>, vector<16xf32>,
        %add3A_614 = arith.constant 9.600000e+02 : f32
        %add3A_615 = vector.broadcast %add3A_614 : f32 to vector<16xf32>
        %add3A_616 = arith.addf %convert_element_type3A, %add3A_615 : vector<16xf32>
        %gt3A_617 = arith.cmpf ogt, %get3A_613, %max3A_609 : vector<16xf32>
        %max3A_618 = arith.maximumf %max3A_609, %get3A_613 : vector<16xf32>
        %select_n3A_619 = arith.select %gt3A_617, %add3A_616, %select_n3A_610 : vector<16xi1>, vector<16xf32>
        %get3A_620 = arith.index_cast %scan3A_85 : i32 to index
        %get3A_621 = arith.constant 976 : index
        %get3A_622 = tpu.vector_load %arg5[%get3A_620, %get3A_621] {strides = array<i32>} : memref<16x1000xf32, #tpu.memory_space<vmem>>, vector<16xf32>,
        %add3A_623 = arith.constant 9.760000e+02 : f32
        %add3A_624 = vector.broadcast %add3A_623 : f32 to vector<16xf32>
        %add3A_625 = arith.addf %convert_element_type3A, %add3A_624 : vector<16xf32>
        %gt3A_626 = arith.cmpf ogt, %get3A_622, %max3A_618 : vector<16xf32>
        %max3A_627 = arith.maximumf %max3A_618, %get3A_622 : vector<16xf32>
        %select_n3A_628 = arith.select %gt3A_626, %add3A_625, %select_n3A_619 : vector<16xi1>, vector<16xf32>
        %get3A_629 = arith.index_cast %scan3A_85 : i32 to index
        %get3A_630 = arith.constant 984 : index
        %get3A_631 = tpu.vector_load %arg5[%get3A_629, %get3A_630] {strides = array<i32>} : memref<16x1000xf32, #tpu.memory_space<vmem>>, vector<16xf32>,
        %add3A_632 = arith.constant 9.840000e+02 : f32
        %add3A_633 = vector.broadcast %add3A_632 : f32 to vector<16xf32>
        %add3A_634 = arith.addf %convert_element_type3A, %add3A_633 : vector<16xf32>
        %gt3A_635 = arith.cmpf ogt, %get3A_631, %max3A_627 : vector<16xf32>
        %max3A_636 = arith.maximumf %max3A_627, %get3A_631 : vector<16xf32>
        %select_n3A_637 = arith.select %gt3A_635, %add3A_634, %select_n3A_628 : vector<16xi1>, vector<16xf32>
        %gt3A_638 = arith.cmpf ogt, %max3A_345, %max3A_213 : vector<16xf32>
        %max3A_639 = arith.maximumf %max3A_213, %max3A_345 : vector<16xf32>
        %select_n3A_640 = arith.select %gt3A_638, %select_n3A_346, %select_n3A_214 : vector<16xi1>, vector<16xf32>
        %gt3A_641 = arith.cmpf ogt, %max3A_636, %max3A_477 : vector<16xf32>
        %max3A_642 = arith.maximumf %max3A_477, %max3A_636 : vector<16xf32>
        %select_n3A_643 = arith.select %gt3A_641, %select_n3A_637, %select_n3A_478 : vector<16xi1>, vector<16xf32>
        %gt3A_644 = arith.cmpf ogt, %max3A_642, %max3A_639 : vector<16xf32>
        %max3A_645 = arith.maximumf %max3A_639, %max3A_642 : vector<16xf32>
        %select_n3A_646 = arith.select %gt3A_644, %select_n3A_643, %select_n3A_640 : vector<16xi1>, vector<16xf32>
        %reduce_max3A = arith.constant true
        %reduce_max3A_647 = vector.broadcast %reduce_max3A : i1 to vector<16xi1>
        %reduce_max3A_648 = tpu.scan <max>, %max3A_645 masked %reduce_max3A_647 : vector<16xf32>, vector<16xi1> -> vector<16xf32>
        %reduce_max3A_649 = vector.extract %reduce_max3A_648[15] : f32 from vector<16xf32>
        %eq3A_650 = vector.broadcast %reduce_max3A_649 : f32 to vector<16xf32>
        %eq3A_651 = arith.cmpf oeq, %max3A_645, %eq3A_650 : vector<16xf32>
        %jit3A = arith.constant 1.000000e+03 : f32
        %broadcast_in_dim3A_652 = vector.broadcast %jit3A : f32 to vector<16xf32>
        %select_n3A_653 = arith.select %eq3A_651, %select_n3A_646, %broadcast_in_dim3A_652 : vector<16xi1>, vector<16xf32>
        %reduce_min3A = arith.constant true
        %reduce_min3A_654 = vector.broadcast %reduce_min3A : i1 to vector<16xi1>
        %reduce_min3A_655 = tpu.scan <min>, %select_n3A_653 masked %reduce_min3A_654 : vector<16xf32>, vector<16xi1> -> vector<16xf32>
        %reduce_min3A_656 = vector.extract %reduce_min3A_655[15] : f32 from vector<16xf32>
        %rem3A = arith.constant 16 : i32
        %rem3A_657 = arith.remsi %scan3A_85, %rem3A : i32
        %iota3A_658 = tpu.iota {dimensions = array<i32: 0>} : vector<16xi32>
        %eq3A_659 = vector.broadcast %rem3A_657 : i32 to vector<16xi32>
        %eq3A_660 = arith.cmpi eq, %iota3A_658, %eq3A_659 : vector<16xi32>
        %broadcast_in_dim3A_661 = arith.constant 1.000000e+00 : f32
        %broadcast_in_dim3A_662 = vector.broadcast %broadcast_in_dim3A_661 : f32 to vector<16xf32>
        %mul3A_663 = vector.broadcast %reduce_min3A_656 : f32 to vector<16xf32>
        %mul3A_664 = arith.mulf %broadcast_in_dim3A_662, %mul3A_663 : vector<16xf32>
        %select_n3A_665 = arith.select %eq3A_660, %mul3A_664, %scan3A_86 : vector<16xi1>, vector<16xf32>
        %eq3A_666 = arith.constant 15 : i32
        %eq3A_667 = arith.cmpi eq, %rem3A_657, %eq3A_666 : i32
        %convert_element_type3A_668 = arith.extui %eq3A_667 : i1 to i32
        %cond3A_669 = arith.constant 0 : i32
        %cond3A_670 = arith.cmpi ne, %convert_element_type3A_668, %cond3A_669 : i32
        scf.if %cond3A_670 {
          %div3A = arith.constant 16 : i32
          %div3A_671 = arith.divsi %scan3A_85, %div3A : i32
          %convert_element_type3A_672 = arith.fptosi %select_n3A_665 : vector<16xf32> to vector<16xi32>
          %mul3A_673 = arith.constant 16 : i32
          %mul3A_674 = arith.muli %add3A_78, %mul3A_673 : i32
          %mul3A_675 = arith.constant 16 : i32
          %mul3A_676 = arith.muli %div3A_671, %mul3A_675 : i32
          %add3A_677 = arith.addi %mul3A_674, %mul3A_676 : i32
          %swap3A = arith.index_cast %add3A_677 : i32 to index
          %swap3A_678 = tpu.vector_load %arg6[%swap3A] {strides = array<i32>} : memref<800xi32, #tpu.memory_space<vmem>>, vector<16xi32>,
          tpu.vector_store %arg6[%swap3A], %convert_element_type3A_672 {strides = array<i32>} : memref<800xi32, #tpu.memory_space<vmem>>, vector<16xi32>,
        } else {
        }
        scf.yield %select_n3A_665 : vector<16xf32>
      }
      %scan3A_84 = arith.constant 16 : i32
      scf.yield %scan3A_83 : vector<16xf32>
    }
    %scan3A_15 = arith.constant 25 : i32
    %scan3A_16 = arith.constant 0 : i32
    %scan3A_17 = arith.constant 0 : i32
    %scan3A_18 = arith.constant 50 : i32
    %scan3A_19 = arith.addi %scan3A_17, %scan3A_18 : i32
    %scan3A_20 = arith.constant 1 : i32
    scf.for %scan3A_37 = %scan3A_17 to %scan3A_19 step %scan3A_20  : i32 {
      %broadcast_in_dim3A_38 = arith.constant 1 : i32
      %broadcast_in_dim3A_39 = vector.broadcast %broadcast_in_dim3A_38 : i32 to vector<16xi32>
      %mul3A_40 = arith.constant 16 : i32
      %mul3A_41 = arith.muli %scan3A_37, %mul3A_40 : i32
      %swap3A = arith.index_cast %mul3A_41 : i32 to index
      %swap3A_42 = tpu.vector_load %arg7[%swap3A] {strides = array<i32>} : memref<800xi32, #tpu.memory_space<vmem>>, vector<16xi32>,
      tpu.vector_store %arg7[%swap3A], %broadcast_in_dim3A_39 {strides = array<i32>} : memref<800xi32, #tpu.memory_space<vmem>>, vector<16xi32>,
    }
    %scan3A_21 = arith.constant 50 : i32
    %scan3A_22 = arith.constant 0 : i32
    %scan3A_23 = arith.constant 0 : i32
    %scan3A_24 = arith.constant 64 : i32
    %scan3A_25 = arith.addi %scan3A_23, %scan3A_24 : i32
    %scan3A_26 = arith.constant 1 : i32
    scf.for %scan3A_37 = %scan3A_23 to %scan3A_25 step %scan3A_26  : i32 {
      %broadcast_in_dim3A_38 = arith.constant 0 : i32
      %broadcast_in_dim3A_39 = vector.broadcast %broadcast_in_dim3A_38 : i32 to vector<16xi32>
      %mul3A_40 = arith.constant 16 : i32
      %mul3A_41 = arith.muli %scan3A_37, %mul3A_40 : i32
      %swap3A = arith.index_cast %mul3A_41 : i32 to index
      %swap3A_42 = tpu.vector_load %arg8[%swap3A] {strides = array<i32>} : memref<1024xi32, #tpu.memory_space<vmem>>, vector<16xi32>,
      tpu.vector_store %arg8[%swap3A], %broadcast_in_dim3A_39 {strides = array<i32>} : memref<1024xi32, #tpu.memory_space<vmem>>, vector<16xi32>,
    }
    %scan3A_27 = arith.constant 64 : i32
    %eq3A = arith.constant 0 : i32
    %eq3A_28 = arith.cmpi eq, %arg1, %eq3A : i32
    %convert_element_type3A_29 = arith.extui %eq3A_28 : i1 to i32
    %cond3A = arith.constant 0 : i32
    %cond3A_30 = arith.cmpi ne, %convert_element_type3A_29, %cond3A : i32
    scf.if %cond3A_30 {
      "tpu.region"() ({
        %run_scoped3A = tpu.sem_alloc : memref<!tpu.dma_semaphore, #tpu.memory_space<semaphore_mem>>
        tpu.enqueue_dma source(%arg8 : memref<1024xi32, #tpu.memory_space<vmem>>) target(%arg9 : memref<1024xi32, #tpu.memory_space<vmem_shared>>) target_semaphore(%run_scoped3A : memref<!tpu.dma_semaphore, #tpu.memory_space<semaphore_mem>>)
        tpu.wait_dma2 semaphore(%run_scoped3A : memref<!tpu.dma_semaphore, #tpu.memory_space<semaphore_mem>>) src(%arg8 : memref<1024xi32, #tpu.memory_space<vmem>>) dst(%arg9 : memref<1024xi32, #tpu.memory_space<vmem_shared>>)
        tpu.yield
      }) : () -> ()
    } else {
    }
    %barrier3A = arith.constant 0 : index
    tpu.barrier barrier_id(%barrier3A)
    "tpu.region"() ({
      %run_scoped3A = tpu.sem_alloc : memref<!tpu.dma_semaphore, #tpu.memory_space<semaphore_mem>>
      %dma_start3A_37 = arith.constant 0 : i32
      %dma_start3A_38 = tpu.memref_slice %arg9[%dma_start3A_37] : memref<1024xi32, #tpu.memory_space<vmem_shared>> -> memref<1024xi32, #tpu.memory_space<vmem_shared>>
      tpu.enqueue_indirect_dma source(%arg7 : memref<800xi32, #tpu.memory_space<vmem>>) target(%dma_start3A_38 : memref<1024xi32, #tpu.memory_space<vmem_shared>>) offsets(%arg6 : memref<800xi32, #tpu.memory_space<vmem>>) semaphore(%run_scoped3A : memref<!tpu.dma_semaphore, #tpu.memory_space<semaphore_mem>>) {add = true}
      %dma_wait3A = arith.constant 0 : i32
      %dma_wait3A_39 = tpu.memref_slice %arg9[%dma_wait3A] : memref<1024xi32, #tpu.memory_space<vmem_shared>> -> memref<1024xi32, #tpu.memory_space<vmem_shared>>
      tpu.wait_indirect_dma semaphore(%run_scoped3A : memref<!tpu.dma_semaphore, #tpu.memory_space<semaphore_mem>>) src(%arg7 : memref<800xi32, #tpu.memory_space<vmem>>) dst(%dma_wait3A_39 : memref<1024xi32, #tpu.memory_space<vmem_shared>>)
      tpu.yield
    }) : () -> ()
    %barrier3A_31 = arith.constant 0 : index
    tpu.barrier barrier_id(%barrier3A_31)
    %eq3A_32 = arith.constant 0 : i32
    %eq3A_33 = arith.cmpi eq, %arg1, %eq3A_32 : i32
    %convert_element_type3A_34 = arith.extui %eq3A_33 : i1 to i32
    %cond3A_35 = arith.constant 0 : i32
    %cond3A_36 = arith.cmpi ne, %convert_element_type3A_34, %cond3A_35 : i32
    scf.if %cond3A_36 {
      "tpu.region"() ({
        %run_scoped3A = tpu.sem_alloc : memref<!tpu.dma_semaphore, #tpu.memory_space<semaphore_mem>>
        tpu.enqueue_dma source(%arg9 : memref<1024xi32, #tpu.memory_space<vmem_shared>>) target(%arg8 : memref<1024xi32, #tpu.memory_space<vmem>>) target_semaphore(%run_scoped3A : memref<!tpu.dma_semaphore, #tpu.memory_space<semaphore_mem>>)
        tpu.wait_dma2 semaphore(%run_scoped3A : memref<!tpu.dma_semaphore, #tpu.memory_space<semaphore_mem>>) src(%arg9 : memref<1024xi32, #tpu.memory_space<vmem_shared>>) dst(%arg8 : memref<1024xi32, #tpu.memory_space<vmem>>)
        tpu.yield
      }) : () -> ()
      "tpu.region"() ({
        %run_scoped3A = tpu.sem_alloc : memref<!tpu.dma_semaphore, #tpu.memory_space<semaphore_mem>>
        %dma_start3A_37 = arith.constant 0 : i32
        %dma_start3A_38 = tpu.memref_slice %arg3[%arg0, %dma_start3A_37] : memref<2x1024xi32, #tpu.memory_space<hbm>> -> memref<1x1024xi32, #tpu.memory_space<hbm>>
        %dma_start3A_39 = tpu.memref_squeeze %dma_start3A_38 : memref<1x1024xi32, #tpu.memory_space<hbm>> -> memref<1024xi32, #tpu.memory_space<hbm>>
        %dma_start3A_40 = arith.constant 0 : i32
        %dma_start3A_41 = tpu.memref_slice %arg3[%arg0, %dma_start3A_40] : memref<2x1024xi32, #tpu.memory_space<hbm>> -> memref<1x1024xi32, #tpu.memory_space<hbm>>
        %dma_start3A_42 = tpu.memref_squeeze %dma_start3A_41 : memref<1x1024xi32, #tpu.memory_space<hbm>> -> memref<1024xi32, #tpu.memory_space<hbm>>
        tpu.enqueue_dma source(%arg8 : memref<1024xi32, #tpu.memory_space<vmem>>) target(%dma_start3A_42 : memref<1024xi32, #tpu.memory_space<hbm>>) target_semaphore(%run_scoped3A : memref<!tpu.dma_semaphore, #tpu.memory_space<semaphore_mem>>)
        %dma_wait3A = arith.constant 0 : i32
        %dma_wait3A_43 = tpu.memref_slice %arg3[%arg0, %dma_wait3A] : memref<2x1024xi32, #tpu.memory_space<hbm>> -> memref<1x1024xi32, #tpu.memory_space<hbm>>
        %dma_wait3A_44 = tpu.memref_squeeze %dma_wait3A_43 : memref<1x1024xi32, #tpu.memory_space<hbm>> -> memref<1024xi32, #tpu.memory_space<hbm>>
        %dma_wait3A_45 = arith.constant 0 : i32
        %dma_wait3A_46 = tpu.memref_slice %arg3[%arg0, %dma_wait3A_45] : memref<2x1024xi32, #tpu.memory_space<hbm>> -> memref<1x1024xi32, #tpu.memory_space<hbm>>
        %dma_wait3A_47 = tpu.memref_squeeze %dma_wait3A_46 : memref<1x1024xi32, #tpu.memory_space<hbm>> -> memref<1024xi32, #tpu.memory_space<hbm>>
        tpu.wait_dma2 semaphore(%run_scoped3A : memref<!tpu.dma_semaphore, #tpu.memory_space<semaphore_mem>>) src(%arg8 : memref<1024xi32, #tpu.memory_space<vmem>>) dst(%dma_wait3A_47 : memref<1024xi32, #tpu.memory_space<hbm>>)
        tpu.yield
      }) : () -> ()
    } else {
    }
    return
  }
}

module attributes {stable_mosaic.version = 14 : i64} {
  func.func @_merge_body(%arg0: memref<1x1000xf32, #tpu.memory_space<vmem>>, %arg1: memref<2x1024xi32, #tpu.memory_space<vmem>>, %arg2: memref<1x1000xi32, #tpu.memory_space<vmem>>) attributes {dimension_semantics = [], scalar_prefetch = 0 : i64, scratch_operands = 0 : i64, tpu.core_type = #tpu.core_type<tc>} {
    %get3A = arith.constant 0 : index
    %get3A_0 = arith.constant 0 : index
    %get3A_1 = vector.load %arg1[%get3A, %get3A_0] : memref<2x1024xi32, #tpu.memory_space<vmem>>, vector<1x1000xi32>
    %get3A_2 = vector.shape_cast %get3A_1 : vector<1x1000xi32> to vector<1000xi32>
    %get3A_3 = arith.constant 1 : index
    %get3A_4 = arith.constant 0 : index
    %get3A_5 = vector.load %arg1[%get3A_3, %get3A_4] : memref<2x1024xi32, #tpu.memory_space<vmem>>, vector<1x1000xi32>
    %get3A_6 = vector.shape_cast %get3A_5 : vector<1x1000xi32> to vector<1000xi32>
    %add3A = arith.addi %get3A_2, %get3A_6 : vector<1000xi32>
    %convert_element_type3A = arith.sitofp %add3A : vector<1000xi32> to vector<1000xf32>
    %get3A_7 = arith.constant 0 : index
    %get3A_8 = arith.constant 0 : index
    %get3A_9 = vector.load %arg0[%get3A_7, %get3A_8] : memref<1x1000xf32, #tpu.memory_space<vmem>>, vector<1x1000xf32>
    %get3A_10 = vector.shape_cast %get3A_9 : vector<1x1000xf32> to vector<1000xf32>
    %add3A_11 = arith.addf %get3A_10, %convert_element_type3A : vector<1000xf32>
    %reduce_max3A = vector.shape_cast %add3A_11 : vector<1000xf32> to vector<1x1000xf32>
    %reduce_max3A_12 = arith.constant dense<0xFF800000> : vector<1xf32>
    %reduce_max3A_13 = vector.multi_reduction <maximumf>, %reduce_max3A, %reduce_max3A_12 [1] : vector<1x1000xf32> to vector<1xf32>
    %reduce_max3A_14 = vector.shape_cast %reduce_max3A_13 : vector<1xf32> to vector<1x1xf32>
    %reduce_max3A_15 = vector.extract %reduce_max3A_14[0, 0] : f32 from vector<1x1xf32>
    %iota3A = tpu.iota {dimensions = array<i32: 1>} : vector<1x1000xi32>
    %iota3A_16 = vector.shape_cast %iota3A : vector<1x1000xi32> to vector<1000xi32>
    %convert_element_type3A_17 = arith.sitofp %iota3A_16 : vector<1000xi32> to vector<1000xf32>
    %eq3A = vector.broadcast %reduce_max3A_15 : f32 to vector<1000xf32>
    %eq3A_18 = arith.cmpf oeq, %add3A_11, %eq3A : vector<1000xf32>
    %jit3A = arith.constant 1.000000e+03 : f32
    %broadcast_in_dim3A = vector.broadcast %jit3A : f32 to vector<1000xf32>
    %select_n3A = arith.select %eq3A_18, %convert_element_type3A_17, %broadcast_in_dim3A : vector<1000xi1>, vector<1000xf32>
    %reduce_min3A = vector.shape_cast %select_n3A : vector<1000xf32> to vector<1x1000xf32>
    %reduce_min3A_19 = arith.constant dense<0x7F800000> : vector<1xf32>
    %reduce_min3A_20 = vector.multi_reduction <minimumf>, %reduce_min3A, %reduce_min3A_19 [1] : vector<1x1000xf32> to vector<1xf32>
    %reduce_min3A_21 = vector.shape_cast %reduce_min3A_20 : vector<1xf32> to vector<1x1xf32>
    %reduce_min3A_22 = vector.extract %reduce_min3A_21[0, 0] : f32 from vector<1x1xf32>
    %eq3A_23 = vector.broadcast %reduce_min3A_22 : f32 to vector<1000xf32>
    %eq3A_24 = arith.cmpf oeq, %convert_element_type3A_17, %eq3A_23 : vector<1000xf32>
    %convert_element_type3A_25 = arith.extui %eq3A_24 : vector<1000xi1> to vector<1000xi32>
    %swap3A = arith.constant 0 : index
    %swap3A_26 = arith.constant 0 : index
    %swap3A_27 = vector.load %arg2[%swap3A, %swap3A_26] : memref<1x1000xi32, #tpu.memory_space<vmem>>, vector<1x1000xi32>
    %swap3A_28 = vector.shape_cast %swap3A_27 : vector<1x1000xi32> to vector<1000xi32>
    %swap3A_29 = vector.shape_cast %convert_element_type3A_25 : vector<1000xi32> to vector<1x1000xi32>
    tpu.vector_store %arg2[%swap3A, %swap3A_26], %swap3A_29 {strides = array<i32>} : memref<1x1000xi32, #tpu.memory_space<vmem>>, vector<1x1000xi32>,
    return
  }
}

module attributes {stable_mosaic.version = 14 : i64} {
  func.func @_counts_body(%arg0: i32, %arg1: memref<100000x1000xf32, #tpu.memory_space<hbm>>, %arg2: memref<1x1000xf32, #tpu.memory_space<vmem>>, %arg3: memref<4x800x1000xf32, #tpu.memory_space<vmem>>, %arg4: memref<4x!tpu.dma_semaphore, #tpu.memory_space<semaphore_mem>>) attributes {dimension_semantics = [#tpu.dimension_semantics<arbitrary>], iteration_bounds = array<i64: 93>, scalar_prefetch = 0 : i64, scratch_operands = 2 : i64, tpu.core_type = #tpu.core_type<tc>, window_params = [{}, {pipeline_mode = #tpu.pipeline_mode<synchronous>, transform_indices = @transform_1, window_bounds = array<i64: 1, 1000>}]} {
    %rem3A = arith.constant 4 : i32
    %rem3A_0 = arith.remsi %arg0, %rem3A : i32
    %eq3A = arith.constant 0 : i32
    %eq3A_1 = arith.cmpi eq, %arg0, %eq3A : i32
    %convert_element_type3A = arith.extui %eq3A_1 : i1 to i32
    %cond3A = arith.constant 0 : i32
    %cond3A_2 = arith.cmpi ne, %convert_element_type3A, %cond3A : i32
    scf.if %cond3A_2 {
      %dma_start3A = arith.constant 0 : i32
      %dma_start3A_44 = arith.constant 0 : i32
      %dma_start3A_45 = tpu.memref_slice %arg4[%dma_start3A_44] : memref<4x!tpu.dma_semaphore, #tpu.memory_space<semaphore_mem>> -> memref<1x!tpu.dma_semaphore, #tpu.memory_space<semaphore_mem>>
      %dma_start3A_46 = tpu.memref_squeeze %dma_start3A_45 : memref<1x!tpu.dma_semaphore, #tpu.memory_space<semaphore_mem>> -> memref<!tpu.dma_semaphore, #tpu.memory_space<semaphore_mem>>
      %dma_start3A_47 = arith.constant 0 : i32
      %dma_start3A_48 = arith.constant 0 : i32
      %dma_start3A_49 = tpu.memref_slice %arg3[%dma_start3A, %dma_start3A_47, %dma_start3A_48] : memref<4x800x1000xf32, #tpu.memory_space<vmem>> -> memref<1x800x1000xf32, #tpu.memory_space<vmem>>
      %dma_start3A_50 = tpu.memref_squeeze %dma_start3A_49 : memref<1x800x1000xf32, #tpu.memory_space<vmem>> -> memref<800x1000xf32, #tpu.memory_space<vmem>>
      %dma_start3A_51 = arith.constant 0 : i32
      %dma_start3A_52 = arith.constant 0 : i32
      %dma_start3A_53 = tpu.memref_slice %arg1[%dma_start3A_51, %dma_start3A_52] : memref<100000x1000xf32, #tpu.memory_space<hbm>> -> memref<800x1000xf32, #tpu.memory_space<hbm>>
      tpu.enqueue_dma source(%dma_start3A_53 : memref<800x1000xf32, #tpu.memory_space<hbm>>) target(%dma_start3A_50 : memref<800x1000xf32, #tpu.memory_space<vmem>>) target_semaphore(%dma_start3A_46 : memref<!tpu.dma_semaphore, #tpu.memory_space<semaphore_mem>>)
      %dma_start3A_54 = arith.constant 1 : i32
      %dma_start3A_55 = arith.constant 1 : i32
      %dma_start3A_56 = tpu.memref_slice %arg4[%dma_start3A_55] : memref<4x!tpu.dma_semaphore, #tpu.memory_space<semaphore_mem>> -> memref<1x!tpu.dma_semaphore, #tpu.memory_space<semaphore_mem>>
      %dma_start3A_57 = tpu.memref_squeeze %dma_start3A_56 : memref<1x!tpu.dma_semaphore, #tpu.memory_space<semaphore_mem>> -> memref<!tpu.dma_semaphore, #tpu.memory_space<semaphore_mem>>
      %dma_start3A_58 = arith.constant 0 : i32
      %dma_start3A_59 = arith.constant 0 : i32
      %dma_start3A_60 = tpu.memref_slice %arg3[%dma_start3A_54, %dma_start3A_58, %dma_start3A_59] : memref<4x800x1000xf32, #tpu.memory_space<vmem>> -> memref<1x800x1000xf32, #tpu.memory_space<vmem>>
      %dma_start3A_61 = tpu.memref_squeeze %dma_start3A_60 : memref<1x800x1000xf32, #tpu.memory_space<vmem>> -> memref<800x1000xf32, #tpu.memory_space<vmem>>
      %dma_start3A_62 = arith.constant 800 : i32
      %dma_start3A_63 = arith.constant 0 : i32
      %dma_start3A_64 = tpu.memref_slice %arg1[%dma_start3A_62, %dma_start3A_63] : memref<100000x1000xf32, #tpu.memory_space<hbm>> -> memref<800x1000xf32, #tpu.memory_space<hbm>>
      tpu.enqueue_dma source(%dma_start3A_64 : memref<800x1000xf32, #tpu.memory_space<hbm>>) target(%dma_start3A_61 : memref<800x1000xf32, #tpu.memory_space<vmem>>) target_semaphore(%dma_start3A_57 : memref<!tpu.dma_semaphore, #tpu.memory_space<semaphore_mem>>)
      %dma_start3A_65 = arith.constant 2 : i32
      %dma_start3A_66 = arith.constant 2 : i32
      %dma_start3A_67 = tpu.memref_slice %arg4[%dma_start3A_66] : memref<4x!tpu.dma_semaphore, #tpu.memory_space<semaphore_mem>> -> memref<1x!tpu.dma_semaphore, #tpu.memory_space<semaphore_mem>>
      %dma_start3A_68 = tpu.memref_squeeze %dma_start3A_67 : memref<1x!tpu.dma_semaphore, #tpu.memory_space<semaphore_mem>> -> memref<!tpu.dma_semaphore, #tpu.memory_space<semaphore_mem>>
      %dma_start3A_69 = arith.constant 0 : i32
      %dma_start3A_70 = arith.constant 0 : i32
      %dma_start3A_71 = tpu.memref_slice %arg3[%dma_start3A_65, %dma_start3A_69, %dma_start3A_70] : memref<4x800x1000xf32, #tpu.memory_space<vmem>> -> memref<1x800x1000xf32, #tpu.memory_space<vmem>>
      %dma_start3A_72 = tpu.memref_squeeze %dma_start3A_71 : memref<1x800x1000xf32, #tpu.memory_space<vmem>> -> memref<800x1000xf32, #tpu.memory_space<vmem>>
      %dma_start3A_73 = arith.constant 1600 : i32
      %dma_start3A_74 = arith.constant 0 : i32
      %dma_start3A_75 = tpu.memref_slice %arg1[%dma_start3A_73, %dma_start3A_74] : memref<100000x1000xf32, #tpu.memory_space<hbm>> -> memref<800x1000xf32, #tpu.memory_space<hbm>>
      tpu.enqueue_dma source(%dma_start3A_75 : memref<800x1000xf32, #tpu.memory_space<hbm>>) target(%dma_start3A_72 : memref<800x1000xf32, #tpu.memory_space<vmem>>) target_semaphore(%dma_start3A_68 : memref<!tpu.dma_semaphore, #tpu.memory_space<semaphore_mem>>)
      %dma_start3A_76 = arith.constant 3 : i32
      %dma_start3A_77 = arith.constant 3 : i32
      %dma_start3A_78 = tpu.memref_slice %arg4[%dma_start3A_77] : memref<4x!tpu.dma_semaphore, #tpu.memory_space<semaphore_mem>> -> memref<1x!tpu.dma_semaphore, #tpu.memory_space<semaphore_mem>>
      %dma_start3A_79 = tpu.memref_squeeze %dma_start3A_78 : memref<1x!tpu.dma_semaphore, #tpu.memory_space<semaphore_mem>> -> memref<!tpu.dma_semaphore, #tpu.memory_space<semaphore_mem>>
      %dma_start3A_80 = arith.constant 0 : i32
      %dma_start3A_81 = arith.constant 0 : i32
      %dma_start3A_82 = tpu.memref_slice %arg3[%dma_start3A_76, %dma_start3A_80, %dma_start3A_81] : memref<4x800x1000xf32, #tpu.memory_space<vmem>> -> memref<1x800x1000xf32, #tpu.memory_space<vmem>>
      %dma_start3A_83 = tpu.memref_squeeze %dma_start3A_82 : memref<1x800x1000xf32, #tpu.memory_space<vmem>> -> memref<800x1000xf32, #tpu.memory_space<vmem>>
      %dma_start3A_84 = arith.constant 2400 : i32
      %dma_start3A_85 = arith.constant 0 : i32
      %dma_start3A_86 = tpu.memref_slice %arg1[%dma_start3A_84, %dma_start3A_85] : memref<100000x1000xf32, #tpu.memory_space<hbm>> -> memref<800x1000xf32, #tpu.memory_space<hbm>>
      tpu.enqueue_dma source(%dma_start3A_86 : memref<800x1000xf32, #tpu.memory_space<hbm>>) target(%dma_start3A_83 : memref<800x1000xf32, #tpu.memory_space<vmem>>) target_semaphore(%dma_start3A_79 : memref<!tpu.dma_semaphore, #tpu.memory_space<semaphore_mem>>)
    } else {
    }
    %mul3A = arith.constant 800 : i32
    %mul3A_3 = arith.muli %arg0, %mul3A : i32
    %dma_wait3A = tpu.memref_slice %arg4[%rem3A_0] : memref<4x!tpu.dma_semaphore, #tpu.memory_space<semaphore_mem>> -> memref<1x!tpu.dma_semaphore, #tpu.memory_space<semaphore_mem>>
    %dma_wait3A_4 = tpu.memref_squeeze %dma_wait3A : memref<1x!tpu.dma_semaphore, #tpu.memory_space<semaphore_mem>> -> memref<!tpu.dma_semaphore, #tpu.memory_space<semaphore_mem>>
    %dma_wait3A_5 = arith.constant 0 : i32
    %dma_wait3A_6 = arith.constant 0 : i32
    %dma_wait3A_7 = tpu.memref_slice %arg3[%rem3A_0, %dma_wait3A_5, %dma_wait3A_6] : memref<4x800x1000xf32, #tpu.memory_space<vmem>> -> memref<1x800x1000xf32, #tpu.memory_space<vmem>>
    %dma_wait3A_8 = tpu.memref_squeeze %dma_wait3A_7 : memref<1x800x1000xf32, #tpu.memory_space<vmem>> -> memref<800x1000xf32, #tpu.memory_space<vmem>>
    %dma_wait3A_9 = arith.constant 0 : i32
    %dma_wait3A_10 = tpu.memref_slice %arg1[%mul3A_3, %dma_wait3A_9] : memref<100000x1000xf32, #tpu.memory_space<hbm>> -> memref<800x1000xf32, #tpu.memory_space<hbm>>
    tpu.wait_dma2 semaphore(%dma_wait3A_4 : memref<!tpu.dma_semaphore, #tpu.memory_space<semaphore_mem>>) src(%dma_wait3A_10 : memref<800x1000xf32, #tpu.memory_space<hbm>>) dst(%dma_wait3A_8 : memref<800x1000xf32, #tpu.memory_space<vmem>>)
    %get3A = arith.index_cast %rem3A_0 : i32 to index
    %get3A_11 = arith.constant 0 : index
    %get3A_12 = arith.constant 0 : index
    %get3A_13 = vector.load %arg3[%get3A, %get3A_11, %get3A_12] : memref<4x800x1000xf32, #tpu.memory_space<vmem>>, vector<1x800x1000xf32>
    %get3A_14 = vector.shape_cast %get3A_13 : vector<1x800x1000xf32> to vector<800x1000xf32>
    %reduce_max3A = arith.constant dense<0xFF800000> : vector<800xf32>
    %reduce_max3A_15 = vector.multi_reduction <maximumf>, %get3A_14, %reduce_max3A [1] : vector<800x1000xf32> to vector<800xf32>
    %broadcast_in_dim3A = vector.shape_cast %reduce_max3A_15 : vector<800xf32> to vector<800x1xf32>
    %iota3A = tpu.iota {dimensions = array<i32: 1>} : vector<800x1000xi32>
    %convert_element_type3A_16 = arith.sitofp %iota3A : vector<800x1000xi32> to vector<800x1000xf32>
    %eq3A_17 = vector.broadcast %broadcast_in_dim3A : vector<800x1xf32> to vector<800x1000xf32>
    %eq3A_18 = arith.cmpf oeq, %get3A_14, %eq3A_17 : vector<800x1000xf32>
    %jit3A = arith.constant 1.000000e+03 : f32
    %broadcast_in_dim3A_19 = vector.broadcast %jit3A : f32 to vector<800x1000xf32>
    %select_n3A = arith.select %eq3A_18, %convert_element_type3A_16, %broadcast_in_dim3A_19 : vector<800x1000xi1>, vector<800x1000xf32>
    %reduce_min3A = arith.constant dense<0x7F800000> : vector<800xf32>
    %reduce_min3A_20 = vector.multi_reduction <minimumf>, %select_n3A, %reduce_min3A [1] : vector<800x1000xf32> to vector<800xf32>
    %broadcast_in_dim3A_21 = vector.shape_cast %reduce_min3A_20 : vector<800xf32> to vector<800x1xf32>
    %eq3A_22 = vector.broadcast %broadcast_in_dim3A_21 : vector<800x1xf32> to vector<800x1000xf32>
    %eq3A_23 = arith.cmpf oeq, %convert_element_type3A_16, %eq3A_22 : vector<800x1000xf32>
    %convert_element_type3A_24 = arith.extui %eq3A_23 : vector<800x1000xi1> to vector<800x1000xi32>
    %convert_element_type3A_25 = arith.sitofp %convert_element_type3A_24 : vector<800x1000xi32> to vector<800x1000xf32>
    %convert_element_type3A_26 = arith.truncf %convert_element_type3A_25 : vector<800x1000xf32> to vector<800x1000xbf16>
    %broadcast_in_dim3A_27 = arith.constant 1.000000e+00 : bf16
    %broadcast_in_dim3A_28 = vector.broadcast %broadcast_in_dim3A_27 : bf16 to vector<1x800xbf16>
    %dot_general3A = arith.constant dense<0.000000e+00> : vector<1x1000xf32>
    %dot_general3A_29 = tpu.matmul %broadcast_in_dim3A_28, %convert_element_type3A_26, %dot_general3A {dimension_numbers = #tpu.dot_dimension_numbers<[1], [0], [0], [1], [0, 0, 1, 1], [], []>, transpose_lhs_hint = false} : vector<1x800xbf16>, vector<800x1000xbf16>, vector<1x1000xf32> -> vector<1x1000xf32>
    %eq3A_30 = arith.constant 0 : i32
    %eq3A_31 = arith.cmpi eq, %arg0, %eq3A_30 : i32
    %convert_element_type3A_32 = arith.extui %eq3A_31 : i1 to i32
    %cond3A_33 = arith.constant 0 : i32
    %cond3A_34 = arith.cmpi ne, %convert_element_type3A_32, %cond3A_33 : i32
    scf.if %cond3A_34 {
      %swap3A = arith.constant 0 : index
      %swap3A_44 = arith.constant 0 : index
      %swap3A_45 = vector.load %arg2[%swap3A, %swap3A_44] : memref<1x1000xf32, #tpu.memory_space<vmem>>, vector<1x1000xf32>
      tpu.vector_store %arg2[%swap3A, %swap3A_44], %dot_general3A_29 {strides = array<i32>} : memref<1x1000xf32, #tpu.memory_space<vmem>>, vector<1x1000xf32>,
    } else {
    }
    %gt3A = arith.constant 0 : i32
    %gt3A_35 = arith.cmpi sgt, %arg0, %gt3A : i32
    %convert_element_type3A_36 = arith.extui %gt3A_35 : i1 to i32
    %cond3A_37 = arith.constant 0 : i32
    %cond3A_38 = arith.cmpi ne, %convert_element_type3A_36, %cond3A_37 : i32
    scf.if %cond3A_38 {
      %get3A_44 = arith.constant 0 : index
      %get3A_45 = arith.constant 0 : index
      %get3A_46 = vector.load %arg2[%get3A_44, %get3A_45] : memref<1x1000xf32, #tpu.memory_space<vmem>>, vector<1x1000xf32>
      %add3A_47 = arith.addf %get3A_46, %dot_general3A_29 : vector<1x1000xf32>
      %swap3A = arith.constant 0 : index
      %swap3A_48 = arith.constant 0 : index
      %swap3A_49 = vector.load %arg2[%swap3A, %swap3A_48] : memref<1x1000xf32, #tpu.memory_space<vmem>>, vector<1x1000xf32>
      tpu.vector_store %arg2[%swap3A, %swap3A_48], %add3A_47 {strides = array<i32>} : memref<1x1000xf32, #tpu.memory_space<vmem>>, vector<1x1000xf32>,
    } else {
    }
    %add3A = arith.constant 4 : i32
    %add3A_39 = arith.addi %arg0, %add3A : i32
    %lt3A = arith.constant 93 : i32
    %lt3A_40 = arith.cmpi slt, %add3A_39, %lt3A : i32
    %convert_element_type3A_41 = arith.extui %lt3A_40 : i1 to i32
    %cond3A_42 = arith.constant 0 : i32
    %cond3A_43 = arith.cmpi ne, %convert_element_type3A_41, %cond3A_42 : i32
    scf.if %cond3A_43 {
      %mul3A_44 = arith.constant 800 : i32
      %mul3A_45 = arith.muli %add3A_39, %mul3A_44 : i32
      %dma_start3A = tpu.memref_slice %arg4[%rem3A_0] : memref<4x!tpu.dma_semaphore, #tpu.memory_space<semaphore_mem>> -> memref<1x!tpu.dma_semaphore, #tpu.memory_space<semaphore_mem>>
      %dma_start3A_46 = tpu.memref_squeeze %dma_start3A : memref<1x!tpu.dma_semaphore, #tpu.memory_space<semaphore_mem>> -> memref<!tpu.dma_semaphore, #tpu.memory_space<semaphore_mem>>
      %dma_start3A_47 = arith.constant 0 : i32
      %dma_start3A_48 = arith.constant 0 : i32
      %dma_start3A_49 = tpu.memref_slice %arg3[%rem3A_0, %dma_start3A_47, %dma_start3A_48] : memref<4x800x1000xf32, #tpu.memory_space<vmem>> -> memref<1x800x1000xf32, #tpu.memory_space<vmem>>
      %dma_start3A_50 = tpu.memref_squeeze %dma_start3A_49 : memref<1x800x1000xf32, #tpu.memory_space<vmem>> -> memref<800x1000xf32, #tpu.memory_space<vmem>>
      %dma_start3A_51 = arith.constant 0 : i32
      %dma_start3A_52 = tpu.memref_slice %arg1[%mul3A_45, %dma_start3A_51] : memref<100000x1000xf32, #tpu.memory_space<hbm>> -> memref<800x1000xf32, #tpu.memory_space<hbm>>
      tpu.enqueue_dma source(%dma_start3A_52 : memref<800x1000xf32, #tpu.memory_space<hbm>>) target(%dma_start3A_50 : memref<800x1000xf32, #tpu.memory_space<vmem>>) target_semaphore(%dma_start3A_46 : memref<!tpu.dma_semaphore, #tpu.memory_space<semaphore_mem>>)
    } else {
    }
    return
  }
  func.func @transform_1(%arg0: i32) -> (i32, i32) {
    %c0_i32 = arith.constant 0 : i32
    %c0_i32_0 = arith.constant 0 : i32
    %c0_i32_1 = arith.constant 0 : i32
    return %c0_i32, %c0_i32_0 : i32, i32
  }
}

</mosaic_0001>

<sc_bundles>
// kernel: kernel.5.cloned.1.call-start
scs
__scs_entry_jumppad:
0x0: {  	(pc) =	sbr.rel $0x88, $3  }
0x1: {  	(tag) =	ssettag $0x0;
	lr =	simm.s32 $0x1  }
0x2: {  	[smem:$0x3FA0] =	sst lr;
	_ =	strace $0xD0000000  }
0x3: {  	_ = 	snop  }
0x4: {  	_ = 	snop  }
0x5: {  	_ = 	snop  }
0x6: {  	_ = 	snop  }
0x7: {  	_ = 	snop  }
__scs_overlays_trampoline_lowered:
0x8: {  	[smem:$0x3FAF] =	sst s0  }
0x9: {  	[smem:$0x3FB0] =	sst s1  }
0xa: {  	[smem:$0x3FB1] =	sst s2  }
0xb: {  	[smem:$0x3FB2] =	sst s3  }
0xc: {  	[smem:$0x3FB3] =	sst s4  }
0xd: {  	[smem:$0x3FB4] =	sst s5  }
0xe: {  	[smem:$0x3FB5] =	sst s6  }
0xf: {  	[smem:$0x3FB6] =	sst s7  }
0x10: {  	[smem:$0x3FB7] =	sst s8  }
0x11: {  	[smem:$0x3FB8] =	sst s9;
	s0 =	simm.s32 @!p0 $0x0  }
0x12: {  	s1 =	sld [smem:$0x3F9E];
	s0 =	simm.s32 @p0 $0x1  }
0x13: {  	[smem:$0x3FB9] =	sst s0;
	s0 =	simm.s32 @!p1 $0x0  }
0x14: {  	s2 =	sld [smem:$0x3F9D];
	s0 =	simm.s32 @p1 $0x1  }
0x15: {  	[smem:$0x3FBA] =	sst s0;
	s0 =	simm.s32 @!p2 $0x0  }
0x16: {  	s3 =	sld [smem:$0x3FDB];
	s0 =	simm.s32 @p2 $0x1  }
0x17: {  	s4 =	simm.s32 $0x1BF5;
	[smem:$0x3FBC] =	sst s0  }
0x18: {  	s0 =	sld [smem:$0x3F9F];
	_ =	swait.ge [sflag:s4], $0x0  }
0x19: {  	s7 =	sld [smem:$0x3FA0]  }
0x1a: {  	s8 =	sadd.s32 $0xFFFFE003, lr  }
0x1b: {  	s9 =	sadd.s32 $0xFFFFFEF7, lr;
	s5 =	simm.s32 $0xFFFFFFFF;
	p2 =	slt.u32 s8, $0xFFFFF086  }
0x1c: {  	p1 =	slt.u32 s9, $0xF7A;
	s5 =	simm.s32 @!p2 $0x0  }
0x1d: {  	s5 =	simm.s32 @p1 $0x1;
	p0 =	seq.s32 s7, s2  }
0x1e: {  	s7 =	smul.u32 @!p0 $0xF7A, s2;
	p2 =	seq.s32 @!p0 s5, $0x0  }
0x1f: {  	s9 =	smul.u32 $0xF7A, s1;
	s8 =	simm.s32 @!p0 $0x1BF5;
	p2 =	por !p2, p0  }
0x20: {  	[sflag:s8] =	ssyncset.s32 @!p0 $0xFFFFF086;
	s6 =	sadd.s32 @!p0 s3, s7;
	s7 =	simm.s32 @!p0 $0x108  }
0x21: {  	s3 =	sadd.s32 s3, s9;
	s6 =	sadd.s32 @!p0 $0x88, s6;
	s7 =	simm.s32 @p2 $0x1082  }
0x22: {  	[simem:s7], [sflag:s8] =	dma.local @!p0 [hbm:s6], $0xF7A  }
0x23: {  	s9 =	sor.u32 $0xD0000000, s2;
	s6 =	simm.s32 $0x108;
	_ =	swait.ge @!p0 [sflag:s8], $0x0  }
0x24: {  	s3 =	sadd.s32 $0x88, s3;
	s6 =	simm.s32 @!p1 $0x1082;
	[sflag:s4] =	ssyncset.s32 $0xFFFFF086  }
0x25: {  	[simem:s6], [sflag:s4] =	dma.local [hbm:s3], $0xF7A  }
0x26: {  	[smem:$0x3FA0] =	sst s1;
	(tag) =	ssettag s2;
	_ =	strace s9  }
0x27: {  	s1 =	sld [smem:$0x3FB0]  }
0x28: {  	s2 =	sld [smem:$0x3FB1]  }
0x29: {  	s4 =	sld [smem:$0x3FB3]  }
0x2a: {  	p0 =	seq.s32 s5, $0x0;
	s5 =	sld [smem:$0x3FB4]  }
0x2b: {  	s6 =	sld [smem:$0x3FB5]  }
0x2c: {  	s7 =	sld [smem:$0x3FB6]  }
0x2d: {  	s3 =	simm.s32 $0x108;
	s8 =	sld [smem:$0x3FB7]  }
0x2e: {  	s3 =	simm.s32 @!p0 $0x1082;
	s9 =	sld [smem:$0x3FB8]  }
0x2f: {  	lr =	sadd.s32 s0, s3;
	s0 =	sld [smem:$0x3FAF]  }
0x30: {  	s3 =	sld [smem:$0x3FB2]  }
0x31: {  	[smem:$0x3FBB] =	sst s10  }
0x32: {  	s10 =	sld [smem:$0x3FB9];
	_ =	sdelay $0x3  }
0x33: {  	p0 =	seq.s32 s10, $0x1;
	s10 =	sld [smem:$0x3FBB];
	_ =	sdelay $0x3  }
0x34: {  	[smem:$0x3FBB] =	sst s10  }
0x35: {  	s10 =	sld [smem:$0x3FBA];
	_ =	sdelay $0x3  }
0x36: {  	p1 =	seq.s32 s10, $0x1;
	s10 =	sld [smem:$0x3FBB];
	_ =	sdelay $0x3  }
0x37: {  	[smem:$0x3FBB] =	sst s10  }
0x38: {  	s10 =	sld [smem:$0x3FBC]  }
0x39: {  	_ = 	snop;
	(pc) =	sbr.ind lr, $3  }
0x3a: {  	_ = 	snop  }
0x3b: {  	_ = 	snop  }
0x3c: {  	p2 =	seq.s32 s10, $0x1;
	s10 =	sld [smem:$0x3FBB]  }
0x3d: {  	_ =	shalt  }
0x3e: {  	_ =	shalt  }
0x3f: {  	_ =	shalt  }
0x40: {  	_ =	shalt  }
0x41: {  	_ =	shalt  }
0x42: {  	_ =	shalt  }
0x43: {  	_ =	shalt  }
0x44: {  	_ =	shalt  }
0x45: {  	_ =	shalt  }
0x46: {  	_ =	shalt  }
0x47: {  	_ =	shalt  }
0x48: {  	_ =	shalt  }
0x49: {  	_ =	shalt  }
0x4a: {  	_ =	shalt  }
0x4b: {  	_ =	shalt  }
0x4c: {  	_ =	shalt  }
0x4d: {  	_ =	shalt  }
0x4e: {  	_ =	shalt  }
0x4f: {  	_ =	shalt  }
0x50: {  	_ =	shalt  }
0x51: {  	_ =	shalt  }
0x52: {  	_ =	shalt  }
0x53: {  	_ =	shalt  }
0x54: {  	_ =	shalt  }
0x55: {  	_ =	shalt  }
0x56: {  	_ =	shalt  }
0x57: {  	_ =	shalt  }
0x58: {  	_ =	shalt  }
0x59: {  	_ =	shalt  }
0x5a: {  	_ =	shalt  }
0x5b: {  	_ =	shalt  }
0x5c: {  	_ =	shalt  }
0x5d: {  	_ =	shalt  }
0x5e: {  	_ =	shalt  }
0x5f: {  	_ =	shalt  }
0x60: {  	_ =	shalt  }
0x61: {  	_ =	shalt  }
0x62: {  	_ =	shalt  }
0x63: {  	_ =	shalt  }
0x64: {  	_ =	shalt  }
0x65: {  	_ =	shalt  }
0x66: {  	_ =	shalt  }
0x67: {  	_ =	shalt  }
0x68: {  	_ =	shalt  }
0x69: {  	_ =	shalt  }
0x6a: {  	_ =	shalt  }
0x6b: {  	_ =	shalt  }
0x6c: {  	_ =	shalt  }
0x6d: {  	_ =	shalt  }
0x6e: {  	_ =	shalt  }
0x6f: {  	_ =	shalt  }
0x70: {  	_ =	shalt  }
0x71: {  	_ =	shalt  }
0x72: {  	_ =	shalt  }
0x73: {  	_ =	shalt  }
0x74: {  	_ =	shalt  }
0x75: {  	_ =	shalt  }
0x76: {  	_ =	shalt  }
0x77: {  	_ =	shalt  }
0x78: {  	_ =	shalt  }
0x79: {  	_ =	shalt  }
0x7a: {  	_ =	shalt  }
0x7b: {  	_ =	shalt  }
0x7c: {  	_ =	shalt  }
0x7d: {  	_ =	shalt  }
0x7e: {  	_ =	shalt  }
0x7f: {  	_ =	shalt  }
0x80: {  	_ =	shalt  }
0x81: {  	_ =	shalt  }
0x82: {  	_ =	shalt  }
0x83: {  	_ =	shalt  }
0x84: {  	_ =	shalt  }
0x85: {  	_ =	shalt  }
0x86: {  	_ =	shalt  }
0x87: {  	_ =	shalt  }
.Lfunc_end0:
.L_simem_size_0:
called_computation_lowered:
.L_overlay_start_0:
0x88: {  	s2 =	sld [smem:$0x3FD9]  }
0x89: {  	s3 =	sld [smem:$0x3FFE];
	_ =	sdelay $0x1  }
0x8a: {  	s1 =	srdreg.scid  }
0x8b: {  	s0 =	sand.u32 $0x1, s1  }
0x8c: {  	s16 =	sshll.u32 s0, $0xA;
	s2 =	sadd.s32 s3, s2  }
0x8d: {  	s2 =	sadd.s32 s2, s16  }
0x8e: {  	[smem:$0x3FC7] =	sst s2  }
0x8f: {  	_ = 	snop  }
0x90: {  	(tm) =	ssettm $0x1  }
0x91: {  	s17 =	sld [smem:$0x3FFB];
	_ =	sdelay $0x3  }
0x92: {  	_ =	strace s17  }
0x93: {  	s2 =	sld [smem:$0x3FFC];
	_ =	sdelay $0x3  }
0x94: {  	_ =	strace s2  }
0x95: {  	s2 =	sld [smem:$0x3FFD];
	_ =	sdelay $0x3  }
0x96: {  	_ =	strace s2  }
0x97: {  	_ =	strace $0x8FFFFFFF  }
0x98: {  	s18 =	sld [smem:$0x3FDB];
	_ =	sdelay $0x1  }
0x99: {  	s19 =	simm.s32 $_scs_section_size  }
0x9a: {  	s4 =	simm.s32 $_size__tile_overlayer_lowered;
	s5 =	simm.s32 $_tile_overlayer_lowered  }
0x9b: {  	s22 =	simm.s32 $0x1BFF;
	s21 =	sshll.u32 s5, $0x1;
	s2 =	sadd.s32 s19, s18  }
0x9c: {  	s6 =	simm.s32 $0x0;
	s20 =	sshll.u32 s4, $0x1;
	s4 =	sadd.s32 s21, s2  }
0x9d: {  	[timem:s6], [sflag:s22] =	dma.local [hbm:s4], s20  }
0x9e: {  	_ =	swait.ge [sflag:s22], s20  }
0x9f: {  	s3 =	ssub.s32 $0x0, s20;
	[sflag:s22] =	ssyncset.done $0x0  }
0xa0: {  	[sflag:s22] =	ssyncadd.s32 s3;
	_ =	sdelay $0x1  }
0xa1: {  	s23 =	simm.s32 $0x1B8B  }
0xa2: {  	_ =	swait.ge [sflag:s23], $0x1  }
0xa3: {  	[sflag:s23] =	ssyncset.done $0x0  }
0xa4: {  	s25 =	simm.s32 $0x1B8E;
	s24 =	sld [smem:$0x3FFE];
	[sflag:s23] =	ssyncadd.s32 $0xFFFFFFFF  }
0xa5: {  	s26 =	simm.s32 $execute0_lowered;
	[smem:$0x3FD2] =	sst s25  }
0xa6: {  	s4 =	sshll.u32 s26, $0x1;
	_ =	strace $0x80000046;
	[dreg:$0x1] =	wrdreg $0xFFFFFFFF  }
0xa7: {  	s28 =	simm.s32 $_size_execute0_lowered;
	s2 =	sadd.s32 s2, s4;
	[dreg:$0x0] =	wrdreg $0x0  }
0xa8: {  	s4 =	sshll.u32 s28, $0x1;
	[dreg:$0x2] =	wrdreg s2  }
0xa9: {  	[dreg:$0x3] =	wrdreg s4  }
0xaa: {  	[dreg:$0x4] =	wrdreg $0xC0  }
0xab: {  	_ =	task [dreg:s6], $0x5FFFF  }
0xac: {  	[dreg:$0x1] =	wrdreg $0xFFFFFFFF  }
0xad: {  	[dreg:$0x0] =	wrdreg $0x60  }
0xae: {  	[dreg:$0x2] =	wrdreg s24  }
0xaf: {  	[dreg:$0x3] =	wrdreg $0x8B000  }
0xb0: {  	[dreg:$0x4] =	wrdreg $0x9  }
0xb1: {  	_ =	task.clear_ibuf [dreg:s6], $0x5FFFF;
	_ =	strace $0x90000046  }
0xb2: {  	s29 =	simm.s32 $0x9;
	_ =	strace $0x80000048  }
0xb3: {  	_ =	swait.ge [sflag:s29], $0x1  }
0xb4: {  	[sflag:s29] =	ssyncadd.s32 $0xFFFFFFFF  }
0xb5: {  	_ =	strace $0x90000048  }
0xb6: {  	_ =	sfence  }
0xb7: {  	s30 =	sld [smem:$0x0];
	_ =	sdelay $0x2  }
0xb8: {  	s31 =	sshll.u32 s1, $0xD;
	s1 =	sshrl.u32 s1, $0x2  }
0xb9: {  	s3 =	sand.u32 $0x4000, s31;
	s1 =	sadd.s32 s1, s30  }
0xba: {  	s0 =	sor.u32 s3, s0;
	s1 =	sshll.u32 s1, $0x11  }
0xbb: {  	s0 =	sor.u32 s1, s0  }
0xbc: {  	s0 =	sadd.s32 $0x8F2B, s0  }
0xbd: {  	[sflag:s0] =	ssyncadd.remote.s32 $0x1  }
0xbe: {  	_ =	sfence.sel $0xFFFF  }
0xbf: {  	[dreg:$0x0] =	wrdreg $0xFFFFFFFF;
	(pc) =	sbr.abs _section_cstart, $3  }
0xc0: {  	[dreg:$0x1] =	wrdreg $0xFFFFFFFF  }
0xc1: {  	_ =	task.clear_ibuf [dreg:s6], $0x2FFFF;
	_ =	strace $0x9FFFFFFF  }
0xc2: {  	(tm) =	ssettm $0x7FFFFFFF  }
0xc3: {  	_ =	shalt  }
tec
execute0_lowered:
.L_overlay_start_1:
0x0: {  	(tag) =	ssettag $0x1  }
0x1: {  	v0 =	vimm.f32 $1.500000000e+01;
	vm14 =	vcmask $0x300;
	vm13 =	vcmask $0x704  }
0x2: {  	vm12 =	vcmask $0xB08;
	vm11 =	vcmask $0xF0C;
	vm10 =	vcmask $0x1310  }
0x3: {  	vm9 =	vcmask $0x1714;
	vm3 =	vcmask $0x1B18;
	vm0 =	vcmask $0x1F1C  }
0x4: {  	v1 =	vimm.f32 $3.100000000e+01;
	v2 =	vimm.f32 $4.700000000e+01;
	vm1 =	vcmask $0x2320  }
0x5: {  	vm2 =	vcmask $0x2724;
	vm4 =	vcmask $0x2B28;
	vm5 =	vcmask $0x2F2C  }
0x6: {  	vm6 =	vcmask $0x3330;
	vm7 =	vcmask $0x3734;
	vm8 =	vcmask $0x3B38  }
0x7: {  	v47 =	vimm.f32 $6.300000000e+01;
	v48 =	vimm.f32 $7.900000000e+01;
	v49 =	vimm.f32 $9.500000000e+01  }
0x8: {  	v50 =	vimm.f32 $1.110000000e+02;
	v51 =	vimm.f32 $1.270000000e+02;
	v52 =	vimm.f32 $1.430000000e+02  }
0x9: {  	v53 =	vimm.f32 $1.590000000e+02;
	v54 =	vimm.f32 $1.750000000e+02;
	v55 =	vimm.f32 $1.910000000e+02  }
0xa: {  	v56 =	vimm.f32 $2.070000000e+02;
	v57 =	vimm.f32 $2.230000000e+02;
	v58 =	vimm.f32 $2.390000000e+02  }
0xb: {  	v59 =	vimm.f32 $2.550000000e+02;
	v60 =	vimm.f32 $2.710000000e+02;
	v61 =	vimm.f32 $2.870000000e+02  }
0xc: {  	v62 =	vimm.f32 $3.030000000e+02;
	v63 =	vimm.f32 $3.190000000e+02;
	v4 =	vimm.f32 $3.350000000e+02  }
0xd: {  	v6 =	vimm.f32 $3.510000000e+02;
	v7 =	vimm.f32 $3.670000000e+02;
	v8 =	vimm.f32 $3.830000000e+02  }
0xe: {  	v10 =	vimm.f32 $3.990000000e+02;
	v11 =	vimm.f32 $4.150000000e+02;
	v35 =	vimm.f32 $4.310000000e+02  }
0xf: {  	v39 =	vimm.f32 $4.470000000e+02;
	v40 =	vimm.f32 $4.630000000e+02;
	v45 =	vimm.f32 $4.790000000e+02  }
0x10: {  	v46 =	vimm.f32 $4.950000000e+02;
	v0 =	vsel vm14, $0x0, v0;
	v1 =	vsel vm14, $0x41800000, v1  }
0x11: {  	v2 =	vsel vm14, $0x42000000, v2;
	v0 =	vsel vm13, $0x3F800000, v0;
	v1 =	vsel vm13, $0x41880000, v1  }
0x12: {  	v2 =	vsel vm13, $0x42040000, v2;
	v0 =	vsel vm12, $0x40000000, v0;
	v1 =	vsel vm12, $0x41900000, v1  }
0x13: {  	v2 =	vsel vm12, $0x42080000, v2;
	v0 =	vsel vm11, $0x40400000, v0;
	v1 =	vsel vm11, $0x41980000, v1  }
0x14: {  	v2 =	vsel vm11, $0x420C0000, v2;
	v0 =	vsel vm10, $0x40800000, v0;
	v1 =	vsel vm10, $0x41A00000, v1  }
0x15: {  	v2 =	vsel vm10, $0x42100000, v2;
	v0 =	vsel vm9, $0x40A00000, v0;
	v1 =	vsel vm9, $0x41A80000, v1  }
0x16: {  	v2 =	vsel vm9, $0x42140000, v2;
	v0 =	vsel vm3, $0x40C00000, v0;
	v1 =	vsel vm3, $0x41B00000, v1  }
0x17: {  	v2 =	vsel vm3, $0x42180000, v2;
	v0 =	vsel vm0, $0x40E00000, v0;
	v1 =	vsel vm0, $0x41B80000, v1  }
0x18: {  	v2 =	vsel vm0, $0x421C0000, v2;
	v0 =	vsel vm1, $0x41000000, v0;
	v1 =	vsel vm1, $0x41C00000, v1  }
0x19: {  	v2 =	vsel vm1, $0x42200000, v2;
	v0 =	vsel vm2, $0x41100000, v0;
	v1 =	vsel vm2, $0x41C80000, v1  }
0x1a: {  	v2 =	vsel vm2, $0x42240000, v2;
	v0 =	vsel vm4, $0x41200000, v0;
	v1 =	vsel vm4, $0x41D00000, v1  }
0x1b: {  	v2 =	vsel vm4, $0x42280000, v2;
	v0 =	vsel vm5, $0x41300000, v0;
	v1 =	vsel vm5, $0x41D80000, v1  }
0x1c: {  	v2 =	vsel vm5, $0x422C0000, v2;
	v0 =	vsel vm6, $0x41400000, v0;
	v1 =	vsel vm6, $0x41E00000, v1  }
0x1d: {  	v2 =	vsel vm6, $0x42300000, v2;
	v0 =	vsel vm7, $0x41500000, v0;
	v1 =	vsel vm7, $0x41E80000, v1  }
0x1e: {  	v2 =	vsel vm7, $0x42340000, v2;
	v27 =	vsel vm8, $0x41600000, v0;
	v28 =	vsel vm8, $0x41F00000, v1  }
0x1f: {  	v29 =	vsel vm8, $0x42380000, v2;
	v0 =	vsel vm14, $0x42400000, v47;
	v1 =	vsel vm14, $0x42800000, v48  }
0x20: {  	v2 =	vsel vm14, $0x42A00000, v49;
	v47 =	vimm.f32 $5.110000000e+02;
	v48 =	vimm.f32 $5.270000000e+02  }
0x21: {  	v49 =	vimm.f32 $5.430000000e+02;
	v0 =	vsel vm13, $0x42440000, v0;
	v1 =	vsel vm13, $0x42820000, v1  }
0x22: {  	v2 =	vsel vm13, $0x42A20000, v2;
	v0 =	vsel vm12, $0x42480000, v0;
	v1 =	vsel vm12, $0x42840000, v1  }
0x23: {  	v2 =	vsel vm12, $0x42A40000, v2;
	v0 =	vsel vm11, $0x424C0000, v0;
	v1 =	vsel vm11, $0x42860000, v1  }
0x24: {  	v2 =	vsel vm11, $0x42A60000, v2;
	v0 =	vsel vm10, $0x42500000, v0;
	v1 =	vsel vm10, $0x42880000, v1  }
0x25: {  	v2 =	vsel vm10, $0x42A80000, v2;
	v0 =	vsel vm9, $0x42540000, v0;
	v1 =	vsel vm9, $0x428A0000, v1  }
0x26: {  	v2 =	vsel vm9, $0x42AA0000, v2;
	v0 =	vsel vm3, $0x42580000, v0;
	v1 =	vsel vm3, $0x428C0000, v1  }
0x27: {  	v2 =	vsel vm3, $0x42AC0000, v2;
	v0 =	vsel vm0, $0x425C0000, v0;
	v1 =	vsel vm0, $0x428E0000, v1  }
0x28: {  	v2 =	vsel vm0, $0x42AE0000, v2;
	v0 =	vsel vm1, $0x42600000, v0;
	v1 =	vsel vm1, $0x42900000, v1  }
0x29: {  	v2 =	vsel vm1, $0x42B00000, v2;
	v0 =	vsel vm2, $0x42640000, v0;
	v1 =	vsel vm2, $0x42920000, v1  }
0x2a: {  	v2 =	vsel vm2, $0x42B20000, v2;
	v0 =	vsel vm4, $0x42680000, v0;
	v1 =	vsel vm4, $0x42940000, v1  }
0x2b: {  	v2 =	vsel vm4, $0x42B40000, v2;
	v0 =	vsel vm5, $0x426C0000, v0;
	v1 =	vsel vm5, $0x42960000, v1  }
0x2c: {  	v2 =	vsel vm5, $0x42B60000, v2;
	v0 =	vsel vm6, $0x42700000, v0;
	v1 =	vsel vm6, $0x42980000, v1  }
0x2d: {  	v2 =	vsel vm6, $0x42B80000, v2;
	v0 =	vsel vm7, $0x42740000, v0;
	v1 =	vsel vm7, $0x429A0000, v1  }
0x2e: {  	v2 =	vsel vm7, $0x42BA0000, v2;
	v30 =	vsel vm8, $0x42780000, v0;
	v31 =	vsel vm8, $0x429C0000, v1  }
0x2f: {  	v32 =	vsel vm8, $0x42BC0000, v2;
	v0 =	vsel vm14, $0x42C00000, v50;
	v1 =	vsel vm14, $0x42E00000, v51  }
0x30: {  	v2 =	vsel vm14, $0x43000000, v52;
	v0 =	vsel vm13, $0x42C20000, v0;
	v1 =	vsel vm13, $0x42E20000, v1  }
0x31: {  	v2 =	vsel vm13, $0x43010000, v2;
	v0 =	vsel vm12, $0x42C40000, v0;
	v1 =	vsel vm12, $0x42E40000, v1  }
0x32: {  	v2 =	vsel vm12, $0x43020000, v2;
	v0 =	vsel vm11, $0x42C60000, v0;
	v1 =	vsel vm11, $0x42E60000, v1  }
0x33: {  	v2 =	vsel vm11, $0x43030000, v2;
	v0 =	vsel vm10, $0x42C80000, v0;
	v1 =	vsel vm10, $0x42E80000, v1  }
0x34: {  	v2 =	vsel vm10, $0x43040000, v2;
	v0 =	vsel vm9, $0x42CA0000, v0;
	v1 =	vsel vm9, $0x42EA0000, v1  }
0x35: {  	v2 =	vsel vm9, $0x43050000, v2;
	v0 =	vsel vm3, $0x42CC0000, v0;
	v1 =	vsel vm3, $0x42EC0000, v1  }
0x36: {  	v2 =	vsel vm3, $0x43060000, v2;
	v0 =	vsel vm0, $0x42CE0000, v0;
	v1 =	vsel vm0, $0x42EE0000, v1  }
0x37: {  	v2 =	vsel vm0, $0x43070000, v2;
	v0 =	vsel vm1, $0x42D00000, v0;
	v1 =	vsel vm1, $0x42F00000, v1  }
0x38: {  	v2 =	vsel vm1, $0x43080000, v2;
	v0 =	vsel vm2, $0x42D20000, v0;
	v1 =	vsel vm2, $0x42F20000, v1  }
0x39: {  	v2 =	vsel vm2, $0x43090000, v2;
	v0 =	vsel vm4, $0x42D40000, v0;
	v1 =	vsel vm4, $0x42F40000, v1  }
0x3a: {  	v2 =	vsel vm4, $0x430A0000, v2;
	v0 =	vsel vm5, $0x42D60000, v0;
	v1 =	vsel vm5, $0x42F60000, v1  }
0x3b: {  	v2 =	vsel vm5, $0x430B0000, v2;
	v0 =	vsel vm6, $0x42D80000, v0;
	v1 =	vsel vm6, $0x42F80000, v1  }
0x3c: {  	v2 =	vsel vm6, $0x430C0000, v2;
	v0 =	vsel vm7, $0x42DA0000, v0;
	v1 =	vsel vm7, $0x42FA0000, v1  }
0x3d: {  	v2 =	vsel vm7, $0x430D0000, v2;
	v33 =	vsel vm8, $0x42DC0000, v0;
	v34 =	vsel vm8, $0x42FC0000, v1  }
0x3e: {  	v26 =	vsel vm8, $0x430E0000, v2;
	v0 =	vsel vm14, $0x43100000, v53;
	v1 =	vsel vm14, $0x43200000, v54  }
0x3f: {  	v2 =	vsel vm14, $0x43300000, v55;
	v53 =	vimm.f32 $5.590000000e+02;
	v54 =	vimm.f32 $5.750000000e+02  }
0x40: {  	v55 =	vimm.f32 $5.910000000e+02;
	v0 =	vsel vm13, $0x43110000, v0;
	v1 =	vsel vm13, $0x43210000, v1  }
0x41: {  	v2 =	vsel vm13, $0x43310000, v2;
	v0 =	vsel vm12, $0x43120000, v0;
	v1 =	vsel vm12, $0x43220000, v1  }
0x42: {  	v2 =	vsel vm12, $0x43320000, v2;
	v0 =	vsel vm11, $0x43130000, v0;
	v1 =	vsel vm11, $0x43230000, v1  }
0x43: {  	v2 =	vsel vm11, $0x43330000, v2;
	v0 =	vsel vm10, $0x43140000, v0;
	v1 =	vsel vm10, $0x43240000, v1  }
0x44: {  	v2 =	vsel vm10, $0x43340000, v2;
	v0 =	vsel vm9, $0x43150000, v0;
	v1 =	vsel vm9, $0x43250000, v1  }
0x45: {  	v2 =	vsel vm9, $0x43350000, v2;
	v0 =	vsel vm3, $0x43160000, v0;
	v1 =	vsel vm3, $0x43260000, v1  }
0x46: {  	v2 =	vsel vm3, $0x43360000, v2;
	v0 =	vsel vm0, $0x43170000, v0;
	v1 =	vsel vm0, $0x43270000, v1  }
0x47: {  	v2 =	vsel vm0, $0x43370000, v2;
	v0 =	vsel vm1, $0x43180000, v0;
	v1 =	vsel vm1, $0x43280000, v1  }
0x48: {  	v2 =	vsel vm1, $0x43380000, v2;
	v0 =	vsel vm2, $0x43190000, v0;
	v1 =	vsel vm2, $0x43290000, v1  }
0x49: {  	v2 =	vsel vm2, $0x43390000, v2;
	v0 =	vsel vm4, $0x431A0000, v0;
	v1 =	vsel vm4, $0x432A0000, v1  }
0x4a: {  	v2 =	vsel vm4, $0x433A0000, v2;
	v0 =	vsel vm5, $0x431B0000, v0;
	v1 =	vsel vm5, $0x432B0000, v1  }
0x4b: {  	v2 =	vsel vm5, $0x433B0000, v2;
	v0 =	vsel vm6, $0x431C0000, v0;
	v1 =	vsel vm6, $0x432C0000, v1  }
0x4c: {  	v2 =	vsel vm6, $0x433C0000, v2;
	v0 =	vsel vm7, $0x431D0000, v0;
	v1 =	vsel vm7, $0x432D0000, v1  }
0x4d: {  	v2 =	vsel vm7, $0x433D0000, v2;
	v22 =	vsel vm8, $0x431E0000, v0;
	v23 =	vsel vm8, $0x432E0000, v1  }
0x4e: {  	v24 =	vsel vm8, $0x433E0000, v2;
	v0 =	vsel vm14, $0x43400000, v56;
	v1 =	vsel vm14, $0x43500000, v57  }
0x4f: {  	v2 =	vsel vm14, $0x43600000, v58;
	v57 =	vimm.f32 $6.070000000e+02;
	v0 =	vsel vm13, $0x43410000, v0  }
0x50: {  	v1 =	vsel vm13, $0x43510000, v1;
	v2 =	vsel vm13, $0x43610000, v2;
	v0 =	vsel vm12, $0x43420000, v0  }
0x51: {  	v1 =	vsel vm12, $0x43520000, v1;
	v2 =	vsel vm12, $0x43620000, v2;
	v0 =	vsel vm11, $0x43430000, v0  }
0x52: {  	v1 =	vsel vm11, $0x43530000, v1;
	v2 =	vsel vm11, $0x43630000, v2;
	v0 =	vsel vm10, $0x43440000, v0  }
0x53: {  	v1 =	vsel vm10, $0x43540000, v1;
	v2 =	vsel vm10, $0x43640000, v2;
	v0 =	vsel vm9, $0x43450000, v0  }
0x54: {  	v1 =	vsel vm9, $0x43550000, v1;
	v2 =	vsel vm9, $0x43650000, v2;
	v0 =	vsel vm3, $0x43460000, v0  }
0x55: {  	v1 =	vsel vm3, $0x43560000, v1;
	v2 =	vsel vm3, $0x43660000, v2;
	v0 =	vsel vm0, $0x43470000, v0  }
0x56: {  	v1 =	vsel vm0, $0x43570000, v1;
	v2 =	vsel vm0, $0x43670000, v2;
	v0 =	vsel vm1, $0x43480000, v0  }
0x57: {  	v1 =	vsel vm1, $0x43580000, v1;
	v2 =	vsel vm1, $0x43680000, v2;
	v0 =	vsel vm2, $0x43490000, v0  }
0x58: {  	v1 =	vsel vm2, $0x43590000, v1;
	v2 =	vsel vm2, $0x43690000, v2;
	v0 =	vsel vm4, $0x434A0000, v0  }
0x59: {  	v1 =	vsel vm4, $0x435A0000, v1;
	v2 =	vsel vm4, $0x436A0000, v2;
	v0 =	vsel vm5, $0x434B0000, v0  }
0x5a: {  	v1 =	vsel vm5, $0x435B0000, v1;
	v2 =	vsel vm5, $0x436B0000, v2;
	v0 =	vsel vm6, $0x434C0000, v0  }
0x5b: {  	v1 =	vsel vm6, $0x435C0000, v1;
	v2 =	vsel vm6, $0x436C0000, v2;
	v0 =	vsel vm7, $0x434D0000, v0  }
0x5c: {  	v1 =	vsel vm7, $0x435D0000, v1;
	v2 =	vsel vm7, $0x436D0000, v2;
	v25 =	vsel vm8, $0x434E0000, v0  }
0x5d: {  	v5 =	vsel vm8, $0x435E0000, v1;
	v41 =	vsel vm8, $0x436E0000, v2;
	v0 =	vsel vm14, $0x43700000, v59  }
0x5e: {  	v1 =	vsel vm14, $0x43800000, v60;
	v2 =	vsel vm14, $0x43880000, v61;
	v59 =	vimm.f32 $6.230000000e+02  }
0x5f: {  	v0 =	vsel vm13, $0x43710000, v0;
	v1 =	vsel vm13, $0x43808000, v1;
	v2 =	vsel vm13, $0x43888000, v2  }
0x60: {  	v0 =	vsel vm12, $0x43720000, v0;
	v1 =	vsel vm12, $0x43810000, v1;
	v2 =	vsel vm12, $0x43890000, v2  }
0x61: {  	v0 =	vsel vm11, $0x43730000, v0;
	v1 =	vsel vm11, $0x43818000, v1;
	v2 =	vsel vm11, $0x43898000, v2  }
0x62: {  	v0 =	vsel vm10, $0x43740000, v0;
	v1 =	vsel vm10, $0x43820000, v1;
	v2 =	vsel vm10, $0x438A0000, v2  }
0x63: {  	v0 =	vsel vm9, $0x43750000, v0;
	v1 =	vsel vm9, $0x43828000, v1;
	v2 =	vsel vm9, $0x438A8000, v2  }
0x64: {  	v0 =	vsel vm3, $0x43760000, v0;
	v1 =	vsel vm3, $0x43830000, v1;
	v2 =	vsel vm3, $0x438B0000, v2  }
0x65: {  	v0 =	vsel vm0, $0x43770000, v0;
	v1 =	vsel vm0, $0x43838000, v1;
	v2 =	vsel vm0, $0x438B8000, v2  }
0x66: {  	v0 =	vsel vm1, $0x43780000, v0;
	v1 =	vsel vm1, $0x43840000, v1;
	v2 =	vsel vm1, $0x438C0000, v2  }
0x67: {  	v0 =	vsel vm2, $0x43790000, v0;
	v1 =	vsel vm2, $0x43848000, v1;
	v2 =	vsel vm2, $0x438C8000, v2  }
0x68: {  	v0 =	vsel vm4, $0x437A0000, v0;
	v1 =	vsel vm4, $0x43850000, v1;
	v2 =	vsel vm4, $0x438D0000, v2  }
0x69: {  	v0 =	vsel vm5, $0x437B0000, v0;
	v1 =	vsel vm5, $0x43858000, v1;
	v2 =	vsel vm5, $0x438D8000, v2  }
0x6a: {  	v0 =	vsel vm6, $0x437C0000, v0;
	v1 =	vsel vm6, $0x43860000, v1;
	v2 =	vsel vm6, $0x438E0000, v2  }
0x6b: {  	v0 =	vsel vm7, $0x437D0000, v0;
	v1 =	vsel vm7, $0x43868000, v1;
	v2 =	vsel vm7, $0x438E8000, v2  }
0x6c: {  	v52 =	vsel vm8, $0x437E0000, v0;
	v50 =	vsel vm8, $0x43870000, v1;
	v38 =	vsel vm8, $0x438F0000, v2  }
0x6d: {  	v0 =	vsel vm14, $0x43900000, v62;
	v1 =	vsel vm14, $0x43980000, v63;
	v2 =	vsel vm14, $0x43A00000, v4  }
0x6e: {  	v62 =	vimm.f32 $6.390000000e+02;
	v4 =	vimm.f32 $6.550000000e+02;
	v0 =	vsel vm13, $0x43908000, v0  }
0x6f: {  	v1 =	vsel vm13, $0x43988000, v1;
	v2 =	vsel vm13, $0x43A08000, v2;
	v0 =	vsel vm12, $0x43910000, v0  }
0x70: {  	v1 =	vsel vm12, $0x43990000, v1;
	v2 =	vsel vm12, $0x43A10000, v2;
	v0 =	vsel vm11, $0x43918000, v0  }
0x71: {  	v1 =	vsel vm11, $0x43998000, v1;
	v2 =	vsel vm11, $0x43A18000, v2;
	v0 =	vsel vm10, $0x43920000, v0  }
0x72: {  	v1 =	vsel vm10, $0x439A0000, v1;
	v2 =	vsel vm10, $0x43A20000, v2;
	v0 =	vsel vm9, $0x43928000, v0  }
0x73: {  	v1 =	vsel vm9, $0x439A8000, v1;
	v2 =	vsel vm9, $0x43A28000, v2;
	v0 =	vsel vm3, $0x43930000, v0  }
0x74: {  	v1 =	vsel vm3, $0x439B0000, v1;
	v2 =	vsel vm3, $0x43A30000, v2;
	v0 =	vsel vm0, $0x43938000, v0  }
0x75: {  	v1 =	vsel vm0, $0x439B8000, v1;
	v2 =	vsel vm0, $0x43A38000, v2;
	v0 =	vsel vm1, $0x43940000, v0  }
0x76: {  	v1 =	vsel vm1, $0x439C0000, v1;
	v2 =	vsel vm1, $0x43A40000, v2;
	v0 =	vsel vm2, $0x43948000, v0  }
0x77: {  	v1 =	vsel vm2, $0x439C8000, v1;
	v2 =	vsel vm2, $0x43A48000, v2;
	v0 =	vsel vm4, $0x43950000, v0  }
0x78: {  	v1 =	vsel vm4, $0x439D0000, v1;
	v2 =	vsel vm4, $0x43A50000, v2;
	v0 =	vsel vm5, $0x43958000, v0  }
0x79: {  	v1 =	vsel vm5, $0x439D8000, v1;
	v2 =	vsel vm5, $0x43A58000, v2;
	v0 =	vsel vm6, $0x43960000, v0  }
0x7a: {  	v1 =	vsel vm6, $0x439E0000, v1;
	v2 =	vsel vm6, $0x43A60000, v2;
	v0 =	vsel vm7, $0x43968000, v0  }
0x7b: {  	v1 =	vsel vm7, $0x439E8000, v1;
	v2 =	vsel vm7, $0x43A68000, v2;
	v43 =	vsel vm8, $0x43970000, v0  }
0x7c: {  	v61 =	vsel vm8, $0x439F0000, v1;
	v42 =	vsel vm8, $0x43A70000, v2;
	v0 =	vsel vm14, $0x43A80000, v6  }
0x7d: {  	v1 =	vsel vm14, $0x43B00000, v7;
	v2 =	vsel vm14, $0x43B80000, v8;
	v6 =	vimm.f32 $6.710000000e+02  }
0x7e: {  	v7 =	vimm.f32 $6.870000000e+02;
	v8 =	vimm.f32 $7.030000000e+02;
	v0 =	vsel vm13, $0x43A88000, v0  }
0x7f: {  	v1 =	vsel vm13, $0x43B08000, v1;
	v2 =	vsel vm13, $0x43B88000, v2;
	v0 =	vsel vm12, $0x43A90000, v0  }
0x80: {  	v1 =	vsel vm12, $0x43B10000, v1;
	v2 =	vsel vm12, $0x43B90000, v2;
	v0 =	vsel vm11, $0x43A98000, v0  }
0x81: {  	v1 =	vsel vm11, $0x43B18000, v1;
	v2 =	vsel vm11, $0x43B98000, v2;
	v0 =	vsel vm10, $0x43AA0000, v0  }
0x82: {  	v1 =	vsel vm10, $0x43B20000, v1;
	v2 =	vsel vm10, $0x43BA0000, v2;
	v0 =	vsel vm9, $0x43AA8000, v0  }
0x83: {  	v1 =	vsel vm9, $0x43B28000, v1;
	v2 =	vsel vm9, $0x43BA8000, v2;
	v0 =	vsel vm3, $0x43AB0000, v0  }
0x84: {  	v1 =	vsel vm3, $0x43B30000, v1;
	v2 =	vsel vm3, $0x43BB0000, v2;
	v0 =	vsel vm0, $0x43AB8000, v0  }
0x85: {  	v1 =	vsel vm0, $0x43B38000, v1;
	v2 =	vsel vm0, $0x43BB8000, v2;
	v0 =	vsel vm1, $0x43AC0000, v0  }
0x86: {  	v1 =	vsel vm1, $0x43B40000, v1;
	v2 =	vsel vm1, $0x43BC0000, v2;
	v0 =	vsel vm2, $0x43AC8000, v0  }
0x87: {  	v1 =	vsel vm2, $0x43B48000, v1;
	v2 =	vsel vm2, $0x43BC8000, v2;
	v0 =	vsel vm4, $0x43AD0000, v0  }
0x88: {  	v1 =	vsel vm4, $0x43B50000, v1;
	v2 =	vsel vm4, $0x43BD0000, v2;
	v0 =	vsel vm5, $0x43AD8000, v0  }
0x89: {  	v1 =	vsel vm5, $0x43B58000, v1;
	v2 =	vsel vm5, $0x43BD8000, v2;
	v0 =	vsel vm6, $0x43AE0000, v0  }
0x8a: {  	v1 =	vsel vm6, $0x43B60000, v1;
	v2 =	vsel vm6, $0x43BE0000, v2;
	v0 =	vsel vm7, $0x43AE8000, v0  }
0x8b: {  	v1 =	vsel vm7, $0x43B68000, v1;
	v2 =	vsel vm7, $0x43BE8000, v2;
	v21 =	vsel vm8, $0x43AF0000, v0  }
0x8c: {  	v44 =	vsel vm8, $0x43B70000, v1;
	v9 =	vsel vm8, $0x43BF0000, v2;
	v0 =	vsel vm14, $0x43C00000, v10  }
0x8d: {  	v1 =	vsel vm14, $0x43C80000, v11;
	v2 =	vsel vm14, $0x43D00000, v35;
	v10 =	vimm.f32 $7.350000000e+02  }
0x8e: {  	v11 =	vimm.f32 $7.510000000e+02;
	v35 =	vimm.f32 $7.670000000e+02;
	v0 =	vsel vm13, $0x43C08000, v0  }
0x8f: {  	[tilespmem:$0x1FD30] =	vst v9;
	v1 =	vsel vm13, $0x43C88000, v1;
	v2 =	vsel vm13, $0x43D08000, v2;
	v9 =	vimm.f32 $7.190000000e+02  }
0x90: {  	v0 =	vsel vm12, $0x43C10000, v0;
	v1 =	vsel vm12, $0x43C90000, v1;
	v2 =	vsel vm12, $0x43D10000, v2  }
0x91: {  	v0 =	vsel vm11, $0x43C18000, v0;
	v1 =	vsel vm11, $0x43C98000, v1;
	v2 =	vsel vm11, $0x43D18000, v2  }
0x92: {  	v0 =	vsel vm10, $0x43C20000, v0;
	v1 =	vsel vm10, $0x43CA0000, v1;
	v2 =	vsel vm10, $0x43D20000, v2  }
0x93: {  	v0 =	vsel vm9, $0x43C28000, v0;
	v1 =	vsel vm9, $0x43CA8000, v1;
	v2 =	vsel vm9, $0x43D28000, v2  }
0x94: {  	v0 =	vsel vm3, $0x43C30000, v0;
	v1 =	vsel vm3, $0x43CB0000, v1;
	v2 =	vsel vm3, $0x43D30000, v2  }
0x95: {  	v0 =	vsel vm0, $0x43C38000, v0;
	v1 =	vsel vm0, $0x43CB8000, v1;
	v2 =	vsel vm0, $0x43D38000, v2  }
0x96: {  	v0 =	vsel vm1, $0x43C40000, v0;
	v1 =	vsel vm1, $0x43CC0000, v1;
	v2 =	vsel vm1, $0x43D40000, v2  }
0x97: {  	v0 =	vsel vm2, $0x43C48000, v0;
	v1 =	vsel vm2, $0x43CC8000, v1;
	v2 =	vsel vm2, $0x43D48000, v2  }
0x98: {  	v0 =	vsel vm4, $0x43C50000, v0;
	v1 =	vsel vm4, $0x43CD0000, v1;
	v2 =	vsel vm4, $0x43D50000, v2  }
0x99: {  	v0 =	vsel vm5, $0x43C58000, v0;
	v1 =	vsel vm5, $0x43CD8000, v1;
	v2 =	vsel vm5, $0x43D58000, v2  }
0x9a: {  	v0 =	vsel vm6, $0x43C60000, v0;
	v1 =	vsel vm6, $0x43CE0000, v1;
	v2 =	vsel vm6, $0x43D60000, v2  }
0x9b: {  	v0 =	vsel vm7, $0x43C68000, v0;
	v1 =	vsel vm7, $0x43CE8000, v1;
	v2 =	vsel vm7, $0x43D68000, v2  }
0x9c: {  	v60 =	vsel vm8, $0x43C70000, v0;
	v36 =	vsel vm8, $0x43CF0000, v1;
	v37 =	vsel vm8, $0x43D70000, v2  }
0x9d: {  	v0 =	vsel vm14, $0x43D80000, v39;
	v1 =	vsel vm14, $0x43E00000, v40;
	v2 =	vsel vm14, $0x43E80000, v45  }
0x9e: {  	v0 =	vsel vm13, $0x43D88000, v0;
	v1 =	vsel vm13, $0x43E08000, v1;
	v2 =	vsel vm13, $0x43E88000, v2  }
0x9f: {  	[tilespmem:$0x1FD40] =	vst v36;
	v36 =	vimm.f32 $7.830000000e+02;
	v0 =	vsel vm12, $0x43D90000, v0;
	v1 =	vsel vm12, $0x43E10000, v1  }
0xa0: {  	v2 =	vsel vm12, $0x43E90000, v2;
	v0 =	vsel vm11, $0x43D98000, v0;
	v1 =	vsel vm11, $0x43E18000, v1  }
0xa1: {  	v2 =	vsel vm11, $0x43E98000, v2;
	v0 =	vsel vm10, $0x43DA0000, v0;
	v1 =	vsel vm10, $0x43E20000, v1  }
0xa2: {  	v2 =	vsel vm10, $0x43EA0000, v2;
	v0 =	vsel vm9, $0x43DA8000, v0;
	v1 =	vsel vm9, $0x43E28000, v1  }
0xa3: {  	v2 =	vsel vm9, $0x43EA8000, v2;
	v0 =	vsel vm3, $0x43DB0000, v0;
	v1 =	vsel vm3, $0x43E30000, v1  }
0xa4: {  	v2 =	vsel vm3, $0x43EB0000, v2;
	v0 =	vsel vm0, $0x43DB8000, v0;
	v1 =	vsel vm0, $0x43E38000, v1  }
0xa5: {  	v2 =	vsel vm0, $0x43EB8000, v2;
	v0 =	vsel vm1, $0x43DC0000, v0;
	v1 =	vsel vm1, $0x43E40000, v1  }
0xa6: {  	v2 =	vsel vm1, $0x43EC0000, v2;
	v0 =	vsel vm2, $0x43DC8000, v0;
	v1 =	vsel vm2, $0x43E48000, v1  }
0xa7: {  	v2 =	vsel vm2, $0x43EC8000, v2;
	v0 =	vsel vm4, $0x43DD0000, v0;
	v1 =	vsel vm4, $0x43E50000, v1  }
0xa8: {  	v2 =	vsel vm4, $0x43ED0000, v2;
	v0 =	vsel vm5, $0x43DD8000, v0;
	v1 =	vsel vm5, $0x43E58000, v1  }
0xa9: {  	v2 =	vsel vm5, $0x43ED8000, v2;
	v0 =	vsel vm6, $0x43DE0000, v0;
	v1 =	vsel vm6, $0x43E60000, v1  }
0xaa: {  	v2 =	vsel vm6, $0x43EE0000, v2;
	v0 =	vsel vm7, $0x43DE8000, v0;
	v1 =	vsel vm7, $0x43E68000, v1  }
0xab: {  	v2 =	vsel vm7, $0x43EE8000, v2;
	v0 =	vsel vm8, $0x43DF0000, v0;
	v18 =	vsel vm8, $0x43E70000, v1  }
0xac: {  	v39 =	vsel vm8, $0x43EF0000, v2;
	v1 =	vsel vm14, $0x43F80000, v47;
	v2 =	vsel vm14, $0x44000000, v48  }
0xad: {  	v48 =	vimm.f32 $7.990000000e+02;
	[tilespmem:$0x1FD60] =	vst v0;
	v0 =	vsel vm14, $0x43F00000, v46;
	v1 =	vsel vm13, $0x43F88000, v1  }
0xae: {  	v2 =	vsel vm13, $0x44004000, v2;
	v0 =	vsel vm13, $0x43F08000, v0;
	v1 =	vsel vm12, $0x43F90000, v1  }
0xaf: {  	v2 =	vsel vm12, $0x44008000, v2;
	v0 =	vsel vm12, $0x43F10000, v0;
	v1 =	vsel vm11, $0x43F98000, v1  }
0xb0: {  	v2 =	vsel vm11, $0x4400C000, v2;
	v0 =	vsel vm11, $0x43F18000, v0;
	v1 =	vsel vm10, $0x43FA0000, v1  }
0xb1: {  	v2 =	vsel vm10, $0x44010000, v2;
	v0 =	vsel vm10, $0x43F20000, v0;
	v1 =	vsel vm9, $0x43FA8000, v1  }
0xb2: {  	v2 =	vsel vm9, $0x44014000, v2;
	v0 =	vsel vm9, $0x43F28000, v0;
	v1 =	vsel vm3, $0x43FB0000, v1  }
0xb3: {  	v2 =	vsel vm3, $0x44018000, v2;
	v0 =	vsel vm3, $0x43F30000, v0;
	v1 =	vsel vm0, $0x43FB8000, v1  }
0xb4: {  	v2 =	vsel vm0, $0x4401C000, v2;
	v0 =	vsel vm0, $0x43F38000, v0;
	v1 =	vsel vm1, $0x43FC0000, v1  }
0xb5: {  	v2 =	vsel vm1, $0x44020000, v2;
	v0 =	vsel vm1, $0x43F40000, v0;
	v1 =	vsel vm2, $0x43FC8000, v1  }
0xb6: {  	v2 =	vsel vm2, $0x44024000, v2;
	v0 =	vsel vm2, $0x43F48000, v0;
	v1 =	vsel vm4, $0x43FD0000, v1  }
0xb7: {  	v2 =	vsel vm4, $0x44028000, v2;
	v0 =	vsel vm4, $0x43F50000, v0;
	v1 =	vsel vm5, $0x43FD8000, v1  }
0xb8: {  	v2 =	vsel vm5, $0x4402C000, v2;
	v0 =	vsel vm5, $0x43F58000, v0;
	v1 =	vsel vm6, $0x43FE0000, v1  }
0xb9: {  	v2 =	vsel vm6, $0x44030000, v2;
	v0 =	vsel vm6, $0x43F60000, v0;
	v1 =	vsel vm7, $0x43FE8000, v1  }
0xba: {  	v2 =	vsel vm7, $0x44034000, v2;
	v0 =	vsel vm7, $0x43F68000, v0;
	v51 =	vsel vm8, $0x43FF0000, v1  }
0xbb: {  	v56 =	vsel vm8, $0x44038000, v2;
	v1 =	vsel vm14, $0x44080000, v53;
	v2 =	vsel vm14, $0x440C0000, v54  }
0xbc: {  	v63 =	vsel vm8, $0x43F70000, v0;
	v0 =	vsel vm14, $0x44040000, v49;
	v1 =	vsel vm13, $0x44084000, v1  }
0xbd: {  	v2 =	vsel vm13, $0x440C4000, v2;
	v0 =	vsel vm13, $0x44044000, v0;
	v1 =	vsel vm12, $0x44088000, v1  }
0xbe: {  	v2 =	vsel vm12, $0x440C8000, v2;
	v0 =	vsel vm12, $0x44048000, v0;
	v1 =	vsel vm11, $0x4408C000, v1  }
0xbf: {  	v2 =	vsel vm11, $0x440CC000, v2;
	v0 =	vsel vm11, $0x4404C000, v0;
	v1 =	vsel vm10, $0x44090000, v1  }
0xc0: {  	v2 =	vsel vm10, $0x440D0000, v2;
	v0 =	vsel vm10, $0x44050000, v0;
	v1 =	vsel vm9, $0x44094000, v1  }
0xc1: {  	v2 =	vsel vm9, $0x440D4000, v2;
	v0 =	vsel vm9, $0x44054000, v0;
	v1 =	vsel vm3, $0x44098000, v1  }
0xc2: {  	v2 =	vsel vm3, $0x440D8000, v2;
	v0 =	vsel vm3, $0x44058000, v0;
	v1 =	vsel vm0, $0x4409C000, v1  }
0xc3: {  	v2 =	vsel vm0, $0x440DC000, v2;
	v0 =	vsel vm0, $0x4405C000, v0;
	v1 =	vsel vm1, $0x440A0000, v1  }
0xc4: {  	v2 =	vsel vm1, $0x440E0000, v2;
	v0 =	vsel vm1, $0x44060000, v0;
	v1 =	vsel vm2, $0x440A4000, v1  }
0xc5: {  	v2 =	vsel vm2, $0x440E4000, v2;
	v0 =	vsel vm2, $0x44064000, v0;
	v1 =	vsel vm4, $0x440A8000, v1  }
0xc6: {  	v2 =	vsel vm4, $0x440E8000, v2;
	v0 =	vsel vm4, $0x44068000, v0;
	v1 =	vsel vm5, $0x440AC000, v1  }
0xc7: {  	v2 =	vsel vm5, $0x440EC000, v2;
	v0 =	vsel vm5, $0x4406C000, v0;
	v1 =	vsel vm6, $0x440B0000, v1  }
0xc8: {  	v2 =	vsel vm6, $0x440F0000, v2;
	v0 =	vsel vm6, $0x44070000, v0;
	v1 =	vsel vm7, $0x440B4000, v1  }
0xc9: {  	v2 =	vsel vm7, $0x440F4000, v2;
	v0 =	vsel vm7, $0x44074000, v0;
	v46 =	vsel vm8, $0x440B8000, v1  }
0xca: {  	[tilespmem:$0x1FD50] =	vst v37;
	v37 =	vsel vm8, $0x440F8000, v2;
	v1 =	vsel vm14, $0x44140000, v57;
	v2 =	vsel vm14, $0x44180000, v59  }
0xcb: {  	v58 =	vsel vm8, $0x44078000, v0;
	v0 =	vsel vm14, $0x44100000, v55;
	v1 =	vsel vm13, $0x44144000, v1  }
0xcc: {  	v2 =	vsel vm13, $0x44184000, v2;
	v0 =	vsel vm13, $0x44104000, v0;
	v1 =	vsel vm12, $0x44148000, v1  }
0xcd: {  	v2 =	vsel vm12, $0x44188000, v2;
	v0 =	vsel vm12, $0x44108000, v0;
	v1 =	vsel vm11, $0x4414C000, v1  }
0xce: {  	v2 =	vsel vm11, $0x4418C000, v2;
	v0 =	vsel vm11, $0x4410C000, v0;
	v1 =	vsel vm10, $0x44150000, v1  }
0xcf: {  	v2 =	vsel vm10, $0x44190000, v2;
	v0 =	vsel vm10, $0x44110000, v0;
	v1 =	vsel vm9, $0x44154000, v1  }
0xd0: {  	v2 =	vsel vm9, $0x44194000, v2;
	v0 =	vsel vm9, $0x44114000, v0;
	v1 =	vsel vm3, $0x44158000, v1  }
0xd1: {  	v2 =	vsel vm3, $0x44198000, v2;
	v0 =	vsel vm3, $0x44118000, v0;
	v1 =	vsel vm0, $0x4415C000, v1  }
0xd2: {  	v2 =	vsel vm0, $0x4419C000, v2;
	v0 =	vsel vm0, $0x4411C000, v0;
	v1 =	vsel vm1, $0x44160000, v1  }
0xd3: {  	v2 =	vsel vm1, $0x441A0000, v2;
	v0 =	vsel vm1, $0x44120000, v0;
	v1 =	vsel vm2, $0x44164000, v1  }
0xd4: {  	v2 =	vsel vm2, $0x441A4000, v2;
	v0 =	vsel vm2, $0x44124000, v0;
	v1 =	vsel vm4, $0x44168000, v1  }
0xd5: {  	v2 =	vsel vm4, $0x441A8000, v2;
	v0 =	vsel vm4, $0x44128000, v0;
	v1 =	vsel vm5, $0x4416C000, v1  }
0xd6: {  	v2 =	vsel vm5, $0x441AC000, v2;
	v0 =	vsel vm5, $0x4412C000, v0;
	v1 =	vsel vm6, $0x44170000, v1  }
0xd7: {  	v2 =	vsel vm6, $0x441B0000, v2;
	v0 =	vsel vm6, $0x44130000, v0;
	v1 =	vsel vm7, $0x44174000, v1  }
0xd8: {  	v2 =	vsel vm7, $0x441B4000, v2;
	v0 =	vsel vm7, $0x44134000, v0;
	v40 =	vsel vm8, $0x44178000, v1  }
0xd9: {  	v45 =	vsel vm8, $0x441B8000, v2;
	v1 =	vsel vm14, $0x44200000, v4;
	v2 =	vsel vm14, $0x44240000, v6  }
0xda: {  	v4 =	vimm.f32 $8.310000000e+02;
	v49 =	vsel vm8, $0x44138000, v0;
	v0 =	vsel vm14, $0x441C0000, v62  }
0xdb: {  	v1 =	vsel vm13, $0x44204000, v1;
	v2 =	vsel vm13, $0x44244000, v2;
	v62 =	vimm.f32 $8.150000000e+02  }
0xdc: {  	v0 =	vsel vm13, $0x441C4000, v0;
	v1 =	vsel vm12, $0x44208000, v1;
	v2 =	vsel vm12, $0x44248000, v2  }
0xdd: {  	v0 =	vsel vm12, $0x441C8000, v0;
	v1 =	vsel vm11, $0x4420C000, v1;
	v2 =	vsel vm11, $0x4424C000, v2  }
0xde: {  	v0 =	vsel vm11, $0x441CC000, v0;
	v1 =	vsel vm10, $0x44210000, v1;
	v2 =	vsel vm10, $0x44250000, v2  }
0xdf: {  	v0 =	vsel vm10, $0x441D0000, v0;
	v1 =	vsel vm9, $0x44214000, v1;
	v2 =	vsel vm9, $0x44254000, v2  }
0xe0: {  	v0 =	vsel vm9, $0x441D4000, v0;
	v1 =	vsel vm3, $0x44218000, v1;
	v2 =	vsel vm3, $0x44258000, v2  }
0xe1: {  	v0 =	vsel vm3, $0x441D8000, v0;
	v1 =	vsel vm0, $0x4421C000, v1;
	v2 =	vsel vm0, $0x4425C000, v2  }
0xe2: {  	v0 =	vsel vm0, $0x441DC000, v0;
	v1 =	vsel vm1, $0x44220000, v1;
	v2 =	vsel vm1, $0x44260000, v2  }
0xe3: {  	v0 =	vsel vm1, $0x441E0000, v0;
	v1 =	vsel vm2, $0x44224000, v1;
	v2 =	vsel vm2, $0x44264000, v2  }
0xe4: {  	v0 =	vsel vm2, $0x441E4000, v0;
	v1 =	vsel vm4, $0x44228000, v1;
	v2 =	vsel vm4, $0x44268000, v2  }
0xe5: {  	v0 =	vsel vm4, $0x441E8000, v0;
	v1 =	vsel vm5, $0x4422C000, v1;
	v2 =	vsel vm5, $0x4426C000, v2  }
0xe6: {  	v0 =	vsel vm5, $0x441EC000, v0;
	v1 =	vsel vm6, $0x44230000, v1;
	v2 =	vsel vm6, $0x44270000, v2  }
0xe7: {  	v0 =	vsel vm6, $0x441F0000, v0;
	v1 =	vsel vm7, $0x44234000, v1;
	v2 =	vsel vm7, $0x44274000, v2  }
0xe8: {  	v0 =	vsel vm7, $0x441F4000, v0;
	v53 =	vsel vm8, $0x44238000, v1;
	v54 =	vsel vm8, $0x44278000, v2  }
0xe9: {  	v1 =	vsel vm14, $0x442C0000, v8;
	v2 =	vsel vm14, $0x44300000, v9;
	v9 =	vimm.f32 $8.470000000e+02  }
0xea: {  	v47 =	vsel vm8, $0x441F8000, v0;
	v0 =	vsel vm14, $0x44280000, v7;
	v1 =	vsel vm13, $0x442C4000, v1  }
0xeb: {  	v2 =	vsel vm13, $0x44304000, v2;
	v0 =	vsel vm13, $0x44284000, v0;
	v1 =	vsel vm12, $0x442C8000, v1  }
0xec: {  	v2 =	vsel vm12, $0x44308000, v2;
	v0 =	vsel vm12, $0x44288000, v0;
	v1 =	vsel vm11, $0x442CC000, v1  }
0xed: {  	v2 =	vsel vm11, $0x4430C000, v2;
	v0 =	vsel vm11, $0x4428C000, v0;
	v1 =	vsel vm10, $0x442D0000, v1  }
0xee: {  	v2 =	vsel vm10, $0x44310000, v2;
	v0 =	vsel vm10, $0x44290000, v0;
	v1 =	vsel vm9, $0x442D4000, v1  }
0xef: {  	v2 =	vsel vm9, $0x44314000, v2;
	v0 =	vsel vm9, $0x44294000, v0;
	v1 =	vsel vm3, $0x442D8000, v1  }
0xf0: {  	v2 =	vsel vm3, $0x44318000, v2;
	v0 =	vsel vm3, $0x44298000, v0;
	v1 =	vsel vm0, $0x442DC000, v1  }
0xf1: {  	v2 =	vsel vm0, $0x4431C000, v2;
	v0 =	vsel vm0, $0x4429C000, v0;
	v1 =	vsel vm1, $0x442E0000, v1  }
0xf2: {  	v2 =	vsel vm1, $0x44320000, v2;
	v0 =	vsel vm1, $0x442A0000, v0;
	v1 =	vsel vm2, $0x442E4000, v1  }
0xf3: {  	v2 =	vsel vm2, $0x44324000, v2;
	v0 =	vsel vm2, $0x442A4000, v0;
	v1 =	vsel vm4, $0x442E8000, v1  }
0xf4: {  	v2 =	vsel vm4, $0x44328000, v2;
	v0 =	vsel vm4, $0x442A8000, v0;
	v1 =	vsel vm5, $0x442EC000, v1  }
0xf5: {  	v2 =	vsel vm5, $0x4432C000, v2;
	v0 =	vsel vm5, $0x442AC000, v0;
	v1 =	vsel vm6, $0x442F0000, v1  }
0xf6: {  	v2 =	vsel vm6, $0x44330000, v2;
	v0 =	vsel vm6, $0x442B0000, v0;
	v1 =	vsel vm7, $0x442F4000, v1  }
0xf7: {  	v2 =	vsel vm7, $0x44334000, v2;
	v0 =	vsel vm7, $0x442B4000, v0;
	v7 =	vsel vm8, $0x442F8000, v1  }
0xf8: {  	v8 =	vsel vm8, $0x44338000, v2;
	v1 =	vsel vm14, $0x44380000, v11;
	v2 =	vsel vm14, $0x443C0000, v35  }
0xf9: {  	v11 =	vimm.f32 $8.790000000e+02;
	v3 =	vsel vm8, $0x442B8000, v0;
	v0 =	vsel vm14, $0x44340000, v10  }
0xfa: {  	v1 =	vsel vm13, $0x44384000, v1;
	v2 =	vsel vm13, $0x443C4000, v2;
	v10 =	vimm.f32 $8.630000000e+02  }
0xfb: {  	v0 =	vsel vm13, $0x44344000, v0;
	v1 =	vsel vm12, $0x44388000, v1;
	v2 =	vsel vm12, $0x443C8000, v2  }
0xfc: {  	v0 =	vsel vm12, $0x44348000, v0;
	v1 =	vsel vm11, $0x4438C000, v1;
	v2 =	vsel vm11, $0x443CC000, v2  }
0xfd: {  	v0 =	vsel vm11, $0x4434C000, v0;
	v1 =	vsel vm10, $0x44390000, v1;
	v2 =	vsel vm10, $0x443D0000, v2  }
0xfe: {  	v0 =	vsel vm10, $0x44350000, v0;
	v1 =	vsel vm9, $0x44394000, v1;
	v2 =	vsel vm9, $0x443D4000, v2  }
0xff: {  	v0 =	vsel vm9, $0x44354000, v0;
	v1 =	vsel vm3, $0x44398000, v1;
	v2 =	vsel vm3, $0x443D8000, v2  }
0x100: {  	v0 =	vsel vm3, $0x44358000, v0;
	v1 =	vsel vm0, $0x4439C000, v1;
	v2 =	vsel vm0, $0x443DC000, v2  }
0x101: {  	v0 =	vsel vm0, $0x4435C000, v0;
	v1 =	vsel vm1, $0x443A0000, v1;
	v2 =	vsel vm1, $0x443E0000, v2  }
0x102: {  	v0 =	vsel vm1, $0x44360000, v0;
	v1 =	vsel vm2, $0x443A4000, v1;
	v2 =	vsel vm2, $0x443E4000, v2  }
0x103: {  	v0 =	vsel vm2, $0x44364000, v0;
	v1 =	vsel vm4, $0x443A8000, v1;
	v2 =	vsel vm4, $0x443E8000, v2  }
0x104: {  	v0 =	vsel vm4, $0x44368000, v0;
	v1 =	vsel vm5, $0x443AC000, v1;
	v2 =	vsel vm5, $0x443EC000, v2  }
0x105: {  	v0 =	vsel vm5, $0x4436C000, v0;
	v1 =	vsel vm6, $0x443B0000, v1;
	v2 =	vsel vm6, $0x443F0000, v2  }
0x106: {  	v0 =	vsel vm6, $0x44370000, v0;
	v1 =	vsel vm7, $0x443B4000, v1;
	v2 =	vsel vm7, $0x443F4000, v2  }
0x107: {  	v0 =	vsel vm7, $0x44374000, v0;
	v59 =	vsel vm8, $0x443B8000, v1;
	v57 =	vsel vm8, $0x443F8000, v2  }
0x108: {  	v1 =	vsel vm14, $0x44440000, v48;
	v2 =	vsel vm14, $0x44480000, v62;
	v62 =	vimm.f32 $9.110000000e+02  }
0x109: {  	v55 =	vsel vm8, $0x44378000, v0;
	v0 =	vsel vm14, $0x44400000, v36;
	v1 =	vsel vm13, $0x44444000, v1  }
0x10a: {  	v2 =	vsel vm13, $0x44484000, v2;
	v36 =	vimm.f32 $8.950000000e+02;
	v0 =	vsel vm13, $0x44404000, v0  }
0x10b: {  	v1 =	vsel vm12, $0x44448000, v1;
	v2 =	vsel vm12, $0x44488000, v2;
	v0 =	vsel vm12, $0x44408000, v0  }
0x10c: {  	v1 =	vsel vm11, $0x4444C000, v1;
	v2 =	vsel vm11, $0x4448C000, v2;
	v0 =	vsel vm11, $0x4440C000, v0  }
0x10d: {  	v1 =	vsel vm10, $0x44450000, v1;
	v2 =	vsel vm10, $0x44490000, v2;
	v0 =	vsel vm10, $0x44410000, v0  }
0x10e: {  	v1 =	vsel vm9, $0x44454000, v1;
	v2 =	vsel vm9, $0x44494000, v2;
	v0 =	vsel vm9, $0x44414000, v0  }
0x10f: {  	v1 =	vsel vm3, $0x44458000, v1;
	v2 =	vsel vm3, $0x44498000, v2;
	v0 =	vsel vm3, $0x44418000, v0  }
0x110: {  	v1 =	vsel vm0, $0x4445C000, v1;
	v2 =	vsel vm0, $0x4449C000, v2;
	v0 =	vsel vm0, $0x4441C000, v0  }
0x111: {  	v1 =	vsel vm1, $0x44460000, v1;
	v2 =	vsel vm1, $0x444A0000, v2;
	v0 =	vsel vm1, $0x44420000, v0  }
0x112: {  	v1 =	vsel vm2, $0x44464000, v1;
	v2 =	vsel vm2, $0x444A4000, v2;
	v0 =	vsel vm2, $0x44424000, v0  }
0x113: {  	v1 =	vsel vm4, $0x44468000, v1;
	v2 =	vsel vm4, $0x444A8000, v2;
	v0 =	vsel vm4, $0x44428000, v0  }
0x114: {  	v1 =	vsel vm5, $0x4446C000, v1;
	v2 =	vsel vm5, $0x444AC000, v2;
	v0 =	vsel vm5, $0x4442C000, v0  }
0x115: {  	v1 =	vsel vm6, $0x44470000, v1;
	v2 =	vsel vm6, $0x444B0000, v2;
	v0 =	vsel vm6, $0x44430000, v0  }
0x116: {  	v1 =	vsel vm7, $0x44474000, v1;
	v2 =	vsel vm7, $0x444B4000, v2;
	v0 =	vsel vm7, $0x44434000, v0  }
0x117: {  	v35 =	vsel vm8, $0x44478000, v1;
	v6 =	vsel vm8, $0x444B8000, v2;
	v1 =	vsel vm14, $0x44500000, v9  }
0x118: {  	v2 =	vsel vm14, $0x44540000, v10;
	v48 =	vsel vm8, $0x44438000, v0;
	v0 =	vsel vm14, $0x444C0000, v4  }
0x119: {  	v1 =	vsel vm13, $0x44504000, v1;
	v2 =	vsel vm13, $0x44544000, v2;
	v4 =	vimm.f32 $9.270000000e+02  }
0x11a: {  	v0 =	vsel vm13, $0x444C4000, v0;
	v1 =	vsel vm12, $0x44508000, v1;
	v2 =	vsel vm12, $0x44548000, v2  }
0x11b: {  	v0 =	vsel vm12, $0x444C8000, v0;
	v1 =	vsel vm11, $0x4450C000, v1;
	v2 =	vsel vm11, $0x4454C000, v2  }
0x11c: {  	v0 =	vsel vm11, $0x444CC000, v0;
	v1 =	vsel vm10, $0x44510000, v1;
	v2 =	vsel vm10, $0x44550000, v2  }
0x11d: {  	v0 =	vsel vm10, $0x444D0000, v0;
	v1 =	vsel vm9, $0x44514000, v1;
	v2 =	vsel vm9, $0x44554000, v2  }
0x11e: {  	v0 =	vsel vm9, $0x444D4000, v0;
	v1 =	vsel vm3, $0x44518000, v1;
	v2 =	vsel vm3, $0x44558000, v2  }
0x11f: {  	v0 =	vsel vm3, $0x444D8000, v0;
	v1 =	vsel vm0, $0x4451C000, v1;
	v2 =	vsel vm0, $0x4455C000, v2  }
0x120: {  	v0 =	vsel vm0, $0x444DC000, v0;
	v1 =	vsel vm1, $0x44520000, v1;
	v2 =	vsel vm1, $0x44560000, v2  }
0x121: {  	v0 =	vsel vm1, $0x444E0000, v0;
	v1 =	vsel vm2, $0x44524000, v1;
	v2 =	vsel vm2, $0x44564000, v2  }
0x122: {  	v0 =	vsel vm2, $0x444E4000, v0;
	v1 =	vsel vm4, $0x44528000, v1;
	v2 =	vsel vm4, $0x44568000, v2  }
0x123: {  	v0 =	vsel vm4, $0x444E8000, v0;
	v1 =	vsel vm5, $0x4452C000, v1;
	v2 =	vsel vm5, $0x4456C000, v2  }
0x124: {  	v0 =	vsel vm5, $0x444EC000, v0;
	v1 =	vsel vm6, $0x44530000, v1;
	v2 =	vsel vm6, $0x44570000, v2  }
0x125: {  	v0 =	vsel vm6, $0x444F0000, v0;
	v1 =	vsel vm7, $0x44534000, v1;
	v2 =	vsel vm7, $0x44574000, v2  }
0x126: {  	v0 =	vsel vm7, $0x444F4000, v0;
	v19 =	vsel vm8, $0x44538000, v1;
	v20 =	vsel vm8, $0x44578000, v2  }
0x127: {  	v1 =	vsel vm14, $0x445C0000, v36;
	v2 =	vsel vm14, $0x44600000, v62;
	v36 =	vimm.f32 $9.430000000e+02  }
0x128: {  	v62 =	vimm.f32 $9.590000000e+02;
	v9 =	vsel vm8, $0x444F8000, v0;
	v0 =	vsel vm14, $0x44580000, v11  }
0x129: {  	v1 =	vsel vm13, $0x445C4000, v1;
	v2 =	vsel vm13, $0x44604000, v2;
	v0 =	vsel vm13, $0x44584000, v0  }
0x12a: {  	v1 =	vsel vm12, $0x445C8000, v1;
	v2 =	vsel vm12, $0x44608000, v2;
	v0 =	vsel vm12, $0x44588000, v0  }
0x12b: {  	v1 =	vsel vm11, $0x445CC000, v1;
	v2 =	vsel vm11, $0x4460C000, v2;
	v0 =	vsel vm11, $0x4458C000, v0  }
0x12c: {  	s5 =	rddreg [dreg:$0x0];
	v1 =	vsel vm10, $0x445D0000, v1;
	v2 =	vsel vm10, $0x44610000, v2;
	v0 =	vsel vm10, $0x44590000, v0  }
0x12d: {  	s0 =	rddreg [dreg:$0x1];
	s2 =	simm.s32 $0x0;
	v1 =	vsel vm9, $0x445D4000, v1;
	v2 =	vsel vm9, $0x44614000, v2;
	v0 =	vsel vm9, $0x44594000, v0  }
0x12e: {  	s1 =	srdreg.scid;
	[smem:$0x7FF] =	sst s2;
	v1 =	vsel vm3, $0x445D8000, v1;
	v2 =	vsel vm3, $0x44618000, v2;
	v0 =	vsel vm3, $0x44598000, v0  }
0x12f: {  	s6 =	sand.u32 $0x1, s1;
	s1 =	rddreg [dreg:$0x2];
	_ =	strace $0x80000047;
	[tilespmem:$0x1FF30] =	vst v5;
	v1 =	vsel vm0, $0x445DC000, v1;
	v2 =	vsel vm0, $0x4461C000, v2;
	v0 =	vsel vm0, $0x4459C000, v0  }
0x130: {  	[tilespmem:$0x1FF40] =	vst v41;
	v1 =	vsel vm1, $0x445E0000, v1;
	v2 =	vsel vm1, $0x44620000, v2;
	v0 =	vsel vm1, $0x445A0000, v0  }
0x131: {  	[tilespmem:$0x1FF50] =	vst v52;
	v1 =	vsel vm2, $0x445E4000, v1;
	v2 =	vsel vm2, $0x44624000, v2;
	v0 =	vsel vm2, $0x445A4000, v0  }
0x132: {  	[tilespmem:$0x1FF60] =	vst v50;
	v1 =	vsel vm4, $0x445E8000, v1;
	v2 =	vsel vm4, $0x44628000, v2;
	v0 =	vsel vm4, $0x445A8000, v0  }
0x133: {  	[tilespmem:$0x1FF70] =	vst v38;
	v1 =	vsel vm5, $0x445EC000, v1;
	v2 =	vsel vm5, $0x4462C000, v2;
	v0 =	vsel vm5, $0x445AC000, v0  }
0x134: {  	[tilespmem:$0x1FF80] =	vst v43;
	v1 =	vsel vm6, $0x445F0000, v1;
	v2 =	vsel vm6, $0x44630000, v2;
	v0 =	vsel vm6, $0x445B0000, v0  }
0x135: {  	[tilespmem:$0x1FF90] =	vst v61;
	v1 =	vsel vm7, $0x445F4000, v1;
	v2 =	vsel vm7, $0x44634000, v2;
	v0 =	vsel vm7, $0x445B4000, v0  }
0x136: {  	[tilespmem:$0x1FFA0] =	vst v42;
	v11 =	vsel vm8, $0x445F8000, v1;
	v12 =	vsel vm8, $0x44638000, v2;
	v1 =	vsel vm14, $0x44680000, v36  }
0x137: {  	[tilespmem:$0x1FFB0] =	vst v21;
	v2 =	vsel vm14, $0x446C0000, v62;
	v36 =	vimm.f32 $9.910000000e+02;
	v62 =	vimm.f32 $9.990000000e+02  }
0x138: {  	[tilespmem:$0x1FFC0] =	vst v39;
	v10 =	vsel vm8, $0x445B8000, v0;
	v0 =	vsel vm14, $0x44640000, v4;
	v1 =	vsel vm13, $0x44684000, v1  }
0x139: {  	[tilespmem:$0x1FFD0] =	vst v18;
	v2 =	vsel vm13, $0x446C4000, v2;
	v4 =	vimm.f32 $9.750000000e+02;
	v0 =	vsel vm13, $0x44644000, v0  }
0x13a: {  	[tilespmem:$0x1FFF0] =	vst v60;
	v1 =	vsel vm12, $0x44688000, v1;
	v2 =	vsel vm12, $0x446C8000, v2;
	v0 =	vsel vm12, $0x44648000, v0  }
0x13b: {  	[tilespmem:$0x1FEC0] =	vst v51;
	v1 =	vsel vm11, $0x4468C000, v1;
	v2 =	vsel vm11, $0x446CC000, v2;
	v0 =	vsel vm11, $0x4464C000, v0  }
0x13c: {  	[tilespmem:$0x1FF00] =	vst v56;
	v1 =	vsel vm10, $0x44690000, v1;
	v2 =	vsel vm10, $0x446D0000, v2;
	v0 =	vsel vm10, $0x44650000, v0  }
0x13d: {  	[tilespmem:$0x1FEF0] =	vst v63;
	v1 =	vsel vm9, $0x44694000, v1;
	v2 =	vsel vm9, $0x446D4000, v2;
	v0 =	vsel vm9, $0x44654000, v0  }
0x13e: {  	[tilespmem:$0x1FEE0] =	vst v37;
	v1 =	vsel vm3, $0x44698000, v1;
	v2 =	vsel vm3, $0x446D8000, v2;
	v0 =	vsel vm3, $0x44658000, v0  }
0x13f: {  	[tilespmem:$0x1FF10] =	vst v46;
	v1 =	vsel vm0, $0x4469C000, v1;
	v2 =	vsel vm0, $0x446DC000, v2;
	v0 =	vsel vm0, $0x4465C000, v0  }
0x140: {  	[tilespmem:$0x1FED0] =	vst v58;
	v1 =	vsel vm1, $0x446A0000, v1;
	v2 =	vsel vm1, $0x446E0000, v2;
	v0 =	vsel vm1, $0x44660000, v0  }
0x141: {  	[tilespmem:$0x1FFE0] =	vst v40;
	v1 =	vsel vm2, $0x446A4000, v1;
	v2 =	vsel vm2, $0x446E4000, v2;
	v0 =	vsel vm2, $0x44664000, v0  }
0x142: {  	[tilespmem:$0x1FF20] =	vst v49;
	v1 =	vsel vm4, $0x446A8000, v1;
	v2 =	vsel vm4, $0x446E8000, v2;
	v0 =	vsel vm4, $0x44668000, v0  }
0x143: {  	[tilespmem:$0x1FDD0] =	vst v7;
	v1 =	vsel vm5, $0x446AC000, v1;
	v2 =	vsel vm5, $0x446EC000, v2;
	v0 =	vsel vm5, $0x4466C000, v0  }
0x144: {  	[tilespmem:$0x1FDF0] =	vst v8;
	v1 =	vsel vm6, $0x446B0000, v1;
	v2 =	vsel vm6, $0x446F0000, v2;
	v0 =	vsel vm6, $0x44670000, v0  }
0x145: {  	[tilespmem:$0x1FDE0] =	vst v3;
	v1 =	vsel vm7, $0x446B4000, v1;
	v2 =	vsel vm7, $0x446F4000, v2;
	v0 =	vsel vm7, $0x44674000, v0  }
0x146: {  	[tilespmem:$0x1FE90] =	vst v59;
	v14 =	vsel vm8, $0x446B8000, v1;
	v15 =	vsel vm8, $0x446F8000, v2;
	v1 =	vsel vm14, $0x44740000, v36  }
0x147: {  	[tilespmem:$0x1FEB0] =	vst v57;
	v2 =	vsel vm14, $0x44760000, v62;
	v13 =	vsel vm8, $0x44678000, v0;
	v1 =	vsel vm13, $0x44744000, v1  }
0x148: {  	[tilespmem:$0x1FEA0] =	vst v55;
	v0 =	vsel vm14, $0x44700000, v4;
	v2 =	vsel vm13, $0x44764000, v2;
	v1 =	vsel vm12, $0x44748000, v1  }
0x149: {  	[tilespmem:$0x1FD80] =	vst v35;
	v0 =	vsel vm13, $0x44704000, v0;
	v2 =	vsel vm12, $0x44768000, v2;
	v1 =	vsel vm11, $0x4474C000, v1  }
0x14a: {  	[tilespmem:$0x1FD90] =	vst v6;
	v0 =	vsel vm12, $0x44708000, v0;
	v2 =	vsel vm11, $0x4476C000, v2;
	v1 =	vsel vm10, $0x44750000, v1  }
0x14b: {  	[tilespmem:$0x1FD70] =	vst v48;
	v0 =	vsel vm11, $0x4470C000, v0;
	v2 =	vsel vm10, $0x44770000, v2;
	v1 =	vsel vm9, $0x44754000, v1  }
0x14c: {  	[tilespmem:$0x1FE60] =	vst v19;
	v0 =	vsel vm10, $0x44710000, v0;
	v2 =	vsel vm9, $0x44774000, v2;
	v1 =	vsel vm3, $0x44758000, v1  }
0x14d: {  	[tilespmem:$0x1FE70] =	vst v20;
	v0 =	vsel vm9, $0x44714000, v0;
	v2 =	vsel vm3, $0x44778000, v2;
	v1 =	vsel vm0, $0x4475C000, v1  }
0x14e: {  	[tilespmem:$0x1FDA0] =	vst v9;
	v0 =	vsel vm3, $0x44718000, v0;
	v2 =	vsel vm0, $0x4477C000, v2;
	v1 =	vsel vm1, $0x44760000, v1  }
0x14f: {  	s12 =	stileid.u32;
	[tilespmem:$0x1FDC0] =	vst v11;
	v0 =	vsel vm0, $0x4471C000, v0;
	v2 =	vsel vm1, $0x44780000, v2;
	v1 =	vsel vm2, $0x44764000, v1  }
0x150: {  	s3 =	sshll.u32 s12, $0x1;
	[tilespmem:$0x1FE00] =	vst v12;
	v0 =	vsel vm1, $0x44720000, v0;
	v2 =	vsel vm2, $0x44784000, v2;
	v1 =	vsel vm4, $0x44768000, v1  }
0x151: {  	s3 =	sor.u32 s6, s3;
	[tilespmem:$0x1FDB0] =	vst v10;
	v0 =	vsel vm2, $0x44724000, v0;
	v2 =	vsel vm4, $0x44788000, v2;
	v1 =	vsel vm5, $0x4476C000, v1  }
0x152: {  	s10 =	simm.s32 $0x1;
	s11 =	simm.s32 $0x2;
	s4 =	smul.u32 $0x320, s3;
	[tilespmem:$0x1FE20] =	vst v14;
	v0 =	vsel vm4, $0x44728000, v0;
	v2 =	vsel vm5, $0x4478C000, v2;
	v1 =	vsel vm6, $0x44770000, v1  }
0x153: {  	p0 =	sne.s32 s12, $0x0;
	s12 =	simm.s32 $0x0;
	s7 =	sshll.u32 s6, $0x4;
	[tilespmem:$0x1FE30] =	vst v15;
	v0 =	vsel vm5, $0x4472C000, v0;
	v2 =	vsel vm6, $0x44790000, v2;
	v1 =	vsel vm7, $0x44774000, v1  }
0x154: {  	s6 =	ssub.s32 $0x2, s6;
	s3 =	sadd.s32 $0x600, s5;
	s4 =	sadd.s32 $0x122A0, s4;
	[tilespmem:$0x1FE10] =	vst v13;
	v0 =	vsel vm6, $0x44730000, v0;
	v2 =	vsel vm7, $0x44794000, v2;
	v17 =	vsel vm8, $0x44778000, v1  }
0x155: {  	s7 =	sadd.s32 s7, s5;
	s9 =	sshrl.u32 s6, $0x1;
	s8 =	sshll.u32 s4, $0x7;
	v0 =	vsel vm7, $0x44734000, v0;
	v62 =	vsel vm8, $0x44798000, v2;
	[tilespmem:$0x1FE50] =	vst v17  }
0x156: {  	s31 =	ssub.s32 s6, s9;
	s7 =	sadd.s32 $0xC35600, s7;
	s5 =	sadd.s32 s3, s8;
	v16 =	vsel vm8, $0x44738000, v0;
	[tilespmem:$0x1FE80] =	vst v62  }
0x157: {  	s9 =	simm.s32 $0x4000;
	s8 =	smax.u32 s31, $0x1;
	s6 =	sadd.s32 $0x1000, s5;
	[tilespmem:$0x1FE40] =	vst v16  }
.LBB2_1:
0x158: {  	[tilespmem:s2], [sflag:$0x1] =	stream.linear.gather [hbm4b:s5+s2], $0x4000, $0x38;
	[tilespmem:$0x8B40] =	vst v63  }
0x159: {  	v1 =	vimm.f32 $-3.399999950e+38;
	s13 =	simm.s32 $0x0  }
.LBB2_2:
0x15a: {  	s14 =	sshll.u32 s13, $0x5  }
0x15b: {  	s14 =	sor.u32 $0x10, s14  }
0x15c: {  	s15 =	sadd.s32 s4, s14  }
0x15d: {  	s15 =	sshll.u32 s15, $0x7  }
0x15e: {  	[tilespmem:$0x1FD20] =	vst v1;
	s16 =	sadd.s32 s3, s15;
	s15 =	simm.s32 $0x0  }
0x15f: {  	[tilespmem:s9], [sflag:$0x2] =	stream.linear.gather [hbm4b:s16+s15], $0x4000, $0x38;
	[tilespmem:$0x8B40] =	vst v63  }
0x160: {  	_ =	swait.ge [sflag:s10], $0x4000  }
0x161: {  	s21 =	sand.u32 $0x2000, s15;
	s17 =	sand.u32 $0x380, s15;
	[sflag:s10] =	ssyncset.done $0x0  }
0x162: {  	s16 =	sor.u32 s17, s21;
	[sflag:s10] =	ssyncadd.s32 $0xFFFFC000  }
0x163: {  	v48 =	vmov v41;
	v41 =	vld [tilespmem:s16+$0x460]  }
0x164: {  	v3 =	vld [tilespmem:s16+$0x1440]  }
0x165: {  	v5 =	vld [tilespmem:s16+$0x450]  }
0x166: {  	v35 =	vld [tilespmem:s16+$0xC40]  }
0x167: {  	v6 =	vld [tilespmem:s16+$0x0]  }
0x168: {  	v7 =	vld [tilespmem:s16+$0x10]  }
0x169: {  	v8 =	vld [tilespmem:s16+$0x470]  }
0x16a: {  	v9 =	vld [tilespmem:s16+$0x800]  }
0x16b: {  	v10 =	vld [tilespmem:s16+$0xC60]  }
0x16c: {  	v11 =	vld [tilespmem:s16+$0xC70]  }
0x16d: {  	v39 =	vmov v50;
	v50 =	vmov v12;
	v12 =	vld [tilespmem:s16+$0x1450]  }
0x16e: {  	v1 =	vmov v61;
	v61 =	vmov v13;
	v13 =	vld [tilespmem:s16+$0x1460]  }
0x16f: {  	v14 =	vld [tilespmem:s16+$0x20]  }
0x170: {  	v15 =	vld [tilespmem:s16+$0x810]  }
0x171: {  	v0 =	vmov v39;
	v39 =	vmov v16;
	v16 =	vld [tilespmem:s16+$0x1000]  }
0x172: {  	v17 =	vld [tilespmem:s16+$0x1470]  }
0x173: {  	vm0 =	vgt.f32 v7, v6;
	v6 =	vmax.f32 v6, v7;
	v7 =	vld [tilespmem:s16+$0x30]  }
0x174: {  	vm1 =	vgt.f32 v9, v8;
	vm2 =	vgt.f32 v11, v10;
	v8 =	vmax.f32 v8, v9;
	v9 =	vld [tilespmem:s16+$0x820]  }
0x175: {  	vm3 =	vgt.f32 v13, v12;
	v10 =	vmax.f32 v10, v11;
	v11 =	vmax.f32 v12, v13;
	v13 =	vld [tilespmem:s16+$0x1010]  }
0x176: {  	[tilespmem:$0x1FD10] =	vst v3;
	v3 =	vmov v19;
	v19 =	vld [tilespmem:s16+$0x1800]  }
0x177: {  	v12 =	vsel vm0, v28, v27;
	vm0 =	vgt.f32 v14, v6;
	v6 =	vmax.f32 v6, v14;
	v14 =	vld [tilespmem:s16+$0x40]  }
0x178: {  	v18 =	vsel vm1, v0, v52;
	v0 =	vld [tilespmem:$0x1FD30]  }
0x179: {  	v4 =	vmovc v20;
	vm1 =	vgt.f32 v15, v8;
	v20 =	vsel vm2, v51, v63;
	v8 =	vmax.f32 v8, v15;
	v15 =	vld [tilespmem:s16+$0x830]  }
0x17a: {  	v36 =	vmovc v38;
	vm2 =	vgt.f32 v16, v10;
	v55 =	vsel vm3, v59, v55;
	v10 =	vmax.f32 v10, v16;
	v16 =	vld [tilespmem:s16+$0x1020]  }
0x17b: {  	vm3 =	vgt.f32 v17, v11;
	v11 =	vmax.f32 v11, v17;
	v17 =	vsel vm1, v36, v18;
	v18 =	vld [tilespmem:s16+$0x1810]  }
0x17c: {  	v63 =	vsel vm3, v57, v55;
	v55 =	vld [tilespmem:$0x1FD70]  }
0x17d: {  	v57 =	vld [tilespmem:$0x1FD80]  }
0x17e: {  	v12 =	vsel vm0, v29, v12;
	vm0 =	vgt.f32 v7, v6;
	v6 =	vmax.f32 v6, v7;
	v7 =	vld [tilespmem:s16+$0x50]  }
0x17f: {  	vm1 =	vgt.f32 v9, v8;
	v8 =	vmax.f32 v8, v9;
	v9 =	vld [tilespmem:s16+$0x840]  }
0x180: {  	v20 =	vsel vm2, v56, v20;
	vm2 =	vgt.f32 v13, v10;
	v10 =	vmax.f32 v10, v13;
	v13 =	vld [tilespmem:s16+$0x1030]  }
0x181: {  	vm3 =	vgt.f32 v19, v11;
	v11 =	vmax.f32 v11, v19;
	v19 =	vld [tilespmem:s16+$0x1820]  }
0x182: {  	v12 =	vsel vm0, v30, v12;
	vm0 =	vgt.f32 v14, v6;
	v6 =	vmax.f32 v6, v14;
	v14 =	vld [tilespmem:s16+$0x60]  }
0x183: {  	v17 =	vsel vm1, v43, v17;
	vm1 =	vgt.f32 v15, v8;
	v8 =	vmax.f32 v8, v15;
	v15 =	vld [tilespmem:s16+$0x850]  }
0x184: {  	v20 =	vsel vm2, v58, v20;
	vm2 =	vgt.f32 v16, v10;
	v10 =	vmax.f32 v10, v16;
	v16 =	vld [tilespmem:s16+$0x1040]  }
0x185: {  	v63 =	vsel vm3, v55, v63;
	vm3 =	vgt.f32 v18, v11;
	v11 =	vmax.f32 v11, v18;
	v18 =	vld [tilespmem:s16+$0x1830]  }
0x186: {  	v12 =	vsel vm0, v31, v12;
	vm0 =	vgt.f32 v7, v6;
	v6 =	vmax.f32 v6, v7;
	v7 =	vld [tilespmem:s16+$0x70]  }
0x187: {  	v17 =	vsel vm1, v1, v17;
	vm1 =	vgt.f32 v9, v8;
	v8 =	vmax.f32 v8, v9;
	v9 =	vld [tilespmem:s16+$0x860]  }
0x188: {  	v20 =	vsel vm2, v46, v20;
	vm2 =	vgt.f32 v13, v10;
	v10 =	vmax.f32 v10, v13;
	v13 =	vld [tilespmem:s16+$0x1050]  }
0x189: {  	v63 =	vsel vm3, v57, v63;
	vm3 =	vgt.f32 v19, v11;
	v11 =	vmax.f32 v11, v19;
	v19 =	vld [tilespmem:s16+$0x1840]  }
0x18a: {  	v12 =	vsel vm0, v32, v12;
	vm0 =	vgt.f32 v14, v6;
	v6 =	vmax.f32 v6, v14;
	v14 =	vld [tilespmem:s16+$0x400]  }
0x18b: {  	v17 =	vsel vm1, v42, v17;
	v42 =	vld [tilespmem:$0x1FD90]  }
0x18c: {  	vm1 =	vgt.f32 v15, v8;
	v8 =	vmax.f32 v8, v15;
	v15 =	vld [tilespmem:s16+$0x870]  }
0x18d: {  	v20 =	vsel vm2, v37, v20;
	vm2 =	vgt.f32 v16, v10;
	v10 =	vmax.f32 v10, v16;
	v16 =	vld [tilespmem:s16+$0x1060]  }
0x18e: {  	v37 =	vld [tilespmem:$0x1FD40]  }
0x18f: {  	v2 =	vmov v49;
	v17 =	vsel vm1, v21, v17;
	v21 =	vld [tilespmem:$0x1FDA0]  }
0x190: {  	v20 =	vsel vm2, v2, v20;
	v2 =	vld [tilespmem:$0x1FDB0]  }
0x191: {  	v12 =	vsel vm0, v33, v12;
	vm0 =	vgt.f32 v7, v6;
	v6 =	vmax.f32 v6, v7;
	v7 =	vld [tilespmem:s16+$0x410]  }
0x192: {  	vm1 =	vgt.f32 v9, v8;
	v8 =	vmax.f32 v8, v9;
	v9 =	vld [tilespmem:s16+$0xC00]  }
0x193: {  	vm2 =	vgt.f32 v13, v10;
	v10 =	vmax.f32 v10, v13;
	v13 =	vld [tilespmem:s16+$0x1070];
	v63 =	vsel vm3, v42, v63  }
0x194: {  	vm3 =	vgt.f32 v18, v11;
	v11 =	vmax.f32 v11, v18;
	v18 =	vld [tilespmem:s16+$0x1850];
	v12 =	vsel vm0, v34, v12  }
0x195: {  	vm0 =	vgt.f32 v14, v6;
	v17 =	vsel vm1, v44, v17;
	v6 =	vmax.f32 v6, v14;
	v14 =	vld [tilespmem:s16+$0x420]  }
0x196: {  	vm1 =	vgt.f32 v15, v8;
	v20 =	vsel vm2, v40, v20;
	v8 =	vmax.f32 v8, v15;
	v15 =	vld [tilespmem:s16+$0xC10]  }
0x197: {  	vm2 =	vgt.f32 v16, v10;
	v10 =	vmax.f32 v10, v16;
	v16 =	vld [tilespmem:s16+$0x1400];
	v63 =	vsel vm3, v21, v63  }
0x198: {  	vm3 =	vgt.f32 v19, v11;
	v11 =	vmax.f32 v11, v19;
	v19 =	vld [tilespmem:s16+$0x1860];
	v12 =	vsel vm0, v26, v12  }
0x199: {  	v17 =	vsel vm1, v0, v17;
	v20 =	vsel vm2, v45, v20;
	v63 =	vsel vm3, v3, v63;
	v3 =	vld [tilespmem:$0x1FDC0]  }
0x19a: {  	vm0 =	vgt.f32 v7, v6;
	vm1 =	vgt.f32 v9, v8;
	v6 =	vmax.f32 v6, v7;
	v7 =	vld [tilespmem:s16+$0x430]  }
0x19b: {  	vm2 =	vgt.f32 v13, v10;
	v8 =	vmax.f32 v8, v9;
	v9 =	vld [tilespmem:s16+$0xC20];
	v10 =	vmax.f32 v10, v13  }
0x19c: {  	v13 =	vld [tilespmem:s16+$0x1410];
	vm3 =	vgt.f32 v18, v11;
	v11 =	vmax.f32 v11, v18;
	v12 =	vsel vm0, v22, v12  }
0x19d: {  	s22 =	sand.u32 $0x7, s15;
	v18 =	vld [tilespmem:s16+$0x1870];
	vm0 =	vgt.f32 v14, v6;
	v17 =	vsel vm1, v60, v17;
	vm4 =	vgt.f32 v15, v8  }
0x19e: {  	s17 =	sshll.u32 s22, $0x7;
	v20 =	vsel vm2, v47, v20;
	vm2 =	vgt.f32 v16, v10;
	v6 =	vmax.f32 v6, v14;
	v14 =	vld [tilespmem:s16+$0x440]  }
0x19f: {  	s17 =	sadd.s32 $0x0, s17;
	v8 =	vmax.f32 v8, v15;
	v15 =	vld [tilespmem:s16+$0xC30];
	v10 =	vmax.f32 v10, v16;
	v63 =	vsel vm3, v4, v63  }
0x1a0: {  	s18 =	sor.u32 $0x1C00, s17;
	v16 =	vld [tilespmem:s16+$0x1420];
	vm3 =	vgt.f32 v19, v11;
	v11 =	vmax.f32 v11, v19;
	v17 =	vsel vm4, v37, v17  }
0x1a1: {  	s23 =	sor.u32 $0x1C10, s17;
	v19 =	vld [tilespmem:s18+$0x0];
	v20 =	vsel vm2, v53, v20;
	v63 =	vsel vm3, v2, v63;
	v2 =	vsel vm0, v23, v12  }
0x1a2: {  	s24 =	sor.u32 $0x1C20, s17;
	vm1 =	vgt.f32 v7, v6;
	vm3 =	vgt.f32 v18, v11;
	v11 =	vmax.f32 v11, v18;
	v18 =	vld [tilespmem:s23+$0x0]  }
0x1a3: {  	s25 =	sor.u32 $0x1C30, s17;
	vm0 =	vgt.f32 v9, v8;
	vm2 =	vgt.f32 v13, v10;
	v6 =	vmax.f32 v6, v7;
	v7 =	vld [tilespmem:s24+$0x0]  }
0x1a4: {  	s26 =	sor.u32 $0x1C40, s17;
	v8 =	vmax.f32 v8, v9;
	v10 =	vmax.f32 v10, v13;
	v12 =	vsel vm3, v3, v63;
	v3 =	vld [tilespmem:s25+$0x0]  }
0x1a5: {  	s28 =	sor.u32 $0x1C50, s17;
	v13 =	vld [tilespmem:s26+$0x0];
	vm4 =	vgt.f32 v14, v6;
	vm5 =	vgt.f32 v15, v8;
	vm6 =	vgt.f32 v16, v10  }
0x1a6: {  	v38 =	vmovc v62;
	v6 =	vmax.f32 v6, v14;
	v14 =	vld [tilespmem:s28+$0x0];
	vm3 =	vgt.f32 v19, v11;
	v11 =	vmax.f32 v11, v19  }
0x1a7: {  	v62 =	vmovc v36;
	v36 =	vld [tilespmem:$0x1FD50];
	v8 =	vmax.f32 v8, v15;
	vm7 =	vgt.f32 v18, v11;
	v11 =	vmax.f32 v11, v18  }
0x1a8: {  	v10 =	vmax.f32 v10, v16;
	v20 =	vsel vm2, v54, v20;
	v19 =	vld [tilespmem:s16+$0x1430];
	v16 =	vmax.f32 v11, v7  }
0x1a9: {  	v4 =	vld [tilespmem:$0x1FD10];
	vm8 =	vgt.f32 v5, v6;
	v5 =	vmax.f32 v6, v5;
	v18 =	vmax.f32 v16, v3  }
0x1aa: {  	v49 =	vld [tilespmem:s16+$0xC50];
	v6 =	vmax.f32 v8, v35;
	vm9 =	vgt.f32 v35, v8;
	v8 =	vmax.f32 v18, v13  }
0x1ab: {  	vm13 =	vgt.f32 v7, v11;
	v7 =	vmax.f32 v8, v14;
	vm2 =	vgt.f32 v14, v8;
	v14 =	vld [tilespmem:$0x1FF30]  }
0x1ac: {  	v17 =	vsel vm0, v36, v17;
	v9 =	vmax.f32 v5, v41;
	vm0 =	vgt.f32 v13, v18;
	v18 =	vld [tilespmem:$0x1FDE0]  }
0x1ad: {  	vm11 =	vgt.f32 v41, v5;
	vm10 =	vgt.f32 v19, v10;
	v10 =	vmax.f32 v10, v19  }
0x1ae: {  	v5 =	vmax.f32 v10, v4;
	vm12 =	vgt.f32 v4, v10;
	v4 =	vsel vm1, v24, v2  }
0x1af: {  	vm14 =	vgt.f32 v49, v6;
	v11 =	vmax.f32 v6, v49;
	v49 =	vld [tilespmem:$0x1FD60];
	v4 =	vsel vm4, v25, v4  }
0x1b0: {  	v4 =	vsel vm8, v14, v4;
	v14 =	vld [tilespmem:$0x1FFD0]  }
0x1b1: {  	s30 =	simm.s32 $0x80;
	s29 =	sor.u32 $0x1C58, s17;
	s16 =	simm.s32 $0x400;
	v18 =	vsel vm6, v18, v20;
	v20 =	vld [tilespmem:$0x1FDD0]  }
0x1b2: {  	s17 =	sand.u32 $0x380, s30;
	v15 =	vld [tilespmem:s29+$0x0];
	s31 =	sand.u32 $0x2000, s16  }
0x1b3: {  	v12 =	vsel vm3, v50, v12;
	v50 =	vld [tilespmem:$0x1FFE0];
	s17 =	sor.u32 s17, s31  }
0x1b4: {  	v0 =	vld [tilespmem:s17+$0x460];
	v13 =	vsel vm5, v49, v17  }
0x1b5: {  	v13 =	vsel vm9, v14, v13;
	v14 =	vld [tilespmem:$0x1FE20]  }
0x1b6: {  	v18 =	vsel vm10, v20, v18;
	v20 =	vld [tilespmem:$0x1FE30]  }
0x1b7: {  	v1 =	vld [tilespmem:s17+$0xC50]  }
0x1b8: {  	v63 =	vld [tilespmem:s17+$0x1440]  }
0x1b9: {  	v12 =	vsel vm7, v61, v12;
	vm1 =	vgt.f32 v3, v16;
	v3 =	vld [tilespmem:s17+$0x450]  }
0x1ba: {  	v2 =	vld [tilespmem:s17+$0xC40];
	v12 =	vsel vm13, v14, v12  }
0x1bb: {  	v8 =	vld [tilespmem:s17+$0x10];
	v12 =	vsel vm1, v20, v12  }
0x1bc: {  	v10 =	vmax.f32 v9, v11;
	v12 =	vsel vm0, v39, v12;
	vm0 =	vgt.f32 v11, v9;
	v11 =	vld [tilespmem:$0x1FDF0]  }
0x1bd: {  	v6 =	vmax.f32 v7, v15;
	v17 =	vld [tilespmem:s17+$0x0]  }
0x1be: {  	v19 =	vmax.f32 v5, v6;
	v14 =	vld [tilespmem:s17+$0x470]  }
0x1bf: {  	v16 =	vmax.f32 v10, v19;
	vm1 =	vgt.f32 v15, v7;
	v15 =	vld [tilespmem:$0x1FFC0]  }
0x1c0: {  	(xrf0) =	vmax.scan.msk.f32 $0xffff, v16;
	v7 =	vld [tilespmem:s17+$0x800]  }
0x1c1: {  	v11 =	vsel vm12, v11, v18;
	v18 =	vld [tilespmem:$0x1FE50]  }
0x1c2: {  	v20 =	vld [tilespmem:s17+$0x40]  }
0x1c3: {  	v9 =	vld [tilespmem:s17+$0xC70]  }
0x1c4: {  	v4 =	vsel vm11, v48, v4;
	v13 =	vsel vm14, v15, v13;
	v15 =	vld [tilespmem:s17+$0xC60]  }
0x1c5: {  	v4 =	vsel vm0, v13, v4;
	vm0 =	vgt.f32 v19, v10;
	v10 =	vld [tilespmem:s17+$0x20]  }
0x1c6: {  	v12 =	vsel vm2, v18, v12;
	v18, _, _ =	vpop (xrf0);
	vm2 =	vgt.f32 v6, v5;
	v6 =	vld [tilespmem:s17+$0x1450]  }
0x1c7: {  	v5 =	vsel vm1, v38, v12;
	v12 =	vbroadcast v18, $0xF;
	v18 =	vld [tilespmem:s17+$0x1460]  }
0x1c8: {  	v5 =	vsel vm2, v5, v11;
	v11 =	vld [tilespmem:s17+$0x810]  }
0x1c9: {  	v4 =	vsel vm0, v5, v4;
	vm0 =	veq.f32 v16, v12;
	v12 =	vld [tilespmem:s17+$0x1000]  }
0x1ca: {  	vm2 =	vgt.f32 v9, v15;
	v16 =	vld [tilespmem:$0x1FF60];
	v4 =	vnsel vm0, $0x447A0000, v4  }
0x1cb: {  	v9 =	vmax.f32 v15, v9;
	vm0 =	vgt.f32 v8, v17;
	v8 =	vmax.f32 v17, v8;
	(xrf0) =	vmin.scan.msk.f32 $0xffff, v4;
	v4 =	vld [tilespmem:s17+$0x1470]  }
0x1cc: {  	v15 =	vsel vm0, v28, v27;
	vm0 =	vgt.f32 v10, v8;
	v8 =	vmax.f32 v8, v10;
	v10 =	vld [tilespmem:$0x1FEA0]  }
0x1cd: {  	vm3 =	vgt.f32 v18, v6;
	v6 =	vmax.f32 v6, v18;
	v18 =	vld [tilespmem:$0x1FEF0]  }
0x1ce: {  	v19 =	vld [tilespmem:s17+$0x1010]  }
0x1cf: {  	vm1 =	vgt.f32 v7, v14;
	v7 =	vmax.f32 v14, v7;
	v14 =	vld [tilespmem:s17+$0x30]  }
0x1d0: {  	v13 =	vmov s15;
	v5 =	vld [tilespmem:s17+$0x1430];
	v16 =	vsel vm1, v16, v52;
	vm1 =	vgt.f32 v11, v7  }
0x1d1: {  	v17 =	vld [tilespmem:s17+$0x820];
	v7 =	vmax.f32 v7, v11;
	v10 =	vsel vm3, v59, v10;
	vm3 =	vgt.f32 v4, v6  }
0x1d2: {  	v11 =	vld [tilespmem:s17+$0x1800];
	v18 =	vsel vm2, v51, v18;
	vm2 =	vgt.f32 v12, v9;
	v9 =	vmax.f32 v9, v12;
	v12, _, _ =	vpop (xrf0)  }
0x1d3: {  	v6 =	vmax.f32 v6, v4;
	v51 =	vld [tilespmem:$0x1FEB0];
	v4 =	vbroadcast v12, $0xF;
	v12 =	vlaneseq.u32  }
0x1d4: {  	v18 =	vsel vm2, v56, v18;
	vm2 =	vgt.f32 v19, v9;
	v9 =	vmax.f32 v9, v19;
	v19 =	vld [tilespmem:s17+$0x840]  }
0x1d5: {  	vm4 =	veq.s32 v13, v12;
	v13 =	vld [tilespmem:s17+$0x830]  }
0x1d6: {  	v12 =	vsel vm0, v29, v15;
	v15 =	vsel vm1, v62, v16;
	v16 =	vld [tilespmem:$0x1FD20]  }
0x1d7: {  	vm0 =	vgt.f32 v14, v8;
	v8 =	vmax.f32 v8, v14;
	v14 =	vld [tilespmem:s17+$0x1810]  }
0x1d8: {  	vm1 =	vgt.f32 v17, v7;
	v7 =	vmax.f32 v7, v17;
	v17 =	vld [tilespmem:s17+$0x50]  }
0x1d9: {  	v12 =	vsel vm0, v30, v12;
	vm0 =	vgt.f32 v20, v8;
	v8 =	vmax.f32 v8, v20;
	v20 =	vld [tilespmem:s17+$0x1820]  }
0x1da: {  	v52 =	vsel vm0, v31, v12;
	v12 =	vld [tilespmem:$0x1FF90]  }
0x1db: {  	v10 =	vsel vm3, v51, v10;
	v4 =	vsel vm4, v4, v16;
	v16 =	vld [tilespmem:s17+$0x1020]  }
0x1dc: {  	vm3 =	vgt.f32 v11, v6;
	v6 =	vmax.f32 v6, v11;
	v11 =	vsel vm1, v43, v15;
	v15 =	vld [tilespmem:s17+$0x1030]  }
0x1dd: {  	v38 =	vsel vm3, v55, v10;
	v10 =	vld [tilespmem:s17+$0x850]  }
0x1de: {  	vm0 =	vgt.f32 v17, v8;
	v8 =	vmax.f32 v8, v17;
	v17 =	vld [tilespmem:s17+$0x1830]  }
0x1df: {  	v18 =	vsel vm2, v58, v18;
	vm1 =	vgt.f32 v13, v7;
	v7 =	vmax.f32 v7, v13;
	v13 =	vld [tilespmem:s17+$0x60]  }
0x1e0: {  	vm3 =	vgt.f32 v14, v6;
	vm2 =	vgt.f32 v16, v9;
	v9 =	vmax.f32 v9, v16;
	v16 =	vld [tilespmem:$0x1FFA0]  }
0x1e1: {  	v6 =	vmax.f32 v6, v14;
	v14 =	vld [tilespmem:s17+$0x1040];
	v38 =	vsel vm3, v57, v38  }
0x1e2: {  	vm3 =	vgt.f32 v20, v6;
	v6 =	vmax.f32 v6, v20;
	v11 =	vsel vm1, v12, v11;
	v12 =	vld [tilespmem:s17+$0x70]  }
0x1e3: {  	v40 =	vmovc v60;
	v60 =	vsel vm3, v42, v38;
	vm3 =	vgt.f32 v17, v6;
	v17 =	vmax.f32 v6, v17;
	v6 =	vld [tilespmem:$0x1FFB0]  }
0x1e4: {  	vm1 =	vgt.f32 v19, v7;
	v7 =	vmax.f32 v7, v19;
	v19 =	vld [tilespmem:s17+$0x1050]  }
0x1e5: {  	v39 =	vsel vm0, v32, v52;
	v11 =	vsel vm1, v16, v11;
	v16 =	vld [tilespmem:$0x1FEE0]  }
0x1e6: {  	vm0 =	vgt.f32 v13, v8;
	v20 =	vmax.f32 v8, v13;
	v8 =	vld [tilespmem:s17+$0x400];
	v18 =	vsel vm2, v46, v18  }
0x1e7: {  	vm2 =	vgt.f32 v15, v9;
	v9 =	vmax.f32 v9, v15;
	v15 =	vld [tilespmem:s17+$0x860];
	vm1 =	vgt.f32 v10, v7  }
0x1e8: {  	v61 =	vsel vm1, v6, v11;
	v6 =	vld [tilespmem:$0x1FF20]  }
0x1e9: {  	v7 =	vmax.f32 v7, v10;
	v10 =	vld [tilespmem:s17+$0x870]  }
0x1ea: {  	v18 =	vsel vm2, v16, v18;
	v16 =	vld [tilespmem:s17+$0x1840]  }
0x1eb: {  	v48 =	vmovc v36;
	v59 =	vmov v40;
	v39 =	vsel vm0, v33, v39;
	vm4 =	vgt.f32 v12, v20;
	v11 =	vld [tilespmem:s17+$0x1060]  }
0x1ec: {  	v56 =	vmovc v57;
	vm2 =	vgt.f32 v14, v9;
	v9 =	vmax.f32 v9, v14;
	v14 =	vsel vm3, v21, v60;
	v60 =	vld [tilespmem:$0x1FD30]  }
0x1ed: {  	v62 =	vmovc v55;
	vm1 =	vgt.f32 v15, v7;
	v13 =	vsel vm2, v6, v18;
	v18 =	vmax.f32 v20, v12;
	v12 =	vld [tilespmem:s17+$0x1850]  }
0x1ee: {  	v58 =	vmovc v21;
	vm0 =	vgt.f32 v19, v9;
	v20 =	vmax.f32 v7, v15;
	v6 =	vld [tilespmem:s17+$0x410];
	v15 =	vsel vm4, v34, v39  }
0x1ef: {  	v52 =	vmovc v42;
	v19 =	vmax.f32 v9, v19;
	v7 =	vld [tilespmem:s17+$0xC00];
	vm3 =	vgt.f32 v8, v18;
	vm2 =	vgt.f32 v16, v17  }
0x1f0: {  	s20 =	simm.s32 $0x100;
	s19 =	simm.s32 $0x0;
	s18 =	sshll.u32 s13, $0x7;
	v9 =	vld [tilespmem:s17+$0x1070];
	v17 =	vmax.f32 v17, v16;
	v16 =	vsel vm1, v44, v61;
	vm1 =	vgt.f32 v10, v20;
	v61 =	vmovc v37  }
.LBB2_3:
0x1f1: {  	v21 =	vld [tilespmem:$0x1FE60];
	_ =	sdelay $0x3  }
0x1f2: {  	v13 =	vsel vm0, v50, v13;
	vm0 =	vgt.f32 v11, v19;
	v11 =	vmax.f32 v19, v11;
	v19 =	vld [tilespmem:$0x1FE70]  }
0x1f3: {  	v8 =	vmax.f32 v18, v8;
	v14 =	vsel vm2, v21, v14;
	v21 =	vld [tilespmem:s17+$0x1860]  }
0x1f4: {  	v10 =	vmax.f32 v20, v10;
	v15 =	vsel vm3, v26, v15;
	v20 =	vld [tilespmem:s17+$0xC10];
	v16 =	vsel vm1, v60, v16  }
0x1f5: {  	vm3 =	vgt.f32 v6, v8;
	vm1 =	vgt.f32 v7, v10;
	v7 =	vmax.f32 v10, v7  }
0x1f6: {  	vm2 =	vgt.f32 v12, v17;
	v12 =	vmax.f32 v17, v12;
	v13 =	vsel vm0, v45, v13  }
0x1f7: {  	v17 =	vld [tilespmem:s17+$0x1400];
	vm0 =	vgt.f32 v9, v11;
	v10 =	vsel vm3, v22, v15;
	v9 =	vmax.f32 v11, v9  }
0x1f8: {  	v15 =	vld [tilespmem:s17+$0xC20];
	v14 =	vsel vm2, v19, v14;
	vm2 =	vgt.f32 v21, v12;
	v11 =	vmax.f32 v12, v21  }
0x1f9: {  	v12 =	vsel vm1, v59, v16;
	vm1 =	vgt.f32 v20, v7;
	v7 =	vmax.f32 v7, v20;
	v20 =	vld [tilespmem:s17+$0xC30];
	_ =	sdelay $0x2  }
0x1fa: {  	v18 =	vld [tilespmem:s17+$0x420];
	v13 =	vsel vm0, v47, v13;
	vm0 =	vgt.f32 v17, v9;
	v9 =	vmax.f32 v9, v17  }
0x1fb: {  	v16 =	vld [tilespmem:s17+$0x1410];
	v12 =	vsel vm1, v61, v12;
	vm1 =	vgt.f32 v15, v7;
	v7 =	vmax.f32 v7, v15  }
0x1fc: {  	v57 =	vmovc v44;
	v17 =	vld [tilespmem:s17+$0x1420];
	v12 =	vsel vm1, v48, v12;
	vm1 =	vgt.f32 v20, v7;
	v7 =	vmax.f32 v7, v20  }
0x1fd: {  	v44 =	vmovc v22;
	v22 =	vmax.f32 v7, v2;
	v12 =	vsel vm1, v49, v12;
	vm1 =	vgt.f32 v2, v7;
	v7 =	vld [tilespmem:$0x1FDE0]  }
0x1fe: {  	v6 =	vmax.f32 v8, v6;
	v8 =	vld [tilespmem:s17+$0x430]  }
0x1ff: {  	vm3 =	vgt.f32 v18, v6;
	v6 =	vmax.f32 v6, v18;
	v18 =	vld [tilespmem:s17+$0x440]  }
0x200: {  	v13 =	vsel vm0, v53, v13;
	vm0 =	vgt.f32 v16, v9;
	v9 =	vmax.f32 v9, v16  }
0x201: {  	v19 =	vld [tilespmem:s17+$0x1870];
	v13 =	vsel vm0, v54, v13;
	vm0 =	vgt.f32 v17, v9;
	v9 =	vmax.f32 v9, v17  }
0x202: {  	v43 =	vmovc v26;
	v26 =	vmax.f32 v9, v5;
	v7 =	vsel vm0, v7, v13;
	vm0 =	vgt.f32 v5, v9;
	v9 =	vld [tilespmem:$0x1FF30]  }
0x203: {  	v10 =	vsel vm3, v23, v10;
	vm3 =	vgt.f32 v8, v6;
	v6 =	vmax.f32 v6, v8;
	v21 =	vld [tilespmem:$0x1FDB0]  }
0x204: {  	s15 =	sadd.s32 $0x1, s15;
	v10 =	vsel vm3, v24, v10;
	vm3 =	vgt.f32 v18, v6  }
0x205: {  	s21 =	sand.u32 $0x7, s15;
	v6 =	vmax.f32 v6, v18;
	v10 =	vsel vm3, v25, v10  }
0x206: {  	v55 =	vmovc v54;
	s21 =	sshll.u32 s21, $0x7;
	vm3 =	vgt.f32 v3, v6;
	v6 =	vmax.f32 v6, v3;
	v54 =	vmovc v53;
	v53 =	vmov v47  }
0x207: {  	s21 =	sadd.s32 s21, s16;
	v47 =	vmovc v25;
	v25 =	vmax.f32 v6, v0;
	v9 =	vsel vm3, v9, v10;
	vm3 =	vgt.f32 v0, v6;
	v0 =	vld [tilespmem:$0x1FFD0]  }
0x208: {  	s22 =	sor.u32 $0x1C00, s21;
	v14 =	vsel vm2, v21, v14;
	vm2 =	vgt.f32 v19, v11;
	v11 =	vmax.f32 v11, v19;
	v19 =	vld [tilespmem:$0x1FDC0]  }
0x209: {  	s24 =	sor.u32 $0x1C20, s21;
	v21 =	vld [tilespmem:s22+$0x0]  }
0x20a: {  	s29 =	sor.u32 $0x1C58, s21;
	v8 =	vld [tilespmem:s24+$0x0]  }
0x20b: {  	v18 =	vld [tilespmem:s29+$0x0]  }
0x20c: {  	s23 =	sor.u32 $0x1C10, s21;
	v6 =	vsel vm1, v0, v12;
	v12 =	vld [tilespmem:$0x1FF40]  }
0x20d: {  	v14 =	vsel vm2, v19, v14;
	v19 =	vld [tilespmem:s23+$0x0]  }
0x20e: {  	vm2 =	vgt.f32 v21, v11;
	v11 =	vmax.f32 v11, v21;
	v21 =	vld [tilespmem:$0x1FE00]  }
0x20f: {  	s25 =	sor.u32 $0x1C30, s21;
	v5 =	vld [tilespmem:$0x1FE10]  }
0x210: {  	v15 =	vld [tilespmem:s25+$0x0]  }
0x211: {  	s26 =	sor.u32 $0x1C40, s21;
	v9 =	vsel vm3, v12, v9;
	v12 =	vld [tilespmem:$0x1FE20]  }
0x212: {  	s28 =	sor.u32 $0x1C50, s21;
	v16 =	vld [tilespmem:s26+$0x0]  }
0x213: {  	v14 =	vsel vm2, v21, v14;
	v21 =	vld [tilespmem:s28+$0x0];
	vm2 =	vgt.f32 v19, v11  }
0x214: {  	v37 =	vmovc v29;
	s16 =	sadd.s32 $0x400, s16;
	v29 =	vmax.f32 v22, v1;
	v11 =	vmax.f32 v11, v19;
	v5 =	vsel vm2, v5, v14;
	v14 =	vld [tilespmem:$0x1FFC0]  }
0x215: {  	s31 =	sand.u32 $0x380, s20;
	s30 =	sand.u32 $0x2000, s16;
	v17 =	vmax.f32 v11, v8;
	vm2 =	vgt.f32 v8, v11;
	vm1 =	vgt.f32 v1, v22;
	v1 =	vld [tilespmem:$0x1FDD0]  }
0x216: {  	s17 =	sor.u32 s31, s30;
	v19 =	vmax.f32 v17, v15;
	v5 =	vsel vm2, v12, v5;
	vm2 =	vgt.f32 v15, v17;
	v15 =	vld [tilespmem:$0x1FDF0]  }
0x217: {  	v20 =	vld [tilespmem:s17+$0x460]  }
0x218: {  	v51 =	vmov v45;
	v45 =	vmov v23;
	v10 =	vld [tilespmem:s17+$0x470];
	v23 =	vmax.f32 v19, v16  }
0x219: {  	v35 =	vmov v27;
	v38 =	vmov v30;
	v11 =	vld [tilespmem:s17+$0x800];
	v27 =	vmax.f32 v23, v21  }
0x21a: {  	v39 =	vmovc v31;
	v6 =	vsel vm1, v14, v6;
	v14 =	vld [tilespmem:$0x1FE30];
	v7 =	vsel vm0, v1, v7;
	vm0 =	vgt.f32 v63, v26  }
0x21b: {  	v40 =	vmovc v32;
	v30 =	vmax.f32 v26, v63;
	v31 =	vmax.f32 v27, v18;
	v7 =	vsel vm0, v15, v7;
	v15 =	vld [tilespmem:$0x1FE40]  }
0x21c: {  	v41 =	vmovc v33;
	v32 =	vmax.f32 v25, v29;
	v33 =	vmax.f32 v30, v31;
	vm1 =	vgt.f32 v16, v19;
	v16 =	vld [tilespmem:$0x1FE50]  }
0x21d: {  	v13 =	vmax.f32 v32, v33;
	v12 =	vld [tilespmem:s17+$0xC60]  }
0x21e: {  	(xrf0) =	vmax.scan.msk.f32 $0xffff, v13;
	v17 =	vld [tilespmem:s17+$0x1460]  }
0x21f: {  	v5 =	vsel vm2, v14, v5;
	v14 =	vld [tilespmem:s17+$0xC70]  }
0x220: {  	vm0 =	vgt.f32 v21, v23;
	v5 =	vsel vm1, v15, v5;
	v15 =	vld [tilespmem:s17+$0x1450]  }
0x221: {  	v5 =	vsel vm0, v16, v5;
	vm0 =	vgt.f32 v18, v27;
	v18 =	vld [tilespmem:$0x1FE80];
	_ =	sdelay $0x1  }
0x222: {  	v42 =	vmov v34;
	v34 =	vld [tilespmem:s17+$0x0];
	vm2 =	vgt.f32 v11, v10;
	v10 =	vmax.f32 v10, v11  }
0x223: {  	s19 =	sadd.s32 $0x1, s19;
	v8 =	vld [tilespmem:s17+$0x10];
	vm3 =	vgt.f32 v14, v12;
	v11 =	vmax.f32 v12, v14;
	vm1 =	vgt.f32 v29, v25;
	v16, _, _ =	vpop (xrf0)  }
0x224: {  	v0 =	vmovc v20;
	v20 =	vld [tilespmem:$0x1FEA0];
	v6 =	vsel vm1, v6, v9;
	v9 =	vmov s19;
	v16 =	vbroadcast v16, $0xF  }
0x225: {  	vm4 =	vgt.f32 v17, v15;
	v5 =	vsel vm0, v18, v5;
	vm0 =	vgt.f32 v31, v30;
	v18 =	vld [tilespmem:s17+$0x20]  }
0x226: {  	v12 =	vmax.f32 v15, v17;
	v15 =	vld [tilespmem:$0x1FF50];
	v5 =	vsel vm0, v5, v7;
	vm0 =	vgt.f32 v33, v32  }
0x227: {  	v7 =	vld [tilespmem:s17+$0x810];
	v5 =	vsel vm0, v5, v6;
	vm0 =	veq.f32 v13, v16;
	v16 =	vlaneseq.u32  }
0x228: {  	v5 =	vnsel vm0, $0x447A0000, v5;
	vm0 =	veq.s32 v9, v16;
	v16 =	vld [tilespmem:$0x1FF60]  }
0x229: {  	v36 =	vmov v28;
	vm1 =	vgt.f32 v8, v34;
	v8 =	vmax.f32 v34, v8;
	v13 =	vld [tilespmem:s17+$0x1470]  }
0x22a: {  	v14 =	vsel vm1, v36, v35;
	vm1 =	vgt.f32 v18, v8;
	v8 =	vmax.f32 v8, v18;
	v18 =	vld [tilespmem:$0x1FE90];
	_ =	sdelay $0x2  }
0x22b: {  	v46 =	vmov v24;
	v24 =	vld [tilespmem:s17+$0xC50];
	v15 =	vsel vm2, v16, v15  }
0x22c: {  	v19 =	vld [tilespmem:$0x1FEF0];
	vm2 =	vgt.f32 v7, v10;
	v7 =	vmax.f32 v10, v7;
	v10 =	vmax.f32 v12, v13  }
0x22d: {  	v18 =	vsel vm4, v18, v20;
	vm4 =	vgt.f32 v13, v12;
	v12 =	vsel vm1, v37, v14;
	v14 =	vld [tilespmem:$0x1FF70]  }
0x22e: {  	v17 =	vld [tilespmem:$0x1FEC0]  }
0x22f: {  	v28 =	vld [tilespmem:s17+$0x1440]  }
0x230: {  	v22 =	vld [tilespmem:$0x1FEB0]  }
0x231: {  	v6 =	vld [tilespmem:s17+$0x1000]  }
0x232: {  	(xrf0) =	vmin.scan.msk.f32 $0xffff, v5;
	v14 =	vsel vm2, v14, v15;
	v15 =	vld [tilespmem:$0x1FF00]  }
0x233: {  	v17 =	vsel vm3, v17, v19;
	v19 =	vld [tilespmem:s17+$0x1010]  }
0x234: {  	v9 =	vld [tilespmem:s17+$0x30]  }
0x235: {  	v16 =	vld [tilespmem:s17+$0x820]  }
0x236: {  	vm3 =	vgt.f32 v6, v11;
	v20 =	vld [tilespmem:s17+$0x1800]  }
0x237: {  	v6 =	vmax.f32 v11, v6;
	v15 =	vsel vm3, v15, v17;
	v17 =	vld [tilespmem:s17+$0x1020]  }
0x238: {  	v11, _, _ =	vpop (xrf0);
	vm3 =	vgt.f32 v19, v6;
	v6 =	vmax.f32 v6, v19;
	v19 =	vld [tilespmem:$0x1FED0]  }
0x239: {  	v13 =	vld [tilespmem:s17+$0x830];
	v11 =	vbroadcast v11, $0xF  }
0x23a: {  	vm1 =	vgt.f32 v9, v8;
	v18 =	vsel vm4, v22, v18;
	v22 =	vld [tilespmem:s17+$0x1810]  }
0x23b: {  	v4 =	vsel vm0, v11, v4;
	v11 =	vsel vm1, v38, v12;
	v12 =	vld [tilespmem:s17+$0x840]  }
0x23c: {  	vm2 =	vgt.f32 v16, v7;
	v7 =	vmax.f32 v7, v16;
	v16 =	vld [tilespmem:$0x1FF80]  }
0x23d: {  	v15 =	vsel vm3, v19, v15;
	vm3 =	vgt.f32 v17, v6;
	v6 =	vmax.f32 v6, v17;
	v17 =	vld [tilespmem:$0x1FF90]  }
0x23e: {  	v19 =	vld [tilespmem:s17+$0x1820]  }
0x23f: {  	v3 =	vld [tilespmem:s17+$0x450];
	vm0 =	vgt.f32 v20, v10;
	v10 =	vmax.f32 v10, v20  }
0x240: {  	v21 =	vld [tilespmem:s17+$0x40];
	v18 =	vsel vm0, v62, v18;
	vm0 =	vgt.f32 v22, v10;
	v10 =	vmax.f32 v10, v22  }
0x241: {  	v2 =	vld [tilespmem:s17+$0xC40];
	v14 =	vsel vm2, v16, v14;
	vm2 =	vgt.f32 v13, v7;
	v7 =	vmax.f32 v7, v13  }
0x242: {  	v23 =	vld [tilespmem:s17+$0x1840];
	v18 =	vsel vm0, v56, v18;
	v14 =	vsel vm2, v17, v14;
	vm2 =	vgt.f32 v12, v7  }
0x243: {  	v7 =	vmax.f32 v7, v12;
	vm0 =	vgt.f32 v19, v10;
	v12 =	vmax.f32 v10, v19;
	v10 =	vld [tilespmem:$0x1FFA0]  }
0x244: {  	v8 =	vmax.f32 v8, v9;
	v9 =	vld [tilespmem:s17+$0x50]  }
0x245: {  	vm1 =	vgt.f32 v21, v8;
	v8 =	vmax.f32 v8, v21;
	v21 =	vld [tilespmem:$0x1FF10]  }
0x246: {  	v16 =	vld [tilespmem:s17+$0x1030]  }
0x247: {  	v17 =	vld [tilespmem:s17+$0x1040]  }
0x248: {  	v14 =	vsel vm2, v10, v14;
	v10 =	vld [tilespmem:$0x1FEE0]  }
0x249: {  	v20 =	vld [tilespmem:s17+$0x60]  }
0x24a: {  	v11 =	vsel vm1, v39, v11;
	vm1 =	vgt.f32 v9, v8;
	v8 =	vmax.f32 v8, v9;
	v9 =	vld [tilespmem:s17+$0x70]  }
0x24b: {  	v13 =	vld [tilespmem:s17+$0x850]  }
0x24c: {  	v15 =	vsel vm3, v21, v15;
	vm3 =	vgt.f32 v16, v6;
	v21 =	vld [tilespmem:s17+$0x1830];
	v6 =	vmax.f32 v6, v16  }
0x24d: {  	v15 =	vsel vm3, v10, v15;
	vm3 =	vgt.f32 v17, v6;
	v17 =	vmax.f32 v6, v17;
	v6 =	vld [tilespmem:$0x1FFB0]  }
0x24e: {  	v22 =	vld [tilespmem:s17+$0x860]  }
0x24f: {  	v26 =	vmovc v43;
	v1 =	vmovc v24;
	v63 =	vmov v28;
	v11 =	vsel vm1, v40, v11;
	vm1 =	vgt.f32 v20, v8;
	v16 =	vld [tilespmem:s17+$0x1050]  }
0x250: {  	v28 =	vmovc v36;
	v29 =	vmovc v37;
	v27 =	vmov v35;
	v34 =	vmov v42;
	v5 =	vld [tilespmem:s17+$0x1430];
	v24 =	vsel vm1, v41, v11  }
0x251: {  	v31 =	vmovc v39;
	v19 =	vmax.f32 v8, v20;
	v8 =	vld [tilespmem:s17+$0x400];
	v18 =	vsel vm0, v52, v18;
	vm2 =	vgt.f32 v13, v7  }
0x252: {  	v30 =	vmovc v38;
	vm4 =	vgt.f32 v21, v12;
	v7 =	vmax.f32 v7, v13;
	v25 =	vsel vm2, v6, v14;
	v6 =	vld [tilespmem:$0x1FF20]  }
0x253: {  	p1 =	sne.s32 s20, $0x780;
	v33 =	vmovc v41;
	v21 =	vmax.f32 v12, v21;
	vm1 =	vgt.f32 v9, v19;
	vm5 =	vgt.f32 v22, v7;
	v10 =	vld [tilespmem:s17+$0x870]  }
.Ltmp0:
0x254: {  	v32 =	vmovc v40;
	v11 =	vld [tilespmem:s17+$0x1060];
	v20 =	vmax.f32 v7, v22;
	vm0 =	vgt.f32 v16, v17;
	v14 =	vsel vm4, v58, v18;
	(pc) =	sbr.rel @p1 .LBB2_3-.Ltmp0, $4  }
0x255: {  	v12 =	vld [tilespmem:s17+$0x1850];
	v22 =	vmovc v44;
	v18 =	vmax.f32 v19, v9;
	vm2 =	vgt.f32 v23, v21;
	v19 =	vmax.f32 v17, v16  }
0x256: {  	v44 =	vmovc v57;
	v7 =	vld [tilespmem:s17+$0xC00];
	v17 =	vmax.f32 v21, v23;
	v23 =	vmovc v45;
	v45 =	vmov v51;
	v16 =	vsel vm5, v57, v25  }
0x257: {  	v9 =	vld [tilespmem:s17+$0x1070];
	v25 =	vmovc v47;
	v47 =	vmovc v53;
	v53 =	vmov v54;
	v54 =	vmov v55;
	v13 =	vsel vm3, v6, v15  }
0x258: {  	s20 =	sadd.s32 $0x80, s20;
	v6 =	vld [tilespmem:s17+$0x410];
	v15 =	vsel vm1, v42, v24;
	v24 =	vmovc v46;
	vm3 =	vgt.f32 v8, v18;
	vm1 =	vgt.f32 v10, v20  }
0x259: {  	v10 =	vmax.f32 v20, v10;
	v20 =	vld [tilespmem:$0x1FE60];
	_ =	sdelay $0x3  }
0x25a: {  	v21 =	vld [tilespmem:s17+$0x1860]  }
0x25b: {  	v14 =	vsel vm2, v20, v14;
	v20 =	vld [tilespmem:$0x1FE70];
	_ =	sdelay $0x3  }
0x25c: {  	v8 =	vmax.f32 v18, v8;
	v18 =	vld [tilespmem:s17+$0x420];
	s15 =	sadd.s32 $0x1, s15;
	vm2 =	vgt.f32 v12, v17;
	v12 =	vmax.f32 v17, v12  }
0x25d: {  	s15 =	sand.u32 $0x7, s15;
	v14 =	vsel vm2, v20, v14;
	vm2 =	vgt.f32 v21, v12;
	v12 =	vmax.f32 v12, v21;
	v21 =	vld [tilespmem:$0x1FDB0]  }
0x25e: {  	v13 =	vsel vm0, v50, v13;
	vm0 =	vgt.f32 v11, v19;
	v11 =	vmax.f32 v19, v11;
	v19 =	vld [tilespmem:s17+$0xC10];
	s15 =	sshll.u32 s15, $0x7  }
0x25f: {  	v51 =	vld [tilespmem:$0x1FDC0];
	s15 =	sadd.s32 s15, s16  }
0x260: {  	v15 =	vsel vm3, v26, v15;
	vm3 =	vgt.f32 v6, v8;
	v6 =	vmax.f32 v8, v6;
	v8 =	vld [tilespmem:s17+$0x1870];
	s16 =	sor.u32 $0x1C00, s15  }
0x261: {  	v15 =	vsel vm3, v22, v15;
	vm3 =	vgt.f32 v18, v6;
	v6 =	vmax.f32 v6, v18;
	v18 =	vld [tilespmem:s16+$0x0]  }
0x262: {  	v14 =	vsel vm2, v21, v14;
	v21 =	vld [tilespmem:$0x1FE00]  }
0x263: {  	v16 =	vsel vm1, v60, v16;
	vm1 =	vgt.f32 v7, v10;
	v7 =	vmax.f32 v10, v7;
	v10 =	vld [tilespmem:s17+$0x430]  }
0x264: {  	v13 =	vsel vm0, v45, v13;
	vm0 =	vgt.f32 v9, v11;
	v9 =	vmax.f32 v11, v9;
	v17 =	vld [tilespmem:s17+$0x1400]  }
0x265: {  	v16 =	vsel vm1, v59, v16;
	v20 =	vld [tilespmem:s17+$0x1410];
	vm2 =	vgt.f32 v8, v12;
	v8 =	vmax.f32 v12, v8  }
0x266: {  	v13 =	vsel vm0, v47, v13;
	v12 =	vld [tilespmem:s17+$0x1420];
	v14 =	vsel vm2, v51, v14;
	vm2 =	vgt.f32 v18, v8  }
0x267: {  	vm1 =	vgt.f32 v19, v7;
	v7 =	vmax.f32 v7, v19;
	v14 =	vsel vm2, v21, v14;
	v21 =	vld [tilespmem:$0x1FDE0]  }
0x268: {  	v11 =	vld [tilespmem:s17+$0xC20];
	v15 =	vsel vm3, v23, v15;
	v16 =	vsel vm1, v61, v16;
	vm3 =	vgt.f32 v10, v6  }
0x269: {  	s26 =	sor.u32 $0x1C10, s15;
	v19 =	vld [tilespmem:s17+$0x440];
	v6 =	vmax.f32 v6, v10;
	vm4 =	vgt.f32 v17, v9;
	v9 =	vmax.f32 v9, v17  }
0x26a: {  	v10 =	vld [tilespmem:s26+$0x0];
	v13 =	vsel vm4, v53, v13;
	vm1 =	vgt.f32 v20, v9;
	v9 =	vmax.f32 v9, v20  }
0x26b: {  	v17 =	vld [tilespmem:s17+$0xC30];
	v13 =	vsel vm1, v54, v13;
	vm5 =	vgt.f32 v12, v9  }
0x26c: {  	v13 =	vsel vm5, v21, v13;
	v21 =	vld [tilespmem:$0x1FE10]  }
0x26d: {  	s28 =	sor.u32 $0x1C20, s15;
	vm0 =	vgt.f32 v11, v7;
	v7 =	vmax.f32 v7, v11  }
0x26e: {  	v11 =	vld [tilespmem:s28+$0x0];
	v15 =	vsel vm3, v24, v15;
	vm3 =	vgt.f32 v19, v6;
	v6 =	vmax.f32 v6, v19  }
0x26f: {  	vm7 =	vgt.f32 v3, v6;
	v8 =	vmax.f32 v8, v18  }
0x270: {  	vm4 =	vgt.f32 v17, v7;
	v7 =	vmax.f32 v7, v17;
	vm6 =	vgt.f32 v10, v8  }
0x271: {  	s29 =	sor.u32 $0x1C30, s15;
	v3 =	vmax.f32 v6, v3;
	v6 =	vmax.f32 v7, v2;
	v14 =	vsel vm6, v21, v14;
	v21 =	vld [tilespmem:$0x1FF30]  }
0x272: {  	v15 =	vsel vm3, v25, v15;
	v20 =	vld [tilespmem:s29+$0x0];
	v8 =	vmax.f32 v8, v10;
	vm12 =	vgt.f32 v1, v6  }
0x273: {  	vm10 =	vgt.f32 v11, v8;
	v9 =	vmax.f32 v9, v12;
	v12 =	vmax.f32 v8, v11  }
0x274: {  	v8 =	vmax.f32 v6, v1;
	vm9 =	vgt.f32 v5, v9;
	v5 =	vmax.f32 v9, v5  }
0x275: {  	v6 =	vsel vm0, v48, v16;
	v11 =	vmax.f32 v5, v63;
	vm0 =	vgt.f32 v63, v5;
	v5 =	vld [tilespmem:$0x1FF40]  }
0x276: {  	v15 =	vsel vm7, v21, v15;
	v21 =	vld [tilespmem:$0x1FFD0]  }
0x277: {  	v17 =	vmax.f32 v12, v20;
	vm1 =	vgt.f32 v20, v12;
	v12 =	vld [tilespmem:$0x1FFC0];
	_ =	sdelay $0x2  }
0x278: {  	vm11 =	vgt.f32 v0, v3;
	vm8 =	vgt.f32 v2, v7;
	v6 =	vsel vm4, v49, v6  }
0x279: {  	v5 =	vsel vm11, v5, v15;
	v15 =	vld [tilespmem:$0x1FE20];
	v6 =	vsel vm8, v21, v6  }
0x27a: {  	s31 =	sor.u32 $0x1C50, s15;
	v6 =	vsel vm12, v12, v6;
	v12 =	vld [tilespmem:$0x1FE30]  }
0x27b: {  	s30 =	sor.u32 $0x1C40, s15;
	v19 =	vld [tilespmem:s31+$0x0]  }
0x27c: {  	s15 =	sor.u32 $0x1C58, s15;
	v18 =	vld [tilespmem:s30+$0x0]  }
0x27d: {  	v10 =	vld [tilespmem:s15+$0x0]  }
0x27e: {  	v21 =	vld [tilespmem:$0x1FDD0];
	v14 =	vsel vm10, v15, v14  }
0x27f: {  	v12 =	vsel vm1, v12, v14;
	v14 =	vld [tilespmem:$0x1FDF0];
	_ =	sdelay $0x2  }
0x280: {  	v2 =	vmax.f32 v17, v18  }
0x281: {  	v9 =	vmax.f32 v2, v19;
	v13 =	vsel vm9, v21, v13  }
0x282: {  	v7 =	vmax.f32 v3, v0;
	v0 =	vmax.f32 v9, v10;
	v13 =	vsel vm0, v14, v13;
	v14 =	vld [tilespmem:$0x1FE40]  }
0x283: {  	v3 =	vmax.f32 v7, v8;
	v1 =	vmax.f32 v11, v0  }
0x284: {  	v16 =	vmax.f32 v3, v1  }
0x285: {  	(xrf0) =	vmax.scan.msk.f32 $0xffff, v16  }
0x286: {  	vm1 =	vgt.f32 v18, v17;
	vm0 =	vgt.f32 v19, v2;
	v2 =	vld [tilespmem:$0x1FE50]  }
0x287: {  	v12 =	vsel vm1, v14, v12;
	vm1 =	vgt.f32 v8, v7;
	v8 =	vld [tilespmem:$0x1FE80];
	_ =	sdelay $0x3  }
0x288: {  	v7, _, _ =	vpop (xrf0);
	v2 =	vsel vm0, v2, v12;
	vm0 =	vgt.f32 v10, v9  }
0x289: {  	v2 =	vsel vm0, v8, v2;
	vm0 =	vgt.f32 v0, v11;
	v0 =	vbroadcast v7, $0xF  }
0x28a: {  	v5 =	vsel vm1, v6, v5;
	v2 =	vsel vm0, v2, v13;
	vm0 =	vgt.f32 v1, v3  }
0x28b: {  	v1 =	vsel vm0, v2, v5;
	vm0 =	veq.f32 v16, v0  }
0x28c: {  	v0 =	vnsel vm0, $0x447A0000, v1  }
0x28d: {  	(xrf0) =	vmin.scan.msk.f32 $0xffff, v0;
	_ =	sdelay $0x5  }
0x28e: {  	s17 =	sadd.s32 $0x1, s19;
	v0, _, _ =	vpop (xrf0)  }
0x28f: {  	v2 =	vlaneseq.u32;
	v1 =	vmov s17;
	v0 =	vbroadcast v0, $0xF  }
0x290: {  	vm0 =	veq.s32 v1, v2  }
0x291: {  	v0 =	vsel vm0, v0, v4  }
0x292: {  	[tilespmem:$0x1FD00] =	vst v0;
	v0 =	vtrunc.f32 v0  }
0x293: {  	p1 =	seq.s32 s13, $0x18;
	v0 =	vcvt.f32.s32 v0  }
0x294: {  	s18 =	sshrl.u32 s18, $0x2;
	s16 =	sshll.u32 @!p1 s13, $0xC  }
0x295: {  	s15 =	sadd.s32 @!p1 s16, s6;
	s16 =	simm.s32 @!p1 $0x0;
	[tilespmem:s18+$0x8000] =	vst v0  }
0x296: {  	[tilespmem:s16], [sflag:$0x1] =	stream.linear.gather @!p1 [hbm4b:s15+s16], $0x4000, $0x38;
	[tilespmem:$0x8B40] =	vst v63  }
0x297: {  	_ =	swait.ge [sflag:s11], $0x4000  }
0x298: {  	v4 =	vld [tilespmem:$0x1FF50]  }
0x299: {  	v55 =	vld [tilespmem:$0x1FF60]  }
0x29a: {  	s15 =	simm.s32 $0x0;
	v46 =	vld [tilespmem:$0x1FEF0]  }
0x29b: {  	s19 =	sand.u32 $0x2000, s15;
	s20 =	sand.u32 $0x380, s15;
	[sflag:s11] =	ssyncset.done $0x0;
	v57 =	vld [tilespmem:$0x1FE90]  }
0x29c: {  	s16 =	sor.u32 s20, s19;
	v63 =	vld [tilespmem:$0x1FF00];
	[sflag:s11] =	ssyncadd.s32 $0xFFFFC000  }
0x29d: {  	v1 =	vld [tilespmem:s16+$0x4460]  }
0x29e: {  	v6 =	vld [tilespmem:s16+$0x4000]  }
0x29f: {  	v7 =	vld [tilespmem:s16+$0x4010]  }
0x2a0: {  	v8 =	vld [tilespmem:s16+$0x4470]  }
0x2a1: {  	v9 =	vld [tilespmem:s16+$0x4800]  }
0x2a2: {  	v10 =	vld [tilespmem:s16+$0x4C60]  }
0x2a3: {  	v11 =	vld [tilespmem:s16+$0x4C70]  }
0x2a4: {  	v12 =	vld [tilespmem:s16+$0x5450]  }
0x2a5: {  	v13 =	vld [tilespmem:s16+$0x5460]  }
0x2a6: {  	v14 =	vld [tilespmem:s16+$0x4020]  }
0x2a7: {  	v15 =	vld [tilespmem:s16+$0x4810]  }
0x2a8: {  	v16 =	vld [tilespmem:s16+$0x5000]  }
0x2a9: {  	v17 =	vld [tilespmem:s16+$0x5470]  }
0x2aa: {  	v19 =	vld [tilespmem:s16+$0x5800]  }
0x2ab: {  	vm0 =	vgt.f32 v7, v6;
	vm1 =	vgt.f32 v9, v8;
	v6 =	vmax.f32 v6, v7;
	v7 =	vld [tilespmem:s16+$0x4030]  }
0x2ac: {  	v18 =	vsel vm1, v55, v4;
	v4 =	vld [tilespmem:$0x1FEC0]  }
0x2ad: {  	vm2 =	vgt.f32 v11, v10;
	v8 =	vmax.f32 v8, v9;
	v9 =	vld [tilespmem:s16+$0x4820]  }
0x2ae: {  	vm3 =	vgt.f32 v13, v12;
	v10 =	vmax.f32 v10, v11;
	v11 =	vmax.f32 v12, v13;
	v13 =	vld [tilespmem:s16+$0x5010]  }
0x2af: {  	v12 =	vsel vm0, v28, v27;
	vm0 =	vgt.f32 v14, v6;
	v6 =	vmax.f32 v6, v14;
	v14 =	vld [tilespmem:s16+$0x4040]  }
0x2b0: {  	vm1 =	vgt.f32 v15, v8;
	v8 =	vmax.f32 v8, v15;
	v15 =	vld [tilespmem:s16+$0x4830]  }
0x2b1: {  	v20 =	vsel vm2, v4, v46;
	vm2 =	vgt.f32 v16, v10;
	v4 =	vld [tilespmem:$0x1FEA0]  }
0x2b2: {  	v20 =	vsel vm2, v63, v20;
	v63 =	vld [tilespmem:$0x1FEB0]  }
0x2b3: {  	v12 =	vsel vm0, v29, v12;
	vm0 =	vgt.f32 v7, v6;
	v6 =	vmax.f32 v6, v7;
	v7 =	vld [tilespmem:s16+$0x4050]  }
0x2b4: {  	v10 =	vmax.f32 v10, v16;
	v16 =	vld [tilespmem:s16+$0x5020];
	v12 =	vsel vm0, v30, v12  }
0x2b5: {  	vm0 =	vgt.f32 v14, v6;
	v6 =	vmax.f32 v6, v14;
	v14 =	vld [tilespmem:s16+$0x4060];
	vm2 =	vgt.f32 v13, v10  }
0x2b6: {  	v10 =	vmax.f32 v10, v13;
	v13 =	vld [tilespmem:s16+$0x5030];
	v21 =	vsel vm3, v57, v4;
	vm3 =	vgt.f32 v17, v11  }
0x2b7: {  	v21 =	vsel vm3, v63, v21;
	v63 =	vld [tilespmem:$0x1FED0]  }
0x2b8: {  	v12 =	vsel vm0, v31, v12;
	vm0 =	vgt.f32 v7, v6;
	v6 =	vmax.f32 v6, v7;
	v7 =	vld [tilespmem:s16+$0x4070]  }
0x2b9: {  	v11 =	vmax.f32 v11, v17;
	v17 =	vld [tilespmem:$0x1FF70]  }
0x2ba: {  	v12 =	vsel vm0, v32, v12;
	vm0 =	vgt.f32 v14, v6;
	v6 =	vmax.f32 v6, v14;
	v14 =	vld [tilespmem:s16+$0x4400]  }
0x2bb: {  	vm3 =	vgt.f32 v19, v11;
	v11 =	vmax.f32 v11, v19;
	v19 =	vld [tilespmem:$0x1FF80]  }
0x2bc: {  	v20 =	vsel vm2, v63, v20;
	v63 =	vld [tilespmem:$0x1FF10]  }
0x2bd: {  	v12 =	vsel vm0, v33, v12;
	vm0 =	vgt.f32 v7, v6;
	v6 =	vmax.f32 v6, v7;
	v7 =	vld [tilespmem:s16+$0x4410]  }
0x2be: {  	v17 =	vsel vm1, v17, v18;
	v18 =	vld [tilespmem:s16+$0x5810]  }
0x2bf: {  	vm1 =	vgt.f32 v9, v8;
	v8 =	vmax.f32 v8, v9;
	v9 =	vld [tilespmem:s16+$0x4840];
	v12 =	vsel vm0, v34, v12  }
0x2c0: {  	vm0 =	vgt.f32 v14, v6;
	v6 =	vmax.f32 v6, v14;
	v14 =	vld [tilespmem:s16+$0x4420];
	vm2 =	vgt.f32 v16, v10  }
0x2c1: {  	v20 =	vsel vm2, v63, v20;
	v63 =	vld [tilespmem:$0x1FEE0]  }
0x2c2: {  	v17 =	vsel vm1, v19, v17;
	v19 =	vld [tilespmem:s16+$0x5820]  }
0x2c3: {  	v21 =	vsel vm3, v62, v21;
	vm3 =	vgt.f32 v18, v11;
	v11 =	vmax.f32 v11, v18;
	v18 =	vld [tilespmem:$0x1FF90]  }
0x2c4: {  	vm1 =	vgt.f32 v15, v8;
	v8 =	vmax.f32 v8, v15;
	v15 =	vld [tilespmem:s16+$0x4850];
	v10 =	vmax.f32 v10, v16  }
0x2c5: {  	v16 =	vld [tilespmem:s16+$0x5040];
	vm2 =	vgt.f32 v13, v10  }
0x2c6: {  	v20 =	vsel vm2, v63, v20;
	v63 =	vld [tilespmem:$0x1FF20]  }
0x2c7: {  	v12 =	vsel vm0, v26, v12;
	vm0 =	vgt.f32 v7, v6;
	v6 =	vmax.f32 v6, v7;
	v7 =	vld [tilespmem:s16+$0x4430]  }
0x2c8: {  	v17 =	vsel vm1, v18, v17;
	v18 =	vld [tilespmem:s16+$0x5830]  }
0x2c9: {  	v21 =	vsel vm3, v56, v21;
	v10 =	vmax.f32 v10, v13;
	v13 =	vld [tilespmem:s16+$0x5050]  }
0x2ca: {  	vm3 =	vgt.f32 v19, v11;
	v11 =	vmax.f32 v11, v19;
	v19 =	vld [tilespmem:$0x1FFA0];
	vm2 =	vgt.f32 v16, v10  }
0x2cb: {  	v20 =	vsel vm2, v63, v20;
	v63 =	vld [tilespmem:$0x1FFE0]  }
0x2cc: {  	v12 =	vsel vm0, v22, v12;
	vm0 =	vgt.f32 v14, v6;
	v6 =	vmax.f32 v6, v14;
	v14 =	vld [tilespmem:s16+$0x4440]  }
0x2cd: {  	v21 =	vsel vm3, v52, v21;
	vm3 =	vgt.f32 v18, v11;
	v11 =	vmax.f32 v11, v18;
	v18 =	vld [tilespmem:$0x1FFB0]  }
0x2ce: {  	vm1 =	vgt.f32 v9, v8;
	v8 =	vmax.f32 v8, v9;
	v9 =	vld [tilespmem:s16+$0x4860];
	v10 =	vmax.f32 v10, v16  }
0x2cf: {  	v17 =	vsel vm1, v19, v17;
	v19 =	vld [tilespmem:s16+$0x5840];
	vm2 =	vgt.f32 v13, v10  }
0x2d0: {  	v20 =	vsel vm2, v63, v20;
	v63 =	vld [tilespmem:$0x1FE60]  }
0x2d1: {  	vm1 =	vgt.f32 v15, v8;
	v8 =	vmax.f32 v8, v15;
	v15 =	vld [tilespmem:s16+$0x4870]  }
0x2d2: {  	v17 =	vsel vm1, v18, v17;
	v18 =	vld [tilespmem:s16+$0x5850]  }
0x2d3: {  	v16 =	vld [tilespmem:s16+$0x5060]  }
0x2d4: {  	v21 =	vsel vm3, v58, v21;
	vm3 =	vgt.f32 v19, v11;
	v11 =	vmax.f32 v11, v19;
	v19 =	vld [tilespmem:s16+$0x5860]  }
0x2d5: {  	v21 =	vsel vm3, v63, v21;
	v63 =	vld [tilespmem:$0x1FE70]  }
0x2d6: {  	v10 =	vmax.f32 v10, v13;
	v13 =	vld [tilespmem:s16+$0x5070]  }
0x2d7: {  	vm1 =	vgt.f32 v9, v8;
	vm3 =	vgt.f32 v18, v11;
	v11 =	vmax.f32 v11, v18;
	v18 =	vld [tilespmem:$0x1FD30]  }
0x2d8: {  	v8 =	vmax.f32 v8, v9;
	v9 =	vld [tilespmem:s16+$0x4C00];
	v17 =	vsel vm1, v44, v17  }
0x2d9: {  	vm1 =	vgt.f32 v15, v8;
	vm2 =	vgt.f32 v16, v10;
	v10 =	vmax.f32 v10, v16;
	v16 =	vld [tilespmem:s16+$0x5400]  }
0x2da: {  	v21 =	vsel vm3, v63, v21;
	vm3 =	vgt.f32 v19, v11;
	v11 =	vmax.f32 v11, v19;
	v19 =	vld [tilespmem:$0x1FFF0]  }
0x2db: {  	s21 =	sand.u32 $0x7, s15;
	v20 =	vsel vm2, v45, v20;
	vm2 =	vgt.f32 v13, v10;
	v10 =	vmax.f32 v10, v13;
	v13 =	vld [tilespmem:s16+$0x5410]  }
0x2dc: {  	s17 =	sshll.u32 s21, $0x7;
	v17 =	vsel vm1, v18, v17;
	v18 =	vld [tilespmem:s16+$0x5870]  }
0x2dd: {  	s17 =	sadd.s32 $0x0, s17;
	v8 =	vmax.f32 v8, v15;
	v20 =	vsel vm2, v47, v20;
	v63 =	vld [tilespmem:$0x1FDB0]  }
0x2de: {  	s22 =	sor.u32 $0x1C00, s17;
	vm2 =	vgt.f32 v16, v10;
	v10 =	vmax.f32 v10, v16;
	v16 =	vld [tilespmem:s16+$0x5420];
	vm1 =	vgt.f32 v9, v8  }
0x2df: {  	v17 =	vsel vm1, v19, v17;
	v19 =	vld [tilespmem:s22+$0x4000]  }
0x2e0: {  	v15 =	vld [tilespmem:s16+$0x4C10];
	v20 =	vsel vm2, v53, v20  }
0x2e1: {  	vm2 =	vgt.f32 v13, v10;
	v10 =	vmax.f32 v10, v13;
	v8 =	vmax.f32 v8, v9;
	v9 =	vld [tilespmem:s16+$0x4C20]  }
0x2e2: {  	v21 =	vsel vm3, v63, v21;
	vm3 =	vgt.f32 v18, v11;
	v11 =	vmax.f32 v11, v18;
	v18 =	vld [tilespmem:$0x1FD40]  }
0x2e3: {  	v5 =	vld [tilespmem:s16+$0x4450];
	v12 =	vsel vm0, v23, v12;
	vm6 =	vgt.f32 v16, v10  }
0x2e4: {  	v21 =	vsel vm3, v51, v21;
	vm3 =	vgt.f32 v19, v11;
	v11 =	vmax.f32 v11, v19;
	v19 =	vld [tilespmem:s16+$0x5430]  }
0x2e5: {  	v2 =	vld [tilespmem:s16+$0x5440];
	v10 =	vmax.f32 v10, v16;
	vm4 =	vgt.f32 v15, v8;
	v8 =	vmax.f32 v8, v15  }
0x2e6: {  	s23 =	sor.u32 $0x1C10, s17;
	vm1 =	vgt.f32 v7, v6;
	vm0 =	vgt.f32 v9, v8;
	v6 =	vmax.f32 v6, v7  }
0x2e7: {  	s24 =	sor.u32 $0x1C20, s17;
	v17 =	vsel vm4, v18, v17;
	v18 =	vld [tilespmem:s23+$0x4000];
	vm4 =	vgt.f32 v14, v6;
	v6 =	vmax.f32 v6, v14  }
0x2e8: {  	s25 =	sor.u32 $0x1C30, s17;
	v7 =	vld [tilespmem:s24+$0x4000];
	v8 =	vmax.f32 v8, v9;
	v51 =	vmovc v44;
	vm8 =	vgt.f32 v5, v6;
	v5 =	vmax.f32 v6, v5  }
0x2e9: {  	v9 =	vld [tilespmem:s25+$0x4000];
	v44 =	vmovc v22;
	v22 =	vmax.f32 v5, v1;
	vm10 =	vgt.f32 v19, v10;
	v10 =	vmax.f32 v10, v19  }
0x2ea: {  	vm11 =	vgt.f32 v1, v5;
	v5 =	vmax.f32 v10, v2;
	vm12 =	vgt.f32 v2, v10;
	v2 =	vld [tilespmem:$0x1FD50]  }
0x2eb: {  	v15 =	vld [tilespmem:s16+$0x4C30]  }
0x2ec: {  	v0 =	vld [tilespmem:s16+$0x4C40];
	s26 =	sor.u32 $0x1C40, s17;
	vm7 =	vgt.f32 v18, v11;
	v11 =	vmax.f32 v11, v18  }
0x2ed: {  	s28 =	sor.u32 $0x1C50, s17;
	v13 =	vld [tilespmem:s26+$0x4000];
	v16 =	vmax.f32 v11, v7  }
0x2ee: {  	v12 =	vsel vm1, v24, v12;
	v14 =	vld [tilespmem:s28+$0x4000];
	v18 =	vmax.f32 v16, v9  }
0x2ef: {  	vm1 =	vgt.f32 v9, v16;
	v16 =	vsel vm0, v2, v17;
	v17 =	vsel vm2, v54, v20;
	v20 =	vld [tilespmem:$0x1FDE0]  }
0x2f0: {  	vm5 =	vgt.f32 v15, v8;
	v8 =	vmax.f32 v8, v15  }
0x2f1: {  	vm9 =	vgt.f32 v0, v8  }
0x2f2: {  	v6 =	vmax.f32 v8, v0;
	v8 =	vmax.f32 v18, v13;
	vm0 =	vgt.f32 v13, v18;
	v13 =	vld [tilespmem:$0x1FE00]  }
0x2f3: {  	vm13 =	vgt.f32 v7, v11;
	v7 =	vmax.f32 v8, v14;
	vm2 =	vgt.f32 v14, v8;
	v14 =	vld [tilespmem:$0x1FF30]  }
0x2f4: {  	v17 =	vsel vm6, v20, v17;
	v20 =	vld [tilespmem:$0x1FE10];
	_ =	sdelay $0x2  }
0x2f5: {  	v12 =	vsel vm4, v25, v12;
	v18 =	vld [tilespmem:$0x1FD60]  }
0x2f6: {  	v13 =	vsel vm3, v13, v21;
	v12 =	vsel vm8, v14, v12;
	v14 =	vld [tilespmem:$0x1FFD0]  }
0x2f7: {  	v13 =	vsel vm7, v20, v13;
	v20 =	vld [tilespmem:$0x1FDD0];
	_ =	sdelay $0x2  }
0x2f8: {  	v16 =	vsel vm5, v18, v16  }
0x2f9: {  	v14 =	vsel vm9, v14, v16;
	v16 =	vld [tilespmem:$0x1FE20]  }
0x2fa: {  	v17 =	vsel vm10, v20, v17;
	v20 =	vld [tilespmem:$0x1FE30]  }
0x2fb: {  	s30 =	simm.s32 $0x80;
	v3 =	vld [tilespmem:s16+$0x4C50];
	s16 =	simm.s32 $0x400  }
0x2fc: {  	s29 =	sor.u32 $0x1C58, s17;
	s17 =	sand.u32 $0x380, s30;
	s31 =	sand.u32 $0x2000, s16  }
0x2fd: {  	v15 =	vld [tilespmem:s29+$0x4000];
	s17 =	sor.u32 s17, s31  }
0x2fe: {  	v0 =	vld [tilespmem:s17+$0x4460];
	v13 =	vsel vm13, v16, v13  }
0x2ff: {  	v13 =	vsel vm1, v20, v13;
	v20 =	vld [tilespmem:$0x1FE40]  }
0x300: {  	v1 =	vld [tilespmem:s17+$0x4C50]  }
0x301: {  	v63 =	vld [tilespmem:s17+$0x5440]  }
0x302: {  	vm14 =	vgt.f32 v3, v6;
	v11 =	vmax.f32 v6, v3;
	v3 =	vld [tilespmem:s17+$0x4450]  }
0x303: {  	v2 =	vld [tilespmem:s17+$0x4C40]  }
0x304: {  	v13 =	vsel vm0, v20, v13;
	v20 =	vld [tilespmem:$0x1FDF0]  }
0x305: {  	v8 =	vld [tilespmem:s17+$0x4010]  }
0x306: {  	v6 =	vmax.f32 v7, v15;
	vm1 =	vgt.f32 v15, v7;
	v15 =	vld [tilespmem:$0x1FF40]  }
0x307: {  	v18 =	vld [tilespmem:s17+$0x4000]  }
0x308: {  	v21 =	vld [tilespmem:$0x1FF00]  }
0x309: {  	v17 =	vsel vm12, v20, v17;
	v20 =	vld [tilespmem:$0x1FE50]  }
0x30a: {  	v16 =	vld [tilespmem:s17+$0x4470]  }
0x30b: {  	v12 =	vsel vm11, v15, v12;
	v15 =	vld [tilespmem:$0x1FFC0]  }
0x30c: {  	v7 =	vld [tilespmem:s17+$0x4800]  }
0x30d: {  	v10 =	vmax.f32 v22, v11;
	v19 =	vmax.f32 v5, v6;
	vm0 =	vgt.f32 v11, v22;
	v11 =	vld [tilespmem:s17+$0x4C70]  }
0x30e: {  	v9 =	vmax.f32 v10, v19;
	v13 =	vsel vm2, v20, v13;
	vm2 =	vgt.f32 v6, v5;
	v5 =	vld [tilespmem:$0x1FE80]  }
0x30f: {  	(xrf0) =	vmax.scan.msk.f32 $0xffff, v9;
	v22 =	vld [tilespmem:s17+$0x5840]  }
0x310: {  	v14 =	vsel vm14, v15, v14;
	v15 =	vld [tilespmem:s17+$0x4C60]  }
0x311: {  	v12 =	vsel vm0, v14, v12;
	vm0 =	vgt.f32 v19, v10;
	v10 =	vld [tilespmem:s17+$0x4020]  }
0x312: {  	v14 =	vld [tilespmem:s17+$0x5470]  }
0x313: {  	v19 =	vld [tilespmem:$0x1FEC0];
	v5 =	vsel vm1, v5, v13  }
0x314: {  	v6 =	vld [tilespmem:s17+$0x5450];
	v5 =	vsel vm2, v5, v17  }
0x315: {  	v20, _, _ =	vpop (xrf0);
	v5 =	vsel vm0, v5, v12;
	v12 =	vld [tilespmem:s17+$0x5000]  }
0x316: {  	v13 =	vbroadcast v20, $0xF;
	v20 =	vld [tilespmem:s17+$0x5460]  }
0x317: {  	vm1 =	vgt.f32 v7, v16;
	v7 =	vmax.f32 v16, v7;
	v16 =	vld [tilespmem:s17+$0x4030]  }
0x318: {  	vm2 =	vgt.f32 v11, v15;
	v17 =	vld [tilespmem:$0x1FF50];
	vm0 =	veq.f32 v9, v13  }
0x319: {  	v11 =	vmax.f32 v15, v11;
	v9 =	vld [tilespmem:s17+$0x4810];
	v19 =	vsel vm2, v19, v46;
	v5 =	vnsel vm0, $0x447A0000, v5  }
0x31a: {  	vm0 =	vgt.f32 v8, v18;
	v8 =	vmax.f32 v18, v8;
	v18 =	vld [tilespmem:s17+$0x4820];
	vm2 =	vgt.f32 v12, v11  }
0x31b: {  	v13 =	vmov s15;
	v19 =	vsel vm2, v21, v19;
	v21 =	vld [tilespmem:$0x1FEB0]  }
0x31c: {  	(xrf0) =	vmin.scan.msk.f32 $0xffff, v5;
	v5 =	vld [tilespmem:s17+$0x5430];
	v15 =	vsel vm0, v28, v27;
	vm0 =	vgt.f32 v10, v8;
	vm3 =	vgt.f32 v20, v6  }
0x31d: {  	v8 =	vmax.f32 v8, v10;
	v6 =	vmax.f32 v6, v20;
	v20 =	vld [tilespmem:s17+$0x5010];
	v10 =	vsel vm3, v57, v4  }
0x31e: {  	vm3 =	vgt.f32 v14, v6;
	v6 =	vmax.f32 v6, v14;
	v14 =	vld [tilespmem:s17+$0x4040];
	v4 =	vlaneseq.u32  }
0x31f: {  	vm4 =	veq.s32 v13, v4;
	v4 =	vld [tilespmem:$0x1FF70]  }
0x320: {  	v10 =	vsel vm3, v21, v10;
	v21 =	vld [tilespmem:$0x1FED0]  }
0x321: {  	v17 =	vsel vm1, v55, v17;
	vm1 =	vgt.f32 v9, v7;
	v7 =	vmax.f32 v7, v9;
	v9 =	vld [tilespmem:s17+$0x5800]  }
0x322: {  	v13 =	vsel vm0, v29, v15;
	v15 =	vld [tilespmem:s17+$0x4830]  }
0x323: {  	v11 =	vmax.f32 v11, v12;
	vm0 =	vgt.f32 v16, v8;
	v8 =	vmax.f32 v8, v16;
	v16 =	vld [tilespmem:s17+$0x5810]  }
0x324: {  	vm2 =	vgt.f32 v20, v11;
	v17 =	vsel vm1, v4, v17;
	v4 =	vld [tilespmem:$0x1FD00]  }
0x325: {  	v19 =	vsel vm2, v21, v19;
	v21 =	vld [tilespmem:$0x1FD70]  }
0x326: {  	v12, _, _ =	vpop (xrf0);
	v11 =	vmax.f32 v11, v20;
	v20 =	vld [tilespmem:s17+$0x4840]  }
0x327: {  	v12 =	vbroadcast v12, $0xF;
	vm3 =	vgt.f32 v9, v6;
	v6 =	vmax.f32 v6, v9;
	v9 =	vld [tilespmem:$0x1FF80]  }
0x328: {  	vm1 =	vgt.f32 v18, v7;
	v7 =	vmax.f32 v7, v18;
	v18 =	vld [tilespmem:s17+$0x4050]  }
0x329: {  	v4 =	vsel vm4, v12, v4;
	v12 =	vld [tilespmem:s17+$0x5020]  }
0x32a: {  	v10 =	vsel vm3, v21, v10;
	v21 =	vld [tilespmem:$0x1FF10]  }
0x32b: {  	v13 =	vsel vm0, v30, v13;
	vm0 =	vgt.f32 v14, v8;
	v8 =	vmax.f32 v8, v14;
	v14 =	vld [tilespmem:s17+$0x5820]  }
0x32c: {  	v9 =	vsel vm1, v9, v17;
	v17 =	vld [tilespmem:s17+$0x5030]  }
0x32d: {  	v13 =	vsel vm0, v31, v13;
	vm1 =	vgt.f32 v15, v7;
	v7 =	vmax.f32 v7, v15;
	v15 =	vld [tilespmem:s17+$0x4060]  }
0x32e: {  	vm0 =	vgt.f32 v18, v8;
	v8 =	vmax.f32 v8, v18;
	v18 =	vld [tilespmem:s17+$0x5830];
	vm2 =	vgt.f32 v12, v11  }
0x32f: {  	v19 =	vsel vm2, v21, v19;
	v21 =	vld [tilespmem:$0x1FD80]  }
0x330: {  	v11 =	vmax.f32 v11, v12;
	vm3 =	vgt.f32 v16, v6;
	v6 =	vmax.f32 v6, v16;
	v16 =	vld [tilespmem:$0x1FF90]  }
0x331: {  	vm2 =	vgt.f32 v17, v11;
	v11 =	vmax.f32 v11, v17;
	v17 =	vld [tilespmem:$0x1FEE0]  }
0x332: {  	v13 =	vsel vm0, v32, v13;
	vm0 =	vgt.f32 v15, v8;
	v8 =	vmax.f32 v8, v15;
	v15 =	vld [tilespmem:$0x1FD90]  }
0x333: {  	v12 =	vld [tilespmem:s17+$0x4850]  }
0x334: {  	v10 =	vsel vm3, v21, v10;
	vm3 =	vgt.f32 v14, v6;
	v6 =	vmax.f32 v6, v14;
	v14 =	vld [tilespmem:$0x1FFA0]  }
0x335: {  	v55 =	vmov v54;
	v54 =	vmov v53;
	v9 =	vsel vm1, v16, v9;
	v16 =	vld [tilespmem:s17+$0x5040]  }
0x336: {  	v53 =	vmovc v47;
	vm1 =	vgt.f32 v20, v7;
	v7 =	vmax.f32 v7, v20;
	v20 =	vld [tilespmem:s17+$0x4070];
	v17 =	vsel vm2, v17, v19  }
0x337: {  	v47 =	vmovc v25;
	v19 =	vsel vm3, v15, v10;
	vm3 =	vgt.f32 v18, v6;
	v25 =	vmax.f32 v6, v18;
	v6 =	vld [tilespmem:$0x1FFB0]  }
0x338: {  	v21 =	vld [tilespmem:s17+$0x4860]  }
0x339: {  	v9 =	vsel vm1, v14, v9;
	v14 =	vld [tilespmem:s17+$0x5050]  }
0x33a: {  	v57 =	vmovc v45;
	v45 =	vmov v23;
	v23 =	vmax.f32 v7, v12;
	vm1 =	vgt.f32 v12, v7;
	v12 =	vld [tilespmem:s17+$0x4870]  }
0x33b: {  	v7 =	vld [tilespmem:$0x1FDA0]  }
0x33c: {  	v9 =	vsel vm1, v6, v9;
	v6 =	vld [tilespmem:$0x1FF20]  }
0x33d: {  	v13 =	vsel vm0, v33, v13;
	vm2 =	vgt.f32 v16, v11;
	v10 =	vld [tilespmem:s17+$0x4400]  }
0x33e: {  	v46 =	vmovc v24;
	v24 =	vmax.f32 v11, v16;
	vm4 =	vgt.f32 v20, v8;
	v16 =	vld [tilespmem:s17+$0x5850];
	vm1 =	vgt.f32 v21, v23  }
0x33f: {  	v11 =	vld [tilespmem:s17+$0x4410];
	v18 =	vmax.f32 v23, v21;
	v9 =	vsel vm1, v51, v9;
	vm0 =	vgt.f32 v14, v24  }
0x340: {  	v15 =	vld [tilespmem:s17+$0x5060];
	v7 =	vsel vm3, v7, v19;
	v19 =	vmax.f32 v24, v14;
	vm1 =	vgt.f32 v12, v18  }
0x341: {  	v14 =	vld [tilespmem:s17+$0x5070];
	v6 =	vsel vm2, v6, v17;
	v17 =	vmax.f32 v8, v20;
	vm2 =	vgt.f32 v22, v25  }
0x342: {  	s18 =	simm.s32 $0x0;
	s19 =	simm.s32 $0x100;
	v8 =	vsel vm4, v34, v13;
	v13 =	vld [tilespmem:s17+$0x4C00];
	v20 =	vmax.f32 v25, v22;
	vm3 =	vgt.f32 v10, v17  }
.LBB2_5:
0x343: {  	v21 =	vld [tilespmem:$0x1FE60]  }
0x344: {  	v10 =	vmax.f32 v17, v10;
	v17 =	vld [tilespmem:s17+$0x4420]  }
0x345: {  	v12 =	vmax.f32 v18, v12;
	v18 =	vld [tilespmem:s17+$0x4C10]  }
0x346: {  	v6 =	vsel vm0, v50, v6;
	vm0 =	vgt.f32 v15, v19;
	v15 =	vmax.f32 v19, v15;
	v19 =	vld [tilespmem:s17+$0x5400]  }
0x347: {  	v8 =	vsel vm3, v26, v8;
	vm3 =	vgt.f32 v11, v10;
	v10 =	vmax.f32 v10, v11;
	v11 =	vld [tilespmem:s17+$0x4430]  }
0x348: {  	v7 =	vsel vm2, v21, v7;
	vm2 =	vgt.f32 v16, v20;
	v16 =	vmax.f32 v20, v16;
	v20 =	vld [tilespmem:$0x1FE70]  }
0x349: {  	v9 =	vsel vm1, v60, v9;
	vm1 =	vgt.f32 v13, v12;
	v12 =	vmax.f32 v12, v13;
	v21 =	vld [tilespmem:s17+$0x5860]  }
0x34a: {  	v13 =	vld [tilespmem:s17+$0x4C20];
	v6 =	vsel vm0, v57, v6;
	vm0 =	vgt.f32 v14, v15;
	v8 =	vsel vm3, v44, v8  }
0x34b: {  	s15 =	sadd.s32 $0x1, s15;
	v14 =	vmax.f32 v15, v14;
	vm3 =	vgt.f32 v17, v10;
	v10 =	vmax.f32 v10, v17;
	v17 =	vld [tilespmem:s17+$0x4440]  }
0x34c: {  	s20 =	sand.u32 $0x7, s15;
	v9 =	vsel vm1, v59, v9;
	vm1 =	vgt.f32 v18, v12;
	v12 =	vmax.f32 v12, v18;
	v18 =	vld [tilespmem:s17+$0x4C30]  }
0x34d: {  	s20 =	sshll.u32 s20, $0x7;
	v6 =	vsel vm0, v53, v6;
	v8 =	vsel vm3, v45, v8;
	v7 =	vsel vm2, v20, v7;
	v20 =	vld [tilespmem:s17+$0x5870]  }
0x34e: {  	s20 =	sadd.s32 s20, s16;
	v9 =	vsel vm1, v61, v9;
	vm2 =	vgt.f32 v21, v16;
	v15 =	vmax.f32 v16, v21;
	v21 =	vld [tilespmem:$0x1FDB0]  }
0x34f: {  	s24 =	sor.u32 $0x1C20, s20;
	vm0 =	vgt.f32 v19, v14;
	v14 =	vmax.f32 v14, v19;
	vm3 =	vgt.f32 v11, v10;
	v19 =	vld [tilespmem:s17+$0x5420]  }
0x350: {  	vm1 =	vgt.f32 v13, v12;
	v10 =	vmax.f32 v10, v11;
	v11 =	vmax.f32 v12, v13;
	v12 =	vld [tilespmem:s24+$0x4000]  }
0x351: {  	s29 =	sor.u32 $0x1C58, s20;
	v16 =	vld [tilespmem:s17+$0x5410]  }
0x352: {  	v8 =	vsel vm3, v46, v8;
	vm3 =	vgt.f32 v17, v10;
	v10 =	vmax.f32 v10, v17;
	v17 =	vld [tilespmem:s29+$0x4000]  }
0x353: {  	s16 =	sadd.s32 $0x400, s16;
	s21 =	sor.u32 $0x1C00, s20;
	v7 =	vsel vm2, v21, v7;
	vm2 =	vgt.f32 v20, v15;
	v15 =	vmax.f32 v15, v20;
	v20 =	vld [tilespmem:$0x1FDC0]  }
0x354: {  	s31 =	sand.u32 $0x380, s19;
	s30 =	sand.u32 $0x2000, s16;
	v9 =	vsel vm1, v48, v9;
	vm1 =	vgt.f32 v18, v11;
	v11 =	vmax.f32 v11, v18;
	v21 =	vld [tilespmem:s21+$0x4000]  }
0x355: {  	s17 =	sor.u32 s31, s30;
	v22 =	vmax.f32 v11, v2;
	v9 =	vsel vm1, v49, v9;
	vm1 =	vgt.f32 v2, v11;
	v11 =	vld [tilespmem:$0x1FDE0]  }
0x356: {  	v24 =	vld [tilespmem:s17+$0x4C50]  }
0x357: {  	s23 =	sor.u32 $0x1C10, s20;
	v6 =	vsel vm0, v54, v6;
	v28 =	vld [tilespmem:s17+$0x5440];
	vm0 =	vgt.f32 v16, v14;
	v13 =	vmax.f32 v14, v16  }
0x358: {  	v6 =	vsel vm0, v55, v6;
	vm0 =	vgt.f32 v19, v13;
	v7 =	vsel vm2, v20, v7;
	v20 =	vld [tilespmem:s23+$0x4000]  }
0x359: {  	v13 =	vmax.f32 v13, v19;
	vm2 =	vgt.f32 v21, v15;
	v14 =	vmax.f32 v15, v21;
	v21 =	vld [tilespmem:$0x1FE00]  }
0x35a: {  	v26 =	vmax.f32 v13, v5;
	v6 =	vsel vm0, v11, v6;
	vm0 =	vgt.f32 v5, v13;
	v5 =	vld [tilespmem:$0x1FE10]  }
0x35b: {  	v8 =	vsel vm3, v47, v8;
	vm3 =	vgt.f32 v3, v10;
	v10 =	vmax.f32 v10, v3;
	v3 =	vld [tilespmem:s17+$0x4450]  }
0x35c: {  	v2 =	vld [tilespmem:s17+$0x4C40]  }
0x35d: {  	s26 =	sor.u32 $0x1C40, s20;
	v34 =	vld [tilespmem:s17+$0x4000]  }
0x35e: {  	v16 =	vld [tilespmem:s26+$0x4000];
	v7 =	vsel vm2, v21, v7;
	vm2 =	vgt.f32 v20, v14;
	v14 =	vmax.f32 v14, v20  }
0x35f: {  	v18 =	vmax.f32 v14, v12;
	v5 =	vsel vm2, v5, v7;
	vm2 =	vgt.f32 v12, v14;
	v12 =	vld [tilespmem:$0x1FF30]  }
0x360: {  	s25 =	sor.u32 $0x1C30, s20;
	v13 =	vld [tilespmem:$0x1FF40]  }
0x361: {  	s28 =	sor.u32 $0x1C50, s20;
	v15 =	vld [tilespmem:s25+$0x4000]  }
0x362: {  	v21 =	vld [tilespmem:s28+$0x4000]  }
0x363: {  	v20 =	vld [tilespmem:s17+$0x4460]  }
0x364: {  	v25 =	vmax.f32 v10, v0;
	v8 =	vsel vm3, v12, v8;
	vm3 =	vgt.f32 v0, v10;
	v0 =	vld [tilespmem:$0x1FFD0]  }
0x365: {  	v8 =	vsel vm3, v13, v8;
	v13 =	vld [tilespmem:$0x1FE20]  }
0x366: {  	v7 =	vld [tilespmem:s17+$0x4010]  }
0x367: {  	v14 =	vld [tilespmem:$0x1FFC0]  }
0x368: {  	v10 =	vld [tilespmem:s17+$0x4470]  }
0x369: {  	v29 =	vmax.f32 v22, v1;
	v9 =	vsel vm1, v0, v9;
	vm1 =	vgt.f32 v1, v22;
	v1 =	vld [tilespmem:$0x1FDD0]  }
0x36a: {  	v19 =	vmax.f32 v18, v15;
	v5 =	vsel vm2, v13, v5;
	vm2 =	vgt.f32 v15, v18;
	v15 =	vld [tilespmem:$0x1FDF0]  }
0x36b: {  	v12 =	vld [tilespmem:s17+$0x4800]  }
0x36c: {  	v0 =	vmov v20;
	v20 =	vld [tilespmem:$0x1FEA0]  }
0x36d: {  	v23 =	vmax.f32 v19, v16;
	v9 =	vsel vm1, v14, v9;
	v14 =	vld [tilespmem:$0x1FE30]  }
0x36e: {  	v27 =	vmax.f32 v23, v21;
	v22 =	vld [tilespmem:$0x1FEB0];
	v6 =	vsel vm0, v1, v6;
	vm0 =	vgt.f32 v63, v26  }
0x36f: {  	v30 =	vmax.f32 v26, v63;
	v31 =	vmax.f32 v27, v17;
	v6 =	vsel vm0, v15, v6;
	v15 =	vld [tilespmem:$0x1FE40]  }
0x370: {  	v32 =	vmax.f32 v25, v29;
	v33 =	vmax.f32 v30, v31;
	vm1 =	vgt.f32 v16, v19;
	v16 =	vld [tilespmem:$0x1FE50]  }
0x371: {  	v11 =	vmax.f32 v32, v33;
	v13 =	vld [tilespmem:s17+$0x4C60]  }
0x372: {  	(xrf0) =	vmax.scan.msk.f32 $0xffff, v11;
	v5 =	vsel vm2, v14, v5;
	v14 =	vld [tilespmem:s17+$0x4C70]  }
0x373: {  	v18 =	vld [tilespmem:$0x1FE80]  }
0x374: {  	vm0 =	vgt.f32 v21, v23;
	v5 =	vsel vm1, v15, v5;
	v15 =	vld [tilespmem:s17+$0x5450]  }
0x375: {  	v5 =	vsel vm0, v16, v5;
	vm0 =	vgt.f32 v17, v27;
	v17 =	vld [tilespmem:s17+$0x5460]  }
0x376: {  	v19 =	vld [tilespmem:$0x1FEF0];
	vm2 =	vgt.f32 v12, v10  }
0x377: {  	v1 =	vmovc v24;
	v24 =	vld [tilespmem:s17+$0x5840];
	v10 =	vmax.f32 v10, v12;
	vm1 =	vgt.f32 v29, v25;
	vm3 =	vgt.f32 v14, v13  }
0x378: {  	v21 =	vld [tilespmem:s17+$0x4040];
	v12 =	vmax.f32 v13, v14;
	v16, _, _ =	vpop (xrf0);
	v5 =	vsel vm0, v18, v5;
	vm0 =	vgt.f32 v31, v30  }
0x379: {  	v8 =	vsel vm1, v9, v8;
	v16 =	vbroadcast v16, $0xF;
	v18 =	vld [tilespmem:s17+$0x4020];
	v5 =	vsel vm0, v5, v6  }
0x37a: {  	vm0 =	vgt.f32 v33, v32;
	vm4 =	vgt.f32 v17, v15;
	v13 =	vmax.f32 v15, v17;
	v17 =	vld [tilespmem:$0x1FEC0]  }
0x37b: {  	s18 =	sadd.s32 $0x1, s18;
	v5 =	vsel vm0, v5, v8;
	v8 =	vld [tilespmem:s17+$0x5000]  }
0x37c: {  	v9 =	vmov s18;
	v6 =	vld [tilespmem:s17+$0x4810];
	vm0 =	veq.f32 v11, v16;
	v16 =	vlaneseq.u32  }
0x37d: {  	v5 =	vnsel vm0, $0x447A0000, v5;
	vm0 =	veq.s32 v9, v16;
	v16 =	vld [tilespmem:$0x1FF60]  }
0x37e: {  	vm1 =	vgt.f32 v7, v34;
	v7 =	vmax.f32 v34, v7;
	v15 =	vld [tilespmem:$0x1FF50]  }
0x37f: {  	v14 =	vsel vm1, v36, v35;
	v11 =	vld [tilespmem:s17+$0x5470];
	vm1 =	vgt.f32 v18, v7;
	v17 =	vsel vm3, v17, v19  }
0x380: {  	vm3 =	vgt.f32 v8, v12;
	v8 =	vmax.f32 v12, v8;
	v12 =	vsel vm1, v37, v14;
	v14 =	vld [tilespmem:$0x1FF70]  }
0x381: {  	v9 =	vld [tilespmem:s17+$0x4030]  }
0x382: {  	(xrf0) =	vmin.scan.msk.f32 $0xffff, v5;
	v7 =	vmax.f32 v7, v18;
	v18 =	vld [tilespmem:$0x1FE90]  }
0x383: {  	v15 =	vsel vm2, v16, v15;
	v16 =	vld [tilespmem:s17+$0x4820]  }
0x384: {  	vm2 =	vgt.f32 v6, v10;
	v19 =	vld [tilespmem:s17+$0x5010]  }
0x385: {  	v14 =	vsel vm2, v14, v15;
	v15 =	vld [tilespmem:$0x1FF00]  }
0x386: {  	v5 =	vld [tilespmem:s17+$0x5430]  }
0x387: {  	v6 =	vmax.f32 v10, v6;
	vm1 =	vgt.f32 v9, v7;
	v7 =	vmax.f32 v7, v9;
	v9 =	vld [tilespmem:s17+$0x4050]  }
0x388: {  	v10 =	vmax.f32 v13, v11;
	v18 =	vsel vm4, v18, v20;
	vm4 =	vgt.f32 v11, v13;
	v20 =	vld [tilespmem:s17+$0x5800];
	v11, _, _ =	vpop (xrf0)  }
0x389: {  	v11 =	vbroadcast v11, $0xF;
	vm2 =	vgt.f32 v16, v6;
	v6 =	vmax.f32 v6, v16;
	v16 =	vld [tilespmem:$0x1FF80]  }
0x38a: {  	v15 =	vsel vm3, v15, v17;
	vm3 =	vgt.f32 v19, v8;
	v8 =	vmax.f32 v8, v19;
	v19 =	vld [tilespmem:$0x1FED0]  }
0x38b: {  	v18 =	vsel vm4, v22, v18;
	v22 =	vld [tilespmem:s17+$0x5810];
	v4 =	vsel vm0, v11, v4  }
0x38c: {  	v11 =	vsel vm1, v38, v12;
	vm1 =	vgt.f32 v21, v7;
	v7 =	vmax.f32 v7, v21;
	v21 =	vld [tilespmem:$0x1FF10]  }
0x38d: {  	v17 =	vld [tilespmem:s17+$0x5020]  }
0x38e: {  	v14 =	vsel vm2, v16, v14;
	v16 =	vld [tilespmem:s17+$0x5030]  }
0x38f: {  	v11 =	vsel vm1, v39, v11;
	v15 =	vsel vm3, v19, v15;
	v19 =	vld [tilespmem:s17+$0x5820]  }
0x390: {  	v13 =	vld [tilespmem:s17+$0x4830];
	vm1 =	vgt.f32 v9, v7;
	vm0 =	vgt.f32 v20, v10;
	v10 =	vmax.f32 v10, v20  }
0x391: {  	v12 =	vld [tilespmem:s17+$0x4840];
	v7 =	vmax.f32 v7, v9;
	v18 =	vsel vm0, v62, v18;
	vm0 =	vgt.f32 v22, v10  }
0x392: {  	v9 =	vld [tilespmem:s17+$0x4070];
	v10 =	vmax.f32 v10, v22;
	vm3 =	vgt.f32 v17, v8;
	v8 =	vmax.f32 v8, v17  }
0x393: {  	v18 =	vsel vm0, v56, v18;
	v17 =	vld [tilespmem:$0x1FF90];
	v15 =	vsel vm3, v21, v15;
	vm3 =	vgt.f32 v16, v8  }
0x394: {  	v8 =	vmax.f32 v8, v16;
	vm0 =	vgt.f32 v19, v10;
	v16 =	vmax.f32 v10, v19;
	v10 =	vld [tilespmem:$0x1FFA0]  }
0x395: {  	vm2 =	vgt.f32 v13, v6;
	v6 =	vmax.f32 v6, v13;
	v13 =	vld [tilespmem:s17+$0x4850]  }
0x396: {  	v20 =	vld [tilespmem:s17+$0x4060]  }
0x397: {  	v22 =	vld [tilespmem:s17+$0x4860]  }
0x398: {  	v21 =	vld [tilespmem:s17+$0x5830];
	v14 =	vsel vm2, v17, v14;
	vm2 =	vgt.f32 v12, v6  }
0x399: {  	v6 =	vmax.f32 v6, v12;
	v14 =	vsel vm2, v10, v14;
	v10 =	vld [tilespmem:$0x1FEE0]  }
0x39a: {  	vm2 =	vgt.f32 v13, v6;
	v13 =	vmax.f32 v6, v13;
	v6 =	vld [tilespmem:$0x1FFB0]  }
0x39b: {  	v17 =	vld [tilespmem:s17+$0x5040]  }
0x39c: {  	v11 =	vsel vm1, v40, v11;
	vm1 =	vgt.f32 v20, v7;
	v19 =	vld [tilespmem:s17+$0x5050]  }
0x39d: {  	v20 =	vmax.f32 v7, v20;
	v25 =	vsel vm1, v41, v11;
	v12 =	vld [tilespmem:s17+$0x4870]  }
0x39e: {  	vm1 =	vgt.f32 v9, v20;
	v18 =	vsel vm0, v52, v18;
	v23 =	vsel vm3, v10, v15;
	v10 =	vld [tilespmem:s17+$0x4400]  }
0x39f: {  	p1 =	sne.s32 s19, $0x780;
	vm4 =	vgt.f32 v21, v16;
	v21 =	vmax.f32 v16, v21;
	v14 =	vsel vm2, v6, v14;
	v6 =	vld [tilespmem:$0x1FF20]  }
.Ltmp1:
0x3a0: {  	v11 =	vld [tilespmem:s17+$0x4410];
	v7 =	vsel vm4, v58, v18;
	v26 =	vmax.f32 v8, v17;
	vm5 =	vgt.f32 v22, v13;
	(pc) =	sbr.rel @p1 .LBB2_5-.Ltmp1, $4  }
0x3a1: {  	v16 =	vld [tilespmem:s17+$0x5850];
	vm0 =	vgt.f32 v19, v26;
	v18 =	vmax.f32 v13, v22;
	v19 =	vmax.f32 v26, v19  }
0x3a2: {  	v13 =	vld [tilespmem:s17+$0x4C00];
	vm3 =	vgt.f32 v17, v8;
	v17 =	vmax.f32 v20, v9;
	vm2 =	vgt.f32 v24, v21  }
0x3a3: {  	v63 =	vmovc v28;
	v15 =	vld [tilespmem:s17+$0x5060];
	v8 =	vsel vm1, v42, v25;
	v20 =	vmax.f32 v21, v24;
	vm1 =	vgt.f32 v12, v18  }
0x3a4: {  	s19 =	sadd.s32 $0x80, s19;
	v26 =	vmovc v43;
	v9 =	vsel vm5, v51, v14;
	v14 =	vld [tilespmem:s17+$0x5070];
	v6 =	vsel vm3, v6, v23;
	vm3 =	vgt.f32 v10, v17  }
0x3a5: {  	v21 =	vld [tilespmem:s17+$0x5860]  }
0x3a6: {  	v22 =	vld [tilespmem:s17+$0x4420]  }
0x3a7: {  	v23 =	vld [tilespmem:s17+$0x4C10]  }
0x3a8: {  	v10 =	vmax.f32 v17, v10;
	v17 =	vld [tilespmem:s17+$0x5400]  }
0x3a9: {  	v12 =	vmax.f32 v18, v12;
	v18 =	vld [tilespmem:s17+$0x5870];
	v6 =	vsel vm0, v50, v6;
	v8 =	vsel vm3, v26, v8  }
0x3aa: {  	s15 =	sadd.s32 $0x1, s15;
	v52 =	vld [tilespmem:s17+$0x4430];
	v9 =	vsel vm1, v60, v9;
	vm13 =	vgt.f32 v16, v20;
	v16 =	vmax.f32 v20, v16  }
0x3ab: {  	v56 =	vld [tilespmem:s17+$0x4440];
	vm11 =	vgt.f32 v11, v10;
	s15 =	sand.u32 $0x7, s15;
	v10 =	vmax.f32 v10, v11;
	vm5 =	vgt.f32 v13, v12  }
0x3ac: {  	v12 =	vmax.f32 v12, v13;
	s15 =	sshll.u32 s15, $0x7;
	vm8 =	vgt.f32 v15, v19;
	v15 =	vmax.f32 v19, v15;
	v19 =	vld [tilespmem:$0x1FE60]  }
0x3ad: {  	v8 =	vsel vm11, v44, v8;
	s15 =	sadd.s32 s15, s16;
	vm6 =	vgt.f32 v14, v15;
	v13 =	vmax.f32 v15, v14;
	v14 =	vld [tilespmem:s17+$0x4C20]  }
0x3ae: {  	v9 =	vsel vm5, v59, v9;
	s16 =	sor.u32 $0x1C00, s15;
	vm7 =	vgt.f32 v21, v16;
	v15 =	vmax.f32 v16, v21;
	v16 =	vld [tilespmem:s17+$0x5410]  }
0x3af: {  	v6 =	vsel vm8, v57, v6;
	vm14 =	vgt.f32 v17, v13;
	v13 =	vmax.f32 v13, v17;
	v17 =	vld [tilespmem:s16+$0x4000]  }
0x3b0: {  	v20 =	vld [tilespmem:$0x1FE70];
	vm9 =	vgt.f32 v22, v10;
	v10 =	vmax.f32 v10, v22;
	vm12 =	vgt.f32 v23, v12  }
0x3b1: {  	s25 =	sor.u32 $0x1C10, s15;
	v12 =	vmax.f32 v12, v23;
	vm10 =	vgt.f32 v18, v15;
	v15 =	vmax.f32 v15, v18;
	v18 =	vld [tilespmem:$0x1FDB0]  }
0x3b2: {  	v6 =	vsel vm6, v53, v6;
	vm0 =	vgt.f32 v14, v12;
	v12 =	vmax.f32 v12, v14;
	v14 =	vld [tilespmem:s25+$0x4000]  }
0x3b3: {  	v7 =	vsel vm2, v19, v7;
	vm2 =	vgt.f32 v16, v13;
	v13 =	vmax.f32 v13, v16;
	v16 =	vld [tilespmem:s17+$0x4C30]  }
0x3b4: {  	s26 =	sor.u32 $0x1C20, s15;
	vm4 =	vgt.f32 v52, v10;
	vm1 =	vgt.f32 v17, v15;
	v15 =	vmax.f32 v15, v17;
	v17 =	vld [tilespmem:s17+$0x5420]  }
0x3b5: {  	v58 =	vld [tilespmem:s26+$0x4000];
	v10 =	vmax.f32 v10, v52;
	v8 =	vsel vm9, v45, v8;
	v7 =	vsel vm13, v20, v7  }
0x3b6: {  	s28 =	sor.u32 $0x1C30, s15;
	v9 =	vsel vm12, v61, v9;
	vm3 =	vgt.f32 v56, v10;
	v7 =	vsel vm7, v18, v7;
	v18 =	vld [tilespmem:$0x1FDC0]  }
0x3b7: {  	s29 =	sor.u32 $0x1C40, s15;
	v10 =	vmax.f32 v10, v56;
	vm5 =	vgt.f32 v14, v15;
	v14 =	vmax.f32 v15, v14;
	v15 =	vld [tilespmem:s28+$0x4000]  }
0x3b8: {  	s30 =	sor.u32 $0x1C50, s15;
	vm9 =	vgt.f32 v3, v10;
	vm6 =	vgt.f32 v16, v12;
	v12 =	vmax.f32 v12, v16;
	v16 =	vld [tilespmem:s29+$0x4000]  }
0x3b9: {  	v3 =	vmax.f32 v10, v3;
	vm7 =	vgt.f32 v17, v13;
	v13 =	vmax.f32 v13, v17;
	v17 =	vld [tilespmem:s30+$0x4000]  }
0x3ba: {  	vm12 =	vgt.f32 v0, v3;
	v9 =	vsel vm0, v48, v9  }
0x3bb: {  	v32 =	vmovc v40;
	vm8 =	vgt.f32 v58, v14;
	v11 =	vmax.f32 v14, v58;
	v7 =	vsel vm10, v18, v7  }
0x3bc: {  	v40 =	vmovc v50;
	v50 =	vld [tilespmem:$0x1FF30];
	s15 =	sor.u32 $0x1C58, s15;
	vm10 =	vgt.f32 v2, v12;
	v2 =	vmax.f32 v12, v2;
	v61 =	vmax.f32 v11, v15  }
0x3bd: {  	v14 =	vld [tilespmem:s15+$0x4000];
	vm11 =	vgt.f32 v5, v13;
	v62 =	vmax.f32 v13, v5;
	v12 =	vmax.f32 v61, v16  }
0x3be: {  	v13 =	vmax.f32 v3, v0;
	v0 =	vmax.f32 v12, v17;
	vm0 =	vgt.f32 v17, v12;
	v12 =	vld [tilespmem:$0x1FE00]  }
0x3bf: {  	v33 =	vmov v41;
	v41 =	vld [tilespmem:$0x1FF40]  }
0x3c0: {  	v6 =	vsel vm14, v54, v6;
	v52 =	vld [tilespmem:$0x1FFD0]  }
0x3c1: {  	v56 =	vld [tilespmem:$0x1FDD0];
	v6 =	vsel vm2, v55, v6;
	v3 =	vmax.f32 v2, v1  }
0x3c2: {  	v58 =	vld [tilespmem:$0x1FFC0];
	vm13 =	vgt.f32 v1, v2;
	v5 =	vmax.f32 v13, v3;
	v2 =	vmax.f32 v0, v14  }
0x3c3: {  	vm2 =	vgt.f32 v14, v0;
	v0 =	vsel vm1, v12, v7;
	vm1 =	vgt.f32 v3, v13;
	v13 =	vld [tilespmem:$0x1FE10]  }
0x3c4: {  	v1 =	vmax.f32 v62, v63;
	vm14 =	vgt.f32 v63, v62;
	v63 =	vld [tilespmem:$0x1FDF0]  }
0x3c5: {  	vm15 =	vgt.f32 v15, v11;
	v15 =	vld [tilespmem:$0x1FE30]  }
0x3c6: {  	v14 =	vld [tilespmem:$0x1FE20];
	v18 =	vmax.f32 v1, v2  }
0x3c7: {  	v27 =	vmovc v35;
	v8 =	vsel vm4, v46, v8;
	vm4 =	vgt.f32 v16, v61;
	v16 =	vld [tilespmem:$0x1FE40];
	v35 =	vmax.f32 v5, v18  }
0x3c8: {  	(xrf0) =	vmax.scan.msk.f32 $0xffff, v35;
	v0 =	vsel vm5, v13, v0;
	vm5 =	vgt.f32 v2, v1;
	v2 =	vsel vm6, v49, v9;
	v49 =	vld [tilespmem:$0x1FDE0]  }
0x3c9: {  	v17 =	vld [tilespmem:$0x1FE50]  }
0x3ca: {  	v62 =	vld [tilespmem:$0x1FE80]  }
0x3cb: {  	v1 =	vsel vm3, v47, v8;
	v0 =	vsel vm8, v14, v0  }
0x3cc: {  	v1 =	vsel vm9, v50, v1;
	v2 =	vsel vm10, v52, v2;
	v0 =	vsel vm15, v15, v0  }
0x3cd: {  	v60 =	vmovc v59;
	v1 =	vsel vm12, v41, v1;
	v0 =	vsel vm4, v16, v0;
	v3 =	vsel vm7, v49, v6  }
0x3ce: {  	v59, _, _ =	vpop (xrf0);
	v2 =	vsel vm13, v58, v2;
	v0 =	vsel vm0, v17, v0;
	v3 =	vsel vm11, v56, v3  }
0x3cf: {  	v0 =	vsel vm2, v62, v0;
	v6 =	vbroadcast v59, $0xF;
	v3 =	vsel vm14, v63, v3  }
0x3d0: {  	v30 =	vmovc v38;
	v38 =	vld [tilespmem:$0x1FF70];
	vm13 =	vgt.f32 v18, v5;
	v1 =	vsel vm1, v2, v1;
	v0 =	vsel vm5, v0, v3  }
0x3d1: {  	v43 =	vld [tilespmem:$0x1FF80];
	vm14 =	veq.f32 v35, v6;
	v0 =	vsel vm13, v0, v1  }
0x3d2: {  	v34 =	vmov v42;
	v42 =	vld [tilespmem:$0x1FFA0];
	v0 =	vnsel vm14, $0x447A0000, v0  }
0x3d3: {  	v29 =	vmov v37;
	v37 =	vld [tilespmem:$0x1FEE0];
	(xrf0) =	vmin.scan.msk.f32 $0xffff, v0  }
0x3d4: {  	v21 =	vld [tilespmem:$0x1FFB0]  }
0x3d5: {  	v22 =	vmov v44;
	v44 =	vmov v51;
	v51 =	vld [tilespmem:$0x1FEC0]  }
0x3d6: {  	v23 =	vmov v45;
	v45 =	vmov v57;
	v57 =	vld [tilespmem:$0x1FEB0]  }
0x3d7: {  	v24 =	vmov v46;
	v46 =	vld [tilespmem:$0x1FF10]  }
0x3d8: {  	v25 =	vmov v47;
	v61 =	vld [tilespmem:$0x1FF90]  }
0x3d9: {  	s31 =	sadd.s32 $0x1, s18;
	v47 =	vmov v53;
	v53 =	vmov v54;
	v54 =	vmov v55;
	v55 =	vld [tilespmem:$0x1FEA0];
	v0, _, _ =	vpop (xrf0)  }
0x3da: {  	s13 =	sadd.s32 $0x1, s13;
	v52 =	vld [tilespmem:$0x1FF50];
	v2 =	vlaneseq.u32;
	v1 =	vmov s31;
	v0 =	vbroadcast v0, $0xF  }
0x3db: {  	p1 =	sne.s32 s13, $0x19;
	v50 =	vld [tilespmem:$0x1FF60];
	vm15 =	veq.s32 v1, v2  }
.Ltmp2:
0x3dc: {  	v58 =	vld [tilespmem:$0x1FED0];
	v1 =	vsel vm15, v0, v4;
	(pc) =	sbr.rel @p1 .LBB2_2-.Ltmp2, $4  }
0x3dd: {  	v49 =	vld [tilespmem:$0x1FF20];
	v0 =	vtrunc.f32 v1  }
0x3de: {  	v59 =	vld [tilespmem:$0x1FE90];
	v0 =	vcvt.f32.s32 v0  }
0x3df: {  	v56 =	vld [tilespmem:$0x1FF00]  }
0x3e0: {  	v28 =	vmov v36;
	v31 =	vmov v39;
	v63 =	vld [tilespmem:$0x1FEF0];
	[tilespmem:s14+$0x8000] =	vst v0  }
0x3e1: {  	s13 =	simm.s32 $0x40;
	s14 =	simm.s32 $0x0;
	v0 =	vimm.s32 $0x1  }
.LBB2_8:
0x3e2: {  	p1 =	sne.s32 s13, $0xC40;
	[tilespmem:s14+$0x8380] =	vst v0;
	s14 =	smov.u32 s13;
	s13 =	sadd.s32 $0x40, s13  }
.Ltmp3:
0x3e3: {  	(pc) =	sbr.rel @p1 .LBB2_8-.Ltmp3, $2  }
0x3e4: {  	_ =	sdelay $0x2  }
0x3e5: {  	s14 =	sshra.s32 s14, $0x2  }
0x3e6: {  	[tilespmem:s14+$0x8380] =	vst v0;
	s13 =	simm.s32 $0x40;
	s14 =	simm.s32 $0x0;
	v0 =	vimm.s32 $0x0  }
.LBB2_10:
0x3e7: {  	p1 =	sne.s32 s13, $0xFC0;
	[tilespmem:s14+$0x8700] =	vst v0;
	s14 =	smov.u32 s13;
	s13 =	sadd.s32 $0x40, s13  }
.Ltmp4:
0x3e8: {  	(pc) =	sbr.rel @p1 .LBB2_10-.Ltmp4, $2  }
0x3e9: {  	_ =	sdelay $0x2  }
0x3ea: {  	s14 =	sshra.s32 s14, $0x2  }
0x3eb: {  	[tilespmem:s14+$0x8700] =	vst v0;
	s13 =	simm.s32 @p0 $0x320  }
0x3ec: {  	s14 =	simm.s32 @p0 $0x8000;
	s15 =	simm.s32 @p0 $0x8380;
	[bflag:$0x0] =	sbarrier.arrive @p0 $0xFFFF  }
0x3ed: {  	[spmem:s0] =	stream.indirect.scatter.add.s32 @p0 [tilespmem:s15], [sflag:$0x3], $0x1, s14, s13, $0xb8;
	[tilespmem:$0x8B40] =	vst v63  }
0x3ee: {  	s13 =	simm.s32 @p0 $0x3  }
0x3ef: {  	_ =	swait.ge @p0 [sflag:s13], $0x320  }
0x3f0: {  	[sflag:s13] =	ssyncset.done @p0 $0x0  }
0x3f1: {  	[sflag:s13] =	ssyncadd.s32 @p0 $0xFFFFFCE0  }
0x3f2: {  	s14 =	simm.s32 @!p0 $0x3;
	s13 =	simm.s32 @!p0 $0x8700;
	[bflag:$0x0] =	sbarrier.arrive @p0 $0xFFFF  }
0x3f3: {  	[spmem:s0] =	stream.linear.scatter @!p0 [tilespmem:s13], [sflag:$0x3], $0x400, $0x38;
	[tilespmem:$0x8B40] =	vst v63  }
0x3f4: {  	_ =	swait.ge @!p0 [sflag:s14], $0x400  }
0x3f5: {  	[sflag:s14] =	ssyncset.done @!p0 $0x0  }
0x3f6: {  	s16 =	simm.s32 @!p0 $0x8000;
	[sflag:s14] =	ssyncadd.s32 @!p0 $0xFFFFFC00  }
0x3f7: {  	s17 =	simm.s32 @!p0 $0x8380;
	s15 =	simm.s32 @!p0 $0x320;
	[bflag:$0x0] =	sbarrier.arrive @!p0 $0xFFFF  }
0x3f8: {  	[spmem:s0] =	stream.indirect.scatter.add.s32 @!p0 [tilespmem:s17], [sflag:$0x3], $0x1, s16, s15, $0xb8;
	[tilespmem:$0x8B40] =	vst v63  }
0x3f9: {  	_ =	swait.ge @!p0 [sflag:s14], $0x320  }
0x3fa: {  	[sflag:s14] =	ssyncset.done @!p0 $0x0  }
0x3fb: {  	[sflag:s14] =	ssyncadd.s32 @!p0 $0xFFFFFCE0  }
0x3fc: {  	[bflag:$0x0] =	sbarrier.arrive @!p0 $0xFFFF  }
0x3fd: {  	[tilespmem:s13], [sflag:$0x3] =	stream.linear.gather @!p0 [spmem:s0], $0x400, $0x38;
	[tilespmem:$0x8B40] =	vst v63  }
0x3fe: {  	s12 =	sadd.s32 $0x1, s12;
	_ =	swait.ge @!p0 [sflag:s14], $0x400  }
0x3ff: {  	p1 =	sne.s32 s12, s8;
	s15 =	simm.s32 @!p0 $0x80;
	[sflag:s14] =	ssyncset.done @!p0 $0x0  }
.Ltmp5:
0x400: {  	s16 =	simm.s32 @!p0 $0x100;
	[sflag:s14] =	ssyncadd.s32 @!p0 $0xFFFFFC00;
	(pc) =	sbr.rel @p1 .LBB2_1-.Ltmp5, $4  }
0x401: {  	[hbm4b:s7+s15] =	stream.strided.scatter @!p0 [tilespmem:s13], [sflag:$0x3], $0x400, s16, s15, $0x38;
	[tilespmem:$0x8B40] =	vst v63  }
0x402: {  	_ =	swait.ge @!p0 [sflag:s14], $0x400  }
0x403: {  	[sflag:s14] =	ssyncset.done @!p0 $0x0  }
0x404: {  	[sflag:s14] =	ssyncadd.s32 @!p0 $0xFFFFFC00  }
0x405: {  	_ =	sfence.sel $0x180000  }
0x406: {  	[bflag:$0x0] =	sbarrier.arrive $0xFFFF  }
0x407: {  	_ =	strace $0x90000047  }
0x408: {  	s0 =	sadd.s32 @!p0 $0x100000, s1;
	[bflag:$0x2] =	sbarrier.arrive $0xFFFF  }
0x409: {  	[sflag:s0] =	ssyncadd.tile.s32 @!p0 $0x1;
	_ =	shalt  }
.Lfunc_end2:
_tile_overlayer_lowered:
.L_overlay_start_2:
0x40a: {  	(tag) =	ssettag $0x2  }
0x40b: {  	s0 =	rddreg [dreg:$0x0];
	s2 =	stileid.u32  }
0x40c: {  	s1 =	rddreg [dreg:$0x1];
	p0 =	sne.s32 s2, $0x0  }
0x40d: {  	s3 =	rddreg [dreg:$0x2];
	[bflag:$0x3] =	sbarrier.arrive $0xFFFF;
	s2 =	simm.s32 @!p0 $0x1C03  }
0x40e: {  	[timem:s3], [sflag:s2] =	dma.local @!p0 [hbm:s0], s1  }
0x40f: {  	s0 =	simm.s32 @!p0 $0x3  }
0x410: {  	_ =	swait.ge @!p0 [sflag:s0], s1  }
0x411: {  	s1 =	ssub.s32 @!p0 $0x0, s1;
	[sflag:s0] =	ssyncset.done @!p0 $0x0  }
0x412: {  	[sflag:s0] =	ssyncadd.s32 @!p0 s1  }
0x413: {  	[bflag:$0x3] =	sbarrier.arrive $0xFFFF  }
0x414: {  	_ =	shalt  }

</sc_bundles>
